<compile_context>
chip_gen: v7x
topology: tpu7x:2x2x1
jax: 0.10.2.dev20260603
libtpu: 0.0.44.dev20260713+nightly
codegen_flags: <defaults>
</compile_context>

<pallas_src>
import functools

import numpy as np
import jax
import jax.numpy as jnp
from jax import lax
from jax.experimental import pallas as pl
from jax.experimental.pallas import tpu as pltpu
from jax.experimental.pallas import tpu_sc as plsc

R = 64
N = 8192
L = 16
CHUNK = N // L
U = 4
JB = CHUNK // U
NW = 32
ROWS_PER_W = R // NW
BINS = 256
INT_MIN = np.int32(-(2 ** 31))


def _sort_body(x_hbm, out_hbm, *scratch):
    dataf = scratch[0:2]
    keys = ((scratch[2], scratch[3]), (scratch[4], scratch[5]))
    hist = scratch[6:8]
    offs = (scratch[8:8 + U], scratch[8 + U:8 + 2 * U])
    sems = scratch[8 + 2 * U:8 + 2 * U + 2]

    wid = lax.axis_index("s") * 2 + lax.axis_index("c")
    lane = lax.iota(jnp.int32, L)
    ones = jnp.ones((L,), jnp.int32)
    zeros = jnp.zeros((L,), jnp.int32)
    zvec = jnp.zeros((L,), jnp.int32)
    fifteen = jnp.full((L,), 15, jnp.int32)
    lane9 = lane * CHUNK + lane
    rows = (wid * ROWS_PER_W, wid * ROWS_PER_W + 1)
    SU = [(r, u) for r in range(2) for u in range(U)]

    cin = [pltpu.async_copy(x_hbm.at[rows[r]], dataf[r], sems[r])
           for r in range(2)]

    def zero_body(i, c):
        for r in range(2):
            for u in range(U):
                hist[r][pl.ds((u * BINS + i) * L, L)] = zeros
        return c

    lax.fori_loop(0, BINS, zero_body, 0)
    for c in cin:
        c.wait()

    for p in range(4):
        shift = 8 * p

        def c_src(r):
            return (keys[r][1], keys[r][0], keys[r][1], keys[r][0])[p]

        def c_dst(r):
            return (keys[r][0], keys[r][1], keys[r][0], dataf[r])[p]

        def hmask(ks, sh):
            if sh >= 4:
                t = [lax.shift_right_logical(k, sh - 4) for k in ks]
            else:
                t = [lax.shift_left(k, 4) for k in ks]
            return [t_ & 0xFF0 for t_ in t]

        if p == 0:
            wb = (JB // L).bit_length() - 1

            def load_vs(i):
                i = jnp.minimum(i, CHUNK // U - 1)
                l_s = lax.shift_right_logical(i, wb)
                w_s = i & (JB // L - 1)
                bases = [l_s * CHUNK + u * JB + w_s * L for u in range(U)]
                return (tuple(dataf[r][pl.ds(bases[u], L)]
                              for (r, u) in SU), l_s, bases)

            def hist_body(i, carry):
                vs, l_s, bases = carry
                bs = [plsc.bitcast(v, jnp.int32) for v in vs]
                ms = [lax.shift_right_arithmetic(b, 31) for b in bs]
                ms = [m | INT_MIN for m in ms]
                ks = [b ^ m for b, m in zip(bs, ms)]
                for (r, u), k in zip(SU, ks):
                    keys[r][1][pl.ds(bases[u] + l_s, L)] = k
                hs = hmask(ks, 0)
                hidxs = [h | l_s for h in hs]
                for (r, u), h in zip(SU, hidxs):
                    plsc.addupdate_scatter(
                        hist[r], [h + np.int32(u * BINS * L)], ones)
                return load_vs(i + 1)

            lax.fori_loop(0, CHUNK // U, hist_body, load_vs(0))

        def scan_body(i, carry):
            vs = [[hist[r][pl.ds((u * BINS + i) * L, L)] for u in range(U)]
                  for r in range(2)]
            if p < 3:
                for r in range(2):
                    for u in range(U):
                        hist[r][pl.ds((u * BINS + i) * L, L)] = zeros
            def tree_sum(xs):
                while len(xs) > 1:
                    xs = [a + b for a, b in zip(xs[::2], xs[1::2])]
                return xs[0]

            ts = [tree_sum(list(v)) for v in vs]
            css = [plsc.cumsum(t) for t in ts]
            excls = [cs - t + cry for cs, t, cry in zip(css, ts, carry)]
            tops = [jnp.take(cs, fifteen) for cs in css]
            nxt = tuple(cry + top for cry, top in zip(carry, tops))
            for r in range(2):
                acc = excls[r]
                for u in range(U):
                    offs[r][u][pl.ds(i * L, L)] = acc
                    if u < U - 1:
                        acc = acc + vs[r][u]
            return nxt

        lax.fori_loop(0, BINS, scan_body, (zvec, zvec))

        def load_ks(j):
            idxs = [lane9 + (u * JB + j) for u in range(U)]
            ks = tuple(plsc.load_gather(c_src(r), [idxs[u]])
                       for (r, u) in SU)
            hidxs = tuple(h | lane for h in hmask(ks, shift))
            return ks, hidxs

        def scat_body(j, carry):
            ks, hidxs = carry
            poss = [plsc.load_gather(offs[r][u], [h])
                    for (r, u), h in zip(SU, hidxs)]
            if p == 3:
                ms = [lax.shift_right_arithmetic(k, 31) for k in ks]
                ms = [(~m) | INT_MIN for m in ms]
                outs = [plsc.bitcast(k ^ m, jnp.float32)
                        for k, m in zip(ks, ms)]
                st_poss = poss
                h2 = None
            else:
                outs = ks
                lps = [lax.shift_right_logical(pos, 9) for pos in poss]
                st_poss = [pos + lp for pos, lp in zip(poss, lps)]
                ub = int(U).bit_length() - 1
                ups = [lax.shift_left(pos, 3 + ub) & ((U - 1) << 12)
                       for pos in poss]
                dps = hmask(ks, shift + 8)
                h1 = [a | b for a, b in zip(ups, lps)]
                h2 = [a | b for a, b in zip(h1, dps)]
            for (r, u), pos, o in zip(SU, st_poss, outs):
                plsc.store_scatter(c_dst(r), [pos], o)
            for (r, u), h in zip(SU, hidxs):
                plsc.addupdate_scatter(offs[r][u], [h], ones)
            if h2 is not None:
                for (r, u), h in zip(SU, h2):
                    plsc.addupdate_scatter(hist[r], [h], ones)
            return load_ks(j + 1)

        lax.fori_loop(0, JB, scat_body, load_ks(0))

    cout = [pltpu.async_copy(dataf[r], out_hbm.at[rows[r]], sems[r])
            for r in range(2)]
    for c in cout:
        c.wait()


_sc_sort = functools.partial(
    pl.kernel,
    out_type=jax.ShapeDtypeStruct((R, N), jnp.float32),
    mesh=plsc.VectorSubcoreMesh(core_axis_name="c", subcore_axis_name="s"),
    compiler_params=pltpu.CompilerParams(needs_layout_passes=False),
    scratch_types=[
        pltpu.VMEM((N,), jnp.float32),
        pltpu.VMEM((N,), jnp.float32),
        pltpu.VMEM((N + L,), jnp.int32),
        pltpu.VMEM((N + L,), jnp.int32),
        pltpu.VMEM((N + L,), jnp.int32),
        pltpu.VMEM((N + L,), jnp.int32),
        pltpu.VMEM((U * BINS * L,), jnp.int32),
        pltpu.VMEM((U * BINS * L,), jnp.int32),
    ] + [pltpu.VMEM((BINS * L,), jnp.int32) for _ in range(2 * U)]
      + [pltpu.SemaphoreType.DMA, pltpu.SemaphoreType.DMA],
)(_sort_body)


@jax.jit
def kernel(x):
    return _sc_sort(x)

# --- scband reference (transcript-rebuilt; emitter-appended) ---
"""Pipeline reference for scband-sort-layer-28656021799228 (READ-ONLY COPY).

The authoritative reference and input builder live on the scoring server;
editing this copy changes nothing except your own understanding.
"""

import jax, jax.numpy as jnp
import numpy as np


def setup_inputs(seed: int = 0) -> dict:
    key = jax.random.key(seed)
    x = jax.random.normal(key, (64, 8192), dtype=jnp.float32)
    return {"x": x}


def reference(x):
    # torch: x.sort(dim=1)[0] -> sorted values along dim 1 (ascending)
    return jnp.sort(x, axis=1)

if __name__ == "__main__":
    import jax
    _d = setup_inputs()
    print(jax.jit(kernel)(*tuple(_d.values())))

</pallas_src>

<mosaic_0001>
#map = affine_map<(d0, d1) -> (0, 0)>
module attributes {stable_mosaic.version = 14 : i64} {
  func.func @_sort_body(%arg0: i32, %arg1: i32, %arg2: memref<64x8192xf32, #tpu.memory_space<hbm>>, %arg3: memref<64x8192xf32, #tpu.memory_space<hbm>>, %arg4: memref<8192xf32, #tpu.memory_space<vmem>>, %arg5: memref<8192xf32, #tpu.memory_space<vmem>>, %arg6: memref<8208xi32, #tpu.memory_space<vmem>>, %arg7: memref<8208xi32, #tpu.memory_space<vmem>>, %arg8: memref<8208xi32, #tpu.memory_space<vmem>>, %arg9: memref<8208xi32, #tpu.memory_space<vmem>>, %arg10: memref<16384xi32, #tpu.memory_space<vmem>>, %arg11: memref<16384xi32, #tpu.memory_space<vmem>>, %arg12: memref<4096xi32, #tpu.memory_space<vmem>>, %arg13: memref<4096xi32, #tpu.memory_space<vmem>>, %arg14: memref<4096xi32, #tpu.memory_space<vmem>>, %arg15: memref<4096xi32, #tpu.memory_space<vmem>>, %arg16: memref<4096xi32, #tpu.memory_space<vmem>>, %arg17: memref<4096xi32, #tpu.memory_space<vmem>>, %arg18: memref<4096xi32, #tpu.memory_space<vmem>>, %arg19: memref<4096xi32, #tpu.memory_space<vmem>>, %arg20: memref<!tpu.dma_semaphore, #tpu.memory_space<semaphore_mem>>, %arg21: memref<!tpu.dma_semaphore, #tpu.memory_space<semaphore_mem>>) attributes {dimension_semantics = [#tpu.dimension_semantics<core_parallel>, #tpu.dimension_semantics<subcore_parallel>], iteration_bounds = array<i64: 2, 16>, scalar_prefetch = 0 : i64, scratch_operands = 18 : i64, tpu.core_type = #tpu.core_type<sc_vector_subcore>, window_params = [{transform_indices = #map}, {transform_indices = #map}]} {
    %mul3A = arith.constant 2 : i32
    %mul3A_0 = arith.muli %arg1, %mul3A : i32
    %add3A = arith.addi %mul3A_0, %arg0 : i32
    %iota3A = tpu.iota {dimensions = array<i32: 0>} : vector<16xi32>
    %broadcast_in_dim3A = arith.constant 1 : i32
    %broadcast_in_dim3A_1 = vector.broadcast %broadcast_in_dim3A : i32 to vector<16xi32>
    %broadcast_in_dim3A_2 = arith.constant 0 : i32
    %broadcast_in_dim3A_3 = vector.broadcast %broadcast_in_dim3A_2 : i32 to vector<16xi32>
    %broadcast_in_dim3A_4 = arith.constant 0 : i32
    %broadcast_in_dim3A_5 = vector.broadcast %broadcast_in_dim3A_4 : i32 to vector<16xi32>
    %broadcast_in_dim3A_6 = arith.constant 15 : i32
    %broadcast_in_dim3A_7 = vector.broadcast %broadcast_in_dim3A_6 : i32 to vector<16xi32>
    %mul3A_8 = arith.constant 512 : i32
    %mul3A_9 = vector.broadcast %mul3A_8 : i32 to vector<16xi32>
    %mul3A_10 = arith.muli %iota3A, %mul3A_9 : vector<16xi32>
    %add3A_11 = arith.addi %mul3A_10, %iota3A : vector<16xi32>
    %mul3A_12 = arith.constant 2 : i32
    %mul3A_13 = arith.muli %add3A, %mul3A_12 : i32
    %mul3A_14 = arith.constant 2 : i32
    %mul3A_15 = arith.muli %add3A, %mul3A_14 : i32
    %add3A_16 = arith.constant 1 : i32
    %add3A_17 = arith.addi %mul3A_15, %add3A_16 : i32
    %dma_start3A = arith.constant 0 : i32
    %dma_start3A_18 = tpu.memref_slice %arg2[%mul3A_13, %dma_start3A] : memref<64x8192xf32, #tpu.memory_space<hbm>> -> memref<1x8192xf32, #tpu.memory_space<hbm>>
    %dma_start3A_19 = tpu.memref_squeeze %dma_start3A_18 : memref<1x8192xf32, #tpu.memory_space<hbm>> -> memref<8192xf32, #tpu.memory_space<hbm>>
    %dma_start3A_20 = arith.constant 0 : i32
    %dma_start3A_21 = tpu.memref_slice %arg2[%mul3A_13, %dma_start3A_20] : memref<64x8192xf32, #tpu.memory_space<hbm>> -> memref<1x8192xf32, #tpu.memory_space<hbm>>
    %dma_start3A_22 = tpu.memref_squeeze %dma_start3A_21 : memref<1x8192xf32, #tpu.memory_space<hbm>> -> memref<8192xf32, #tpu.memory_space<hbm>>
    tpu.enqueue_dma source(%dma_start3A_22 : memref<8192xf32, #tpu.memory_space<hbm>>) target(%arg4 : memref<8192xf32, #tpu.memory_space<vmem>>) target_semaphore(%arg20 : memref<!tpu.dma_semaphore, #tpu.memory_space<semaphore_mem>>)
    %dma_start3A_23 = arith.constant 0 : i32
    %dma_start3A_24 = tpu.memref_slice %arg2[%add3A_17, %dma_start3A_23] : memref<64x8192xf32, #tpu.memory_space<hbm>> -> memref<1x8192xf32, #tpu.memory_space<hbm>>
    %dma_start3A_25 = tpu.memref_squeeze %dma_start3A_24 : memref<1x8192xf32, #tpu.memory_space<hbm>> -> memref<8192xf32, #tpu.memory_space<hbm>>
    %dma_start3A_26 = arith.constant 0 : i32
    %dma_start3A_27 = tpu.memref_slice %arg2[%add3A_17, %dma_start3A_26] : memref<64x8192xf32, #tpu.memory_space<hbm>> -> memref<1x8192xf32, #tpu.memory_space<hbm>>
    %dma_start3A_28 = tpu.memref_squeeze %dma_start3A_27 : memref<1x8192xf32, #tpu.memory_space<hbm>> -> memref<8192xf32, #tpu.memory_space<hbm>>
    tpu.enqueue_dma source(%dma_start3A_28 : memref<8192xf32, #tpu.memory_space<hbm>>) target(%arg5 : memref<8192xf32, #tpu.memory_space<vmem>>) target_semaphore(%arg21 : memref<!tpu.dma_semaphore, #tpu.memory_space<semaphore_mem>>)
    %scan3A = arith.constant 0 : i32
    %scan3A_29 = arith.constant 0 : i32
    %scan3A_30 = arith.constant 256 : i32
    %scan3A_31 = arith.addi %scan3A_29, %scan3A_30 : i32
    %scan3A_32 = arith.constant 1 : i32
    scf.for %scan3A_471 = %scan3A_29 to %scan3A_31 step %scan3A_32  : i32 {
      %add3A_472 = arith.constant 0 : i32
      %add3A_473 = arith.addi %add3A_472, %scan3A_471 : i32
      %mul3A_474 = arith.constant 16 : i32
      %mul3A_475 = arith.muli %add3A_473, %mul3A_474 : i32
      %swap3A = arith.index_cast %mul3A_475 : i32 to index
      %swap3A_476 = tpu.vector_load %arg10[%swap3A] {strides = array<i32>} : memref<16384xi32, #tpu.memory_space<vmem>>, vector<16xi32>,
      tpu.vector_store %arg10[%swap3A], %broadcast_in_dim3A_3 {strides = array<i32>} : memref<16384xi32, #tpu.memory_space<vmem>>, vector<16xi32>,
      %add3A_477 = arith.constant 256 : i32
      %add3A_478 = arith.addi %add3A_477, %scan3A_471 : i32
      %mul3A_479 = arith.constant 16 : i32
      %mul3A_480 = arith.muli %add3A_478, %mul3A_479 : i32
      %swap3A_481 = arith.index_cast %mul3A_480 : i32 to index
      %swap3A_482 = tpu.vector_load %arg10[%swap3A_481] {strides = array<i32>} : memref<16384xi32, #tpu.memory_space<vmem>>, vector<16xi32>,
      tpu.vector_store %arg10[%swap3A_481], %broadcast_in_dim3A_3 {strides = array<i32>} : memref<16384xi32, #tpu.memory_space<vmem>>, vector<16xi32>,
      %add3A_483 = arith.constant 512 : i32
      %add3A_484 = arith.addi %add3A_483, %scan3A_471 : i32
      %mul3A_485 = arith.constant 16 : i32
      %mul3A_486 = arith.muli %add3A_484, %mul3A_485 : i32
      %swap3A_487 = arith.index_cast %mul3A_486 : i32 to index
      %swap3A_488 = tpu.vector_load %arg10[%swap3A_487] {strides = array<i32>} : memref<16384xi32, #tpu.memory_space<vmem>>, vector<16xi32>,
      tpu.vector_store %arg10[%swap3A_487], %broadcast_in_dim3A_3 {strides = array<i32>} : memref<16384xi32, #tpu.memory_space<vmem>>, vector<16xi32>,
      %add3A_489 = arith.constant 768 : i32
      %add3A_490 = arith.addi %add3A_489, %scan3A_471 : i32
      %mul3A_491 = arith.constant 16 : i32
      %mul3A_492 = arith.muli %add3A_490, %mul3A_491 : i32
      %swap3A_493 = arith.index_cast %mul3A_492 : i32 to index
      %swap3A_494 = tpu.vector_load %arg10[%swap3A_493] {strides = array<i32>} : memref<16384xi32, #tpu.memory_space<vmem>>, vector<16xi32>,
      tpu.vector_store %arg10[%swap3A_493], %broadcast_in_dim3A_3 {strides = array<i32>} : memref<16384xi32, #tpu.memory_space<vmem>>, vector<16xi32>,
      %add3A_495 = arith.constant 0 : i32
      %add3A_496 = arith.addi %add3A_495, %scan3A_471 : i32
      %mul3A_497 = arith.constant 16 : i32
      %mul3A_498 = arith.muli %add3A_496, %mul3A_497 : i32
      %swap3A_499 = arith.index_cast %mul3A_498 : i32 to index
      %swap3A_500 = tpu.vector_load %arg11[%swap3A_499] {strides = array<i32>} : memref<16384xi32, #tpu.memory_space<vmem>>, vector<16xi32>,
      tpu.vector_store %arg11[%swap3A_499], %broadcast_in_dim3A_3 {strides = array<i32>} : memref<16384xi32, #tpu.memory_space<vmem>>, vector<16xi32>,
      %add3A_501 = arith.constant 256 : i32
      %add3A_502 = arith.addi %add3A_501, %scan3A_471 : i32
      %mul3A_503 = arith.constant 16 : i32
      %mul3A_504 = arith.muli %add3A_502, %mul3A_503 : i32
      %swap3A_505 = arith.index_cast %mul3A_504 : i32 to index
      %swap3A_506 = tpu.vector_load %arg11[%swap3A_505] {strides = array<i32>} : memref<16384xi32, #tpu.memory_space<vmem>>, vector<16xi32>,
      tpu.vector_store %arg11[%swap3A_505], %broadcast_in_dim3A_3 {strides = array<i32>} : memref<16384xi32, #tpu.memory_space<vmem>>, vector<16xi32>,
      %add3A_507 = arith.constant 512 : i32
      %add3A_508 = arith.addi %add3A_507, %scan3A_471 : i32
      %mul3A_509 = arith.constant 16 : i32
      %mul3A_510 = arith.muli %add3A_508, %mul3A_509 : i32
      %swap3A_511 = arith.index_cast %mul3A_510 : i32 to index
      %swap3A_512 = tpu.vector_load %arg11[%swap3A_511] {strides = array<i32>} : memref<16384xi32, #tpu.memory_space<vmem>>, vector<16xi32>,
      tpu.vector_store %arg11[%swap3A_511], %broadcast_in_dim3A_3 {strides = array<i32>} : memref<16384xi32, #tpu.memory_space<vmem>>, vector<16xi32>,
      %add3A_513 = arith.constant 768 : i32
      %add3A_514 = arith.addi %add3A_513, %scan3A_471 : i32
      %mul3A_515 = arith.constant 16 : i32
      %mul3A_516 = arith.muli %add3A_514, %mul3A_515 : i32
      %swap3A_517 = arith.index_cast %mul3A_516 : i32 to index
      %swap3A_518 = tpu.vector_load %arg11[%swap3A_517] {strides = array<i32>} : memref<16384xi32, #tpu.memory_space<vmem>>, vector<16xi32>,
      tpu.vector_store %arg11[%swap3A_517], %broadcast_in_dim3A_3 {strides = array<i32>} : memref<16384xi32, #tpu.memory_space<vmem>>, vector<16xi32>,
    }
    %scan3A_33 = arith.constant 256 : i32
    %dma_wait3A = arith.constant 0 : i32
    %dma_wait3A_34 = tpu.memref_slice %arg2[%mul3A_13, %dma_wait3A] : memref<64x8192xf32, #tpu.memory_space<hbm>> -> memref<1x8192xf32, #tpu.memory_space<hbm>>
    %dma_wait3A_35 = tpu.memref_squeeze %dma_wait3A_34 : memref<1x8192xf32, #tpu.memory_space<hbm>> -> memref<8192xf32, #tpu.memory_space<hbm>>
    %dma_wait3A_36 = arith.constant 0 : i32
    %dma_wait3A_37 = tpu.memref_slice %arg2[%mul3A_13, %dma_wait3A_36] : memref<64x8192xf32, #tpu.memory_space<hbm>> -> memref<1x8192xf32, #tpu.memory_space<hbm>>
    %dma_wait3A_38 = tpu.memref_squeeze %dma_wait3A_37 : memref<1x8192xf32, #tpu.memory_space<hbm>> -> memref<8192xf32, #tpu.memory_space<hbm>>
    tpu.wait_dma2 semaphore(%arg20 : memref<!tpu.dma_semaphore, #tpu.memory_space<semaphore_mem>>) src(%dma_wait3A_38 : memref<8192xf32, #tpu.memory_space<hbm>>) dst(%arg4 : memref<8192xf32, #tpu.memory_space<vmem>>)
    %dma_wait3A_39 = arith.constant 0 : i32
    %dma_wait3A_40 = tpu.memref_slice %arg2[%add3A_17, %dma_wait3A_39] : memref<64x8192xf32, #tpu.memory_space<hbm>> -> memref<1x8192xf32, #tpu.memory_space<hbm>>
    %dma_wait3A_41 = tpu.memref_squeeze %dma_wait3A_40 : memref<1x8192xf32, #tpu.memory_space<hbm>> -> memref<8192xf32, #tpu.memory_space<hbm>>
    %dma_wait3A_42 = arith.constant 0 : i32
    %dma_wait3A_43 = tpu.memref_slice %arg2[%add3A_17, %dma_wait3A_42] : memref<64x8192xf32, #tpu.memory_space<hbm>> -> memref<1x8192xf32, #tpu.memory_space<hbm>>
    %dma_wait3A_44 = tpu.memref_squeeze %dma_wait3A_43 : memref<1x8192xf32, #tpu.memory_space<hbm>> -> memref<8192xf32, #tpu.memory_space<hbm>>
    tpu.wait_dma2 semaphore(%arg21 : memref<!tpu.dma_semaphore, #tpu.memory_space<semaphore_mem>>) src(%dma_wait3A_44 : memref<8192xf32, #tpu.memory_space<hbm>>) dst(%arg5 : memref<8192xf32, #tpu.memory_space<vmem>>)
    %min3A = arith.constant 0 : i32
    %min3A_45 = arith.constant 127 : i32
    %min3A_46 = arith.minsi %min3A, %min3A_45 : i32
    %shift_right_logical3A = arith.constant 3 : i32
    %shift_right_logical3A_47 = arith.shrui %min3A_46, %shift_right_logical3A : i32
    %and3A = arith.constant 7 : i32
    %and3A_48 = arith.andi %min3A_46, %and3A : i32
    %mul3A_49 = arith.constant 512 : i32
    %mul3A_50 = arith.muli %shift_right_logical3A_47, %mul3A_49 : i32
    %add3A_51 = arith.constant 0 : i32
    %add3A_52 = arith.addi %mul3A_50, %add3A_51 : i32
    %mul3A_53 = arith.constant 16 : i32
    %mul3A_54 = arith.muli %and3A_48, %mul3A_53 : i32
    %add3A_55 = arith.addi %add3A_52, %mul3A_54 : i32
    %mul3A_56 = arith.constant 512 : i32
    %mul3A_57 = arith.muli %shift_right_logical3A_47, %mul3A_56 : i32
    %add3A_58 = arith.constant 128 : i32
    %add3A_59 = arith.addi %mul3A_57, %add3A_58 : i32
    %mul3A_60 = arith.constant 16 : i32
    %mul3A_61 = arith.muli %and3A_48, %mul3A_60 : i32
    %add3A_62 = arith.addi %add3A_59, %mul3A_61 : i32
    %mul3A_63 = arith.constant 512 : i32
    %mul3A_64 = arith.muli %shift_right_logical3A_47, %mul3A_63 : i32
    %add3A_65 = arith.constant 256 : i32
    %add3A_66 = arith.addi %mul3A_64, %add3A_65 : i32
    %mul3A_67 = arith.constant 16 : i32
    %mul3A_68 = arith.muli %and3A_48, %mul3A_67 : i32
    %add3A_69 = arith.addi %add3A_66, %mul3A_68 : i32
    %mul3A_70 = arith.constant 512 : i32
    %mul3A_71 = arith.muli %shift_right_logical3A_47, %mul3A_70 : i32
    %add3A_72 = arith.constant 384 : i32
    %add3A_73 = arith.addi %mul3A_71, %add3A_72 : i32
    %mul3A_74 = arith.constant 16 : i32
    %mul3A_75 = arith.muli %and3A_48, %mul3A_74 : i32
    %add3A_76 = arith.addi %add3A_73, %mul3A_75 : i32
    %get3A = arith.index_cast %add3A_55 : i32 to index
    %get3A_77 = tpu.vector_load %arg4[%get3A] {strides = array<i32>} : memref<8192xf32, #tpu.memory_space<vmem>>, vector<16xf32>,
    %get3A_78 = arith.index_cast %add3A_62 : i32 to index
    %get3A_79 = tpu.vector_load %arg4[%get3A_78] {strides = array<i32>} : memref<8192xf32, #tpu.memory_space<vmem>>, vector<16xf32>,
    %get3A_80 = arith.index_cast %add3A_69 : i32 to index
    %get3A_81 = tpu.vector_load %arg4[%get3A_80] {strides = array<i32>} : memref<8192xf32, #tpu.memory_space<vmem>>, vector<16xf32>,
    %get3A_82 = arith.index_cast %add3A_76 : i32 to index
    %get3A_83 = tpu.vector_load %arg4[%get3A_82] {strides = array<i32>} : memref<8192xf32, #tpu.memory_space<vmem>>, vector<16xf32>,
    %get3A_84 = arith.index_cast %add3A_55 : i32 to index
    %get3A_85 = tpu.vector_load %arg5[%get3A_84] {strides = array<i32>} : memref<8192xf32, #tpu.memory_space<vmem>>, vector<16xf32>,
    %get3A_86 = arith.index_cast %add3A_62 : i32 to index
    %get3A_87 = tpu.vector_load %arg5[%get3A_86] {strides = array<i32>} : memref<8192xf32, #tpu.memory_space<vmem>>, vector<16xf32>,
    %get3A_88 = arith.index_cast %add3A_69 : i32 to index
    %get3A_89 = tpu.vector_load %arg5[%get3A_88] {strides = array<i32>} : memref<8192xf32, #tpu.memory_space<vmem>>, vector<16xf32>,
    %get3A_90 = arith.index_cast %add3A_76 : i32 to index
    %get3A_91 = tpu.vector_load %arg5[%get3A_90] {strides = array<i32>} : memref<8192xf32, #tpu.memory_space<vmem>>, vector<16xf32>,
    %scan3A_92 = arith.constant 0 : i32
    %scan3A_93 = arith.constant 128 : i32
    %scan3A_94 = arith.addi %scan3A_92, %scan3A_93 : i32
    %scan3A_95 = arith.constant 1 : i32
    %scan3A_96:13 = scf.for %scan3A_471 = %scan3A_92 to %scan3A_94 step %scan3A_95 iter_args(%scan3A_472 = %get3A_77, %scan3A_473 = %get3A_79, %scan3A_474 = %get3A_81, %scan3A_475 = %get3A_83, %scan3A_476 = %get3A_85, %scan3A_477 = %get3A_87, %scan3A_478 = %get3A_89, %scan3A_479 = %get3A_91, %scan3A_480 = %shift_right_logical3A_47, %scan3A_481 = %add3A_55, %scan3A_482 = %add3A_62, %scan3A_483 = %add3A_69, %scan3A_484 = %add3A_76) -> (vector<16xf32>, vector<16xf32>, vector<16xf32>, vector<16xf32>, vector<16xf32>, vector<16xf32>, vector<16xf32>, vector<16xf32>, i32, i32, i32, i32, i32)  : i32 {
      %bitcast3A = vector.bitcast %scan3A_472 : vector<16xf32> to vector<16xi32>
      %bitcast3A_485 = vector.bitcast %scan3A_473 : vector<16xf32> to vector<16xi32>
      %bitcast3A_486 = vector.bitcast %scan3A_474 : vector<16xf32> to vector<16xi32>
      %bitcast3A_487 = vector.bitcast %scan3A_475 : vector<16xf32> to vector<16xi32>
      %bitcast3A_488 = vector.bitcast %scan3A_476 : vector<16xf32> to vector<16xi32>
      %bitcast3A_489 = vector.bitcast %scan3A_477 : vector<16xf32> to vector<16xi32>
      %bitcast3A_490 = vector.bitcast %scan3A_478 : vector<16xf32> to vector<16xi32>
      %bitcast3A_491 = vector.bitcast %scan3A_479 : vector<16xf32> to vector<16xi32>
      %shift_right_arithmetic3A = arith.constant 31 : i32
      %shift_right_arithmetic3A_492 = vector.broadcast %shift_right_arithmetic3A : i32 to vector<16xi32>
      %shift_right_arithmetic3A_493 = arith.shrsi %bitcast3A, %shift_right_arithmetic3A_492 : vector<16xi32>
      %shift_right_arithmetic3A_494 = arith.constant 31 : i32
      %shift_right_arithmetic3A_495 = vector.broadcast %shift_right_arithmetic3A_494 : i32 to vector<16xi32>
      %shift_right_arithmetic3A_496 = arith.shrsi %bitcast3A_485, %shift_right_arithmetic3A_495 : vector<16xi32>
      %shift_right_arithmetic3A_497 = arith.constant 31 : i32
      %shift_right_arithmetic3A_498 = vector.broadcast %shift_right_arithmetic3A_497 : i32 to vector<16xi32>
      %shift_right_arithmetic3A_499 = arith.shrsi %bitcast3A_486, %shift_right_arithmetic3A_498 : vector<16xi32>
      %shift_right_arithmetic3A_500 = arith.constant 31 : i32
      %shift_right_arithmetic3A_501 = vector.broadcast %shift_right_arithmetic3A_500 : i32 to vector<16xi32>
      %shift_right_arithmetic3A_502 = arith.shrsi %bitcast3A_487, %shift_right_arithmetic3A_501 : vector<16xi32>
      %shift_right_arithmetic3A_503 = arith.constant 31 : i32
      %shift_right_arithmetic3A_504 = vector.broadcast %shift_right_arithmetic3A_503 : i32 to vector<16xi32>
      %shift_right_arithmetic3A_505 = arith.shrsi %bitcast3A_488, %shift_right_arithmetic3A_504 : vector<16xi32>
      %shift_right_arithmetic3A_506 = arith.constant 31 : i32
      %shift_right_arithmetic3A_507 = vector.broadcast %shift_right_arithmetic3A_506 : i32 to vector<16xi32>
      %shift_right_arithmetic3A_508 = arith.shrsi %bitcast3A_489, %shift_right_arithmetic3A_507 : vector<16xi32>
      %shift_right_arithmetic3A_509 = arith.constant 31 : i32
      %shift_right_arithmetic3A_510 = vector.broadcast %shift_right_arithmetic3A_509 : i32 to vector<16xi32>
      %shift_right_arithmetic3A_511 = arith.shrsi %bitcast3A_490, %shift_right_arithmetic3A_510 : vector<16xi32>
      %shift_right_arithmetic3A_512 = arith.constant 31 : i32
      %shift_right_arithmetic3A_513 = vector.broadcast %shift_right_arithmetic3A_512 : i32 to vector<16xi32>
      %shift_right_arithmetic3A_514 = arith.shrsi %bitcast3A_491, %shift_right_arithmetic3A_513 : vector<16xi32>
      %or3A_515 = arith.constant -2147483648 : i32
      %or3A_516 = vector.broadcast %or3A_515 : i32 to vector<16xi32>
      %or3A_517 = arith.ori %shift_right_arithmetic3A_493, %or3A_516 : vector<16xi32>
      %or3A_518 = arith.constant -2147483648 : i32
      %or3A_519 = vector.broadcast %or3A_518 : i32 to vector<16xi32>
      %or3A_520 = arith.ori %shift_right_arithmetic3A_496, %or3A_519 : vector<16xi32>
      %or3A_521 = arith.constant -2147483648 : i32
      %or3A_522 = vector.broadcast %or3A_521 : i32 to vector<16xi32>
      %or3A_523 = arith.ori %shift_right_arithmetic3A_499, %or3A_522 : vector<16xi32>
      %or3A_524 = arith.constant -2147483648 : i32
      %or3A_525 = vector.broadcast %or3A_524 : i32 to vector<16xi32>
      %or3A_526 = arith.ori %shift_right_arithmetic3A_502, %or3A_525 : vector<16xi32>
      %or3A_527 = arith.constant -2147483648 : i32
      %or3A_528 = vector.broadcast %or3A_527 : i32 to vector<16xi32>
      %or3A_529 = arith.ori %shift_right_arithmetic3A_505, %or3A_528 : vector<16xi32>
      %or3A_530 = arith.constant -2147483648 : i32
      %or3A_531 = vector.broadcast %or3A_530 : i32 to vector<16xi32>
      %or3A_532 = arith.ori %shift_right_arithmetic3A_508, %or3A_531 : vector<16xi32>
      %or3A_533 = arith.constant -2147483648 : i32
      %or3A_534 = vector.broadcast %or3A_533 : i32 to vector<16xi32>
      %or3A_535 = arith.ori %shift_right_arithmetic3A_511, %or3A_534 : vector<16xi32>
      %or3A_536 = arith.constant -2147483648 : i32
      %or3A_537 = vector.broadcast %or3A_536 : i32 to vector<16xi32>
      %or3A_538 = arith.ori %shift_right_arithmetic3A_514, %or3A_537 : vector<16xi32>
      %xor3A = arith.xori %bitcast3A, %or3A_517 : vector<16xi32>
      %xor3A_539 = arith.xori %bitcast3A_485, %or3A_520 : vector<16xi32>
      %xor3A_540 = arith.xori %bitcast3A_486, %or3A_523 : vector<16xi32>
      %xor3A_541 = arith.xori %bitcast3A_487, %or3A_526 : vector<16xi32>
      %xor3A_542 = arith.xori %bitcast3A_488, %or3A_529 : vector<16xi32>
      %xor3A_543 = arith.xori %bitcast3A_489, %or3A_532 : vector<16xi32>
      %xor3A_544 = arith.xori %bitcast3A_490, %or3A_535 : vector<16xi32>
      %xor3A_545 = arith.xori %bitcast3A_491, %or3A_538 : vector<16xi32>
      %add3A_546 = arith.addi %scan3A_481, %scan3A_480 : i32
      %swap3A = arith.index_cast %add3A_546 : i32 to index
      %swap3A_547 = tpu.vector_load %arg7[%swap3A] {strides = array<i32>} : memref<8208xi32, #tpu.memory_space<vmem>>, vector<16xi32>,
      tpu.vector_store %arg7[%swap3A], %xor3A {strides = array<i32>} : memref<8208xi32, #tpu.memory_space<vmem>>, vector<16xi32>,
      %add3A_548 = arith.addi %scan3A_482, %scan3A_480 : i32
      %swap3A_549 = arith.index_cast %add3A_548 : i32 to index
      %swap3A_550 = tpu.vector_load %arg7[%swap3A_549] {strides = array<i32>} : memref<8208xi32, #tpu.memory_space<vmem>>, vector<16xi32>,
      tpu.vector_store %arg7[%swap3A_549], %xor3A_539 {strides = array<i32>} : memref<8208xi32, #tpu.memory_space<vmem>>, vector<16xi32>,
      %add3A_551 = arith.addi %scan3A_483, %scan3A_480 : i32
      %swap3A_552 = arith.index_cast %add3A_551 : i32 to index
      %swap3A_553 = tpu.vector_load %arg7[%swap3A_552] {strides = array<i32>} : memref<8208xi32, #tpu.memory_space<vmem>>, vector<16xi32>,
      tpu.vector_store %arg7[%swap3A_552], %xor3A_540 {strides = array<i32>} : memref<8208xi32, #tpu.memory_space<vmem>>, vector<16xi32>,
      %add3A_554 = arith.addi %scan3A_484, %scan3A_480 : i32
      %swap3A_555 = arith.index_cast %add3A_554 : i32 to index
      %swap3A_556 = tpu.vector_load %arg7[%swap3A_555] {strides = array<i32>} : memref<8208xi32, #tpu.memory_space<vmem>>, vector<16xi32>,
      tpu.vector_store %arg7[%swap3A_555], %xor3A_541 {strides = array<i32>} : memref<8208xi32, #tpu.memory_space<vmem>>, vector<16xi32>,
      %add3A_557 = arith.addi %scan3A_481, %scan3A_480 : i32
      %swap3A_558 = arith.index_cast %add3A_557 : i32 to index
      %swap3A_559 = tpu.vector_load %arg9[%swap3A_558] {strides = array<i32>} : memref<8208xi32, #tpu.memory_space<vmem>>, vector<16xi32>,
      tpu.vector_store %arg9[%swap3A_558], %xor3A_542 {strides = array<i32>} : memref<8208xi32, #tpu.memory_space<vmem>>, vector<16xi32>,
      %add3A_560 = arith.addi %scan3A_482, %scan3A_480 : i32
      %swap3A_561 = arith.index_cast %add3A_560 : i32 to index
      %swap3A_562 = tpu.vector_load %arg9[%swap3A_561] {strides = array<i32>} : memref<8208xi32, #tpu.memory_space<vmem>>, vector<16xi32>,
      tpu.vector_store %arg9[%swap3A_561], %xor3A_543 {strides = array<i32>} : memref<8208xi32, #tpu.memory_space<vmem>>, vector<16xi32>,
      %add3A_563 = arith.addi %scan3A_483, %scan3A_480 : i32
      %swap3A_564 = arith.index_cast %add3A_563 : i32 to index
      %swap3A_565 = tpu.vector_load %arg9[%swap3A_564] {strides = array<i32>} : memref<8208xi32, #tpu.memory_space<vmem>>, vector<16xi32>,
      tpu.vector_store %arg9[%swap3A_564], %xor3A_544 {strides = array<i32>} : memref<8208xi32, #tpu.memory_space<vmem>>, vector<16xi32>,
      %add3A_566 = arith.addi %scan3A_484, %scan3A_480 : i32
      %swap3A_567 = arith.index_cast %add3A_566 : i32 to index
      %swap3A_568 = tpu.vector_load %arg9[%swap3A_567] {strides = array<i32>} : memref<8208xi32, #tpu.memory_space<vmem>>, vector<16xi32>,
      tpu.vector_store %arg9[%swap3A_567], %xor3A_545 {strides = array<i32>} : memref<8208xi32, #tpu.memory_space<vmem>>, vector<16xi32>,
      %shift_left3A_569 = arith.constant 4 : i32
      %shift_left3A_570 = vector.broadcast %shift_left3A_569 : i32 to vector<16xi32>
      %shift_left3A_571 = arith.shli %xor3A, %shift_left3A_570 : vector<16xi32>
      %shift_left3A_572 = arith.constant 4 : i32
      %shift_left3A_573 = vector.broadcast %shift_left3A_572 : i32 to vector<16xi32>
      %shift_left3A_574 = arith.shli %xor3A_539, %shift_left3A_573 : vector<16xi32>
      %shift_left3A_575 = arith.constant 4 : i32
      %shift_left3A_576 = vector.broadcast %shift_left3A_575 : i32 to vector<16xi32>
      %shift_left3A_577 = arith.shli %xor3A_540, %shift_left3A_576 : vector<16xi32>
      %shift_left3A_578 = arith.constant 4 : i32
      %shift_left3A_579 = vector.broadcast %shift_left3A_578 : i32 to vector<16xi32>
      %shift_left3A_580 = arith.shli %xor3A_541, %shift_left3A_579 : vector<16xi32>
      %shift_left3A_581 = arith.constant 4 : i32
      %shift_left3A_582 = vector.broadcast %shift_left3A_581 : i32 to vector<16xi32>
      %shift_left3A_583 = arith.shli %xor3A_542, %shift_left3A_582 : vector<16xi32>
      %shift_left3A_584 = arith.constant 4 : i32
      %shift_left3A_585 = vector.broadcast %shift_left3A_584 : i32 to vector<16xi32>
      %shift_left3A_586 = arith.shli %xor3A_543, %shift_left3A_585 : vector<16xi32>
      %shift_left3A_587 = arith.constant 4 : i32
      %shift_left3A_588 = vector.broadcast %shift_left3A_587 : i32 to vector<16xi32>
      %shift_left3A_589 = arith.shli %xor3A_544, %shift_left3A_588 : vector<16xi32>
      %shift_left3A_590 = arith.constant 4 : i32
      %shift_left3A_591 = vector.broadcast %shift_left3A_590 : i32 to vector<16xi32>
      %shift_left3A_592 = arith.shli %xor3A_545, %shift_left3A_591 : vector<16xi32>
      %and3A_593 = arith.constant 4080 : i32
      %and3A_594 = vector.broadcast %and3A_593 : i32 to vector<16xi32>
      %and3A_595 = arith.andi %shift_left3A_571, %and3A_594 : vector<16xi32>
      %and3A_596 = arith.constant 4080 : i32
      %and3A_597 = vector.broadcast %and3A_596 : i32 to vector<16xi32>
      %and3A_598 = arith.andi %shift_left3A_574, %and3A_597 : vector<16xi32>
      %and3A_599 = arith.constant 4080 : i32
      %and3A_600 = vector.broadcast %and3A_599 : i32 to vector<16xi32>
      %and3A_601 = arith.andi %shift_left3A_577, %and3A_600 : vector<16xi32>
      %and3A_602 = arith.constant 4080 : i32
      %and3A_603 = vector.broadcast %and3A_602 : i32 to vector<16xi32>
      %and3A_604 = arith.andi %shift_left3A_580, %and3A_603 : vector<16xi32>
      %and3A_605 = arith.constant 4080 : i32
      %and3A_606 = vector.broadcast %and3A_605 : i32 to vector<16xi32>
      %and3A_607 = arith.andi %shift_left3A_583, %and3A_606 : vector<16xi32>
      %and3A_608 = arith.constant 4080 : i32
      %and3A_609 = vector.broadcast %and3A_608 : i32 to vector<16xi32>
      %and3A_610 = arith.andi %shift_left3A_586, %and3A_609 : vector<16xi32>
      %and3A_611 = arith.constant 4080 : i32
      %and3A_612 = vector.broadcast %and3A_611 : i32 to vector<16xi32>
      %and3A_613 = arith.andi %shift_left3A_589, %and3A_612 : vector<16xi32>
      %and3A_614 = arith.constant 4080 : i32
      %and3A_615 = vector.broadcast %and3A_614 : i32 to vector<16xi32>
      %and3A_616 = arith.andi %shift_left3A_592, %and3A_615 : vector<16xi32>
      %or3A_617 = vector.broadcast %scan3A_480 : i32 to vector<16xi32>
      %or3A_618 = arith.ori %and3A_595, %or3A_617 : vector<16xi32>
      %or3A_619 = vector.broadcast %scan3A_480 : i32 to vector<16xi32>
      %or3A_620 = arith.ori %and3A_598, %or3A_619 : vector<16xi32>
      %or3A_621 = vector.broadcast %scan3A_480 : i32 to vector<16xi32>
      %or3A_622 = arith.ori %and3A_601, %or3A_621 : vector<16xi32>
      %or3A_623 = vector.broadcast %scan3A_480 : i32 to vector<16xi32>
      %or3A_624 = arith.ori %and3A_604, %or3A_623 : vector<16xi32>
      %or3A_625 = vector.broadcast %scan3A_480 : i32 to vector<16xi32>
      %or3A_626 = arith.ori %and3A_607, %or3A_625 : vector<16xi32>
      %or3A_627 = vector.broadcast %scan3A_480 : i32 to vector<16xi32>
      %or3A_628 = arith.ori %and3A_610, %or3A_627 : vector<16xi32>
      %or3A_629 = vector.broadcast %scan3A_480 : i32 to vector<16xi32>
      %or3A_630 = arith.ori %and3A_613, %or3A_629 : vector<16xi32>
      %or3A_631 = vector.broadcast %scan3A_480 : i32 to vector<16xi32>
      %or3A_632 = arith.ori %and3A_616, %or3A_631 : vector<16xi32>
      %add3A_633 = arith.constant 0 : i32
      %add3A_634 = vector.broadcast %add3A_633 : i32 to vector<16xi32>
      %add3A_635 = arith.addi %or3A_618, %add3A_634 : vector<16xi32>
      tpu.vector_store_idx %arg10[%add3A_635], %broadcast_in_dim3A_1 {add = true} : memref<16384xi32, #tpu.memory_space<vmem>>[vector<16xi32>], vector<16xi32>,
      %add3A_636 = arith.constant 4096 : i32
      %add3A_637 = vector.broadcast %add3A_636 : i32 to vector<16xi32>
      %add3A_638 = arith.addi %or3A_620, %add3A_637 : vector<16xi32>
      tpu.vector_store_idx %arg10[%add3A_638], %broadcast_in_dim3A_1 {add = true} : memref<16384xi32, #tpu.memory_space<vmem>>[vector<16xi32>], vector<16xi32>,
      %add3A_639 = arith.constant 8192 : i32
      %add3A_640 = vector.broadcast %add3A_639 : i32 to vector<16xi32>
      %add3A_641 = arith.addi %or3A_622, %add3A_640 : vector<16xi32>
      tpu.vector_store_idx %arg10[%add3A_641], %broadcast_in_dim3A_1 {add = true} : memref<16384xi32, #tpu.memory_space<vmem>>[vector<16xi32>], vector<16xi32>,
      %add3A_642 = arith.constant 12288 : i32
      %add3A_643 = vector.broadcast %add3A_642 : i32 to vector<16xi32>
      %add3A_644 = arith.addi %or3A_624, %add3A_643 : vector<16xi32>
      tpu.vector_store_idx %arg10[%add3A_644], %broadcast_in_dim3A_1 {add = true} : memref<16384xi32, #tpu.memory_space<vmem>>[vector<16xi32>], vector<16xi32>,
      %add3A_645 = arith.constant 0 : i32
      %add3A_646 = vector.broadcast %add3A_645 : i32 to vector<16xi32>
      %add3A_647 = arith.addi %or3A_626, %add3A_646 : vector<16xi32>
      tpu.vector_store_idx %arg11[%add3A_647], %broadcast_in_dim3A_1 {add = true} : memref<16384xi32, #tpu.memory_space<vmem>>[vector<16xi32>], vector<16xi32>,
      %add3A_648 = arith.constant 4096 : i32
      %add3A_649 = vector.broadcast %add3A_648 : i32 to vector<16xi32>
      %add3A_650 = arith.addi %or3A_628, %add3A_649 : vector<16xi32>
      tpu.vector_store_idx %arg11[%add3A_650], %broadcast_in_dim3A_1 {add = true} : memref<16384xi32, #tpu.memory_space<vmem>>[vector<16xi32>], vector<16xi32>,
      %add3A_651 = arith.constant 8192 : i32
      %add3A_652 = vector.broadcast %add3A_651 : i32 to vector<16xi32>
      %add3A_653 = arith.addi %or3A_630, %add3A_652 : vector<16xi32>
      tpu.vector_store_idx %arg11[%add3A_653], %broadcast_in_dim3A_1 {add = true} : memref<16384xi32, #tpu.memory_space<vmem>>[vector<16xi32>], vector<16xi32>,
      %add3A_654 = arith.constant 12288 : i32
      %add3A_655 = vector.broadcast %add3A_654 : i32 to vector<16xi32>
      %add3A_656 = arith.addi %or3A_632, %add3A_655 : vector<16xi32>
      tpu.vector_store_idx %arg11[%add3A_656], %broadcast_in_dim3A_1 {add = true} : memref<16384xi32, #tpu.memory_space<vmem>>[vector<16xi32>], vector<16xi32>,
      %add3A_657 = arith.constant 1 : i32
      %add3A_658 = arith.addi %scan3A_471, %add3A_657 : i32
      %min3A_659 = arith.constant 127 : i32
      %min3A_660 = arith.minsi %add3A_658, %min3A_659 : i32
      %shift_right_logical3A_661 = arith.constant 3 : i32
      %shift_right_logical3A_662 = arith.shrui %min3A_660, %shift_right_logical3A_661 : i32
      %and3A_663 = arith.constant 7 : i32
      %and3A_664 = arith.andi %min3A_660, %and3A_663 : i32
      %mul3A_665 = arith.constant 512 : i32
      %mul3A_666 = arith.muli %shift_right_logical3A_662, %mul3A_665 : i32
      %add3A_667 = arith.constant 0 : i32
      %add3A_668 = arith.addi %mul3A_666, %add3A_667 : i32
      %mul3A_669 = arith.constant 16 : i32
      %mul3A_670 = arith.muli %and3A_664, %mul3A_669 : i32
      %add3A_671 = arith.addi %add3A_668, %mul3A_670 : i32
      %mul3A_672 = arith.constant 512 : i32
      %mul3A_673 = arith.muli %shift_right_logical3A_662, %mul3A_672 : i32
      %add3A_674 = arith.constant 128 : i32
      %add3A_675 = arith.addi %mul3A_673, %add3A_674 : i32
      %mul3A_676 = arith.constant 16 : i32
      %mul3A_677 = arith.muli %and3A_664, %mul3A_676 : i32
      %add3A_678 = arith.addi %add3A_675, %mul3A_677 : i32
      %mul3A_679 = arith.constant 512 : i32
      %mul3A_680 = arith.muli %shift_right_logical3A_662, %mul3A_679 : i32
      %add3A_681 = arith.constant 256 : i32
      %add3A_682 = arith.addi %mul3A_680, %add3A_681 : i32
      %mul3A_683 = arith.constant 16 : i32
      %mul3A_684 = arith.muli %and3A_664, %mul3A_683 : i32
      %add3A_685 = arith.addi %add3A_682, %mul3A_684 : i32
      %mul3A_686 = arith.constant 512 : i32
      %mul3A_687 = arith.muli %shift_right_logical3A_662, %mul3A_686 : i32
      %add3A_688 = arith.constant 384 : i32
      %add3A_689 = arith.addi %mul3A_687, %add3A_688 : i32
      %mul3A_690 = arith.constant 16 : i32
      %mul3A_691 = arith.muli %and3A_664, %mul3A_690 : i32
      %add3A_692 = arith.addi %add3A_689, %mul3A_691 : i32
      %get3A_693 = arith.index_cast %add3A_671 : i32 to index
      %get3A_694 = tpu.vector_load %arg4[%get3A_693] {strides = array<i32>} : memref<8192xf32, #tpu.memory_space<vmem>>, vector<16xf32>,
      %get3A_695 = arith.index_cast %add3A_678 : i32 to index
      %get3A_696 = tpu.vector_load %arg4[%get3A_695] {strides = array<i32>} : memref<8192xf32, #tpu.memory_space<vmem>>, vector<16xf32>,
      %get3A_697 = arith.index_cast %add3A_685 : i32 to index
      %get3A_698 = tpu.vector_load %arg4[%get3A_697] {strides = array<i32>} : memref<8192xf32, #tpu.memory_space<vmem>>, vector<16xf32>,
      %get3A_699 = arith.index_cast %add3A_692 : i32 to index
      %get3A_700 = tpu.vector_load %arg4[%get3A_699] {strides = array<i32>} : memref<8192xf32, #tpu.memory_space<vmem>>, vector<16xf32>,
      %get3A_701 = arith.index_cast %add3A_671 : i32 to index
      %get3A_702 = tpu.vector_load %arg5[%get3A_701] {strides = array<i32>} : memref<8192xf32, #tpu.memory_space<vmem>>, vector<16xf32>,
      %get3A_703 = arith.index_cast %add3A_678 : i32 to index
      %get3A_704 = tpu.vector_load %arg5[%get3A_703] {strides = array<i32>} : memref<8192xf32, #tpu.memory_space<vmem>>, vector<16xf32>,
      %get3A_705 = arith.index_cast %add3A_685 : i32 to index
      %get3A_706 = tpu.vector_load %arg5[%get3A_705] {strides = array<i32>} : memref<8192xf32, #tpu.memory_space<vmem>>, vector<16xf32>,
      %get3A_707 = arith.index_cast %add3A_692 : i32 to index
      %get3A_708 = tpu.vector_load %arg5[%get3A_707] {strides = array<i32>} : memref<8192xf32, #tpu.memory_space<vmem>>, vector<16xf32>,
      scf.yield %get3A_694, %get3A_696, %get3A_698, %get3A_700, %get3A_702, %get3A_704, %get3A_706, %get3A_708, %shift_right_logical3A_662, %add3A_671, %add3A_678, %add3A_685, %add3A_692 : vector<16xf32>, vector<16xf32>, vector<16xf32>, vector<16xf32>, vector<16xf32>, vector<16xf32>, vector<16xf32>, vector<16xf32>, i32, i32, i32, i32, i32
    }
    %scan3A_97 = arith.constant 128 : i32
    %scan3A_98 = arith.constant 0 : i32
    %scan3A_99 = arith.constant 256 : i32
    %scan3A_100 = arith.addi %scan3A_98, %scan3A_99 : i32
    %scan3A_101 = arith.constant 1 : i32
    %scan3A_102:2 = scf.for %scan3A_471 = %scan3A_98 to %scan3A_100 step %scan3A_101 iter_args(%scan3A_472 = %broadcast_in_dim3A_5, %scan3A_473 = %broadcast_in_dim3A_5) -> (vector<16xi32>, vector<16xi32>)  : i32 {
      %add3A_474 = arith.constant 0 : i32
      %add3A_475 = arith.addi %add3A_474, %scan3A_471 : i32
      %mul3A_476 = arith.constant 16 : i32
      %mul3A_477 = arith.muli %add3A_475, %mul3A_476 : i32
      %get3A_478 = arith.index_cast %mul3A_477 : i32 to index
      %get3A_479 = tpu.vector_load %arg10[%get3A_478] {strides = array<i32>} : memref<16384xi32, #tpu.memory_space<vmem>>, vector<16xi32>,
      %add3A_480 = arith.constant 256 : i32
      %add3A_481 = arith.addi %add3A_480, %scan3A_471 : i32
      %mul3A_482 = arith.constant 16 : i32
      %mul3A_483 = arith.muli %add3A_481, %mul3A_482 : i32
      %get3A_484 = arith.index_cast %mul3A_483 : i32 to index
      %get3A_485 = tpu.vector_load %arg10[%get3A_484] {strides = array<i32>} : memref<16384xi32, #tpu.memory_space<vmem>>, vector<16xi32>,
      %add3A_486 = arith.constant 512 : i32
      %add3A_487 = arith.addi %add3A_486, %scan3A_471 : i32
      %mul3A_488 = arith.constant 16 : i32
      %mul3A_489 = arith.muli %add3A_487, %mul3A_488 : i32
      %get3A_490 = arith.index_cast %mul3A_489 : i32 to index
      %get3A_491 = tpu.vector_load %arg10[%get3A_490] {strides = array<i32>} : memref<16384xi32, #tpu.memory_space<vmem>>, vector<16xi32>,
      %add3A_492 = arith.constant 768 : i32
      %add3A_493 = arith.addi %add3A_492, %scan3A_471 : i32
      %mul3A_494 = arith.constant 16 : i32
      %mul3A_495 = arith.muli %add3A_493, %mul3A_494 : i32
      %get3A_496 = arith.index_cast %mul3A_495 : i32 to index
      %get3A_497 = tpu.vector_load %arg10[%get3A_496] {strides = array<i32>} : memref<16384xi32, #tpu.memory_space<vmem>>, vector<16xi32>,
      %add3A_498 = arith.constant 0 : i32
      %add3A_499 = arith.addi %add3A_498, %scan3A_471 : i32
      %mul3A_500 = arith.constant 16 : i32
      %mul3A_501 = arith.muli %add3A_499, %mul3A_500 : i32
      %get3A_502 = arith.index_cast %mul3A_501 : i32 to index
      %get3A_503 = tpu.vector_load %arg11[%get3A_502] {strides = array<i32>} : memref<16384xi32, #tpu.memory_space<vmem>>, vector<16xi32>,
      %add3A_504 = arith.constant 256 : i32
      %add3A_505 = arith.addi %add3A_504, %scan3A_471 : i32
      %mul3A_506 = arith.constant 16 : i32
      %mul3A_507 = arith.muli %add3A_505, %mul3A_506 : i32
      %get3A_508 = arith.index_cast %mul3A_507 : i32 to index
      %get3A_509 = tpu.vector_load %arg11[%get3A_508] {strides = array<i32>} : memref<16384xi32, #tpu.memory_space<vmem>>, vector<16xi32>,
      %add3A_510 = arith.constant 512 : i32
      %add3A_511 = arith.addi %add3A_510, %scan3A_471 : i32
      %mul3A_512 = arith.constant 16 : i32
      %mul3A_513 = arith.muli %add3A_511, %mul3A_512 : i32
      %get3A_514 = arith.index_cast %mul3A_513 : i32 to index
      %get3A_515 = tpu.vector_load %arg11[%get3A_514] {strides = array<i32>} : memref<16384xi32, #tpu.memory_space<vmem>>, vector<16xi32>,
      %add3A_516 = arith.constant 768 : i32
      %add3A_517 = arith.addi %add3A_516, %scan3A_471 : i32
      %mul3A_518 = arith.constant 16 : i32
      %mul3A_519 = arith.muli %add3A_517, %mul3A_518 : i32
      %get3A_520 = arith.index_cast %mul3A_519 : i32 to index
      %get3A_521 = tpu.vector_load %arg11[%get3A_520] {strides = array<i32>} : memref<16384xi32, #tpu.memory_space<vmem>>, vector<16xi32>,
      %add3A_522 = arith.constant 0 : i32
      %add3A_523 = arith.addi %add3A_522, %scan3A_471 : i32
      %mul3A_524 = arith.constant 16 : i32
      %mul3A_525 = arith.muli %add3A_523, %mul3A_524 : i32
      %swap3A = arith.index_cast %mul3A_525 : i32 to index
      %swap3A_526 = tpu.vector_load %arg10[%swap3A] {strides = array<i32>} : memref<16384xi32, #tpu.memory_space<vmem>>, vector<16xi32>,
      tpu.vector_store %arg10[%swap3A], %broadcast_in_dim3A_3 {strides = array<i32>} : memref<16384xi32, #tpu.memory_space<vmem>>, vector<16xi32>,
      %add3A_527 = arith.constant 256 : i32
      %add3A_528 = arith.addi %add3A_527, %scan3A_471 : i32
      %mul3A_529 = arith.constant 16 : i32
      %mul3A_530 = arith.muli %add3A_528, %mul3A_529 : i32
      %swap3A_531 = arith.index_cast %mul3A_530 : i32 to index
      %swap3A_532 = tpu.vector_load %arg10[%swap3A_531] {strides = array<i32>} : memref<16384xi32, #tpu.memory_space<vmem>>, vector<16xi32>,
      tpu.vector_store %arg10[%swap3A_531], %broadcast_in_dim3A_3 {strides = array<i32>} : memref<16384xi32, #tpu.memory_space<vmem>>, vector<16xi32>,
      %add3A_533 = arith.constant 512 : i32
      %add3A_534 = arith.addi %add3A_533, %scan3A_471 : i32
      %mul3A_535 = arith.constant 16 : i32
      %mul3A_536 = arith.muli %add3A_534, %mul3A_535 : i32
      %swap3A_537 = arith.index_cast %mul3A_536 : i32 to index
      %swap3A_538 = tpu.vector_load %arg10[%swap3A_537] {strides = array<i32>} : memref<16384xi32, #tpu.memory_space<vmem>>, vector<16xi32>,
      tpu.vector_store %arg10[%swap3A_537], %broadcast_in_dim3A_3 {strides = array<i32>} : memref<16384xi32, #tpu.memory_space<vmem>>, vector<16xi32>,
      %add3A_539 = arith.constant 768 : i32
      %add3A_540 = arith.addi %add3A_539, %scan3A_471 : i32
      %mul3A_541 = arith.constant 16 : i32
      %mul3A_542 = arith.muli %add3A_540, %mul3A_541 : i32
      %swap3A_543 = arith.index_cast %mul3A_542 : i32 to index
      %swap3A_544 = tpu.vector_load %arg10[%swap3A_543] {strides = array<i32>} : memref<16384xi32, #tpu.memory_space<vmem>>, vector<16xi32>,
      tpu.vector_store %arg10[%swap3A_543], %broadcast_in_dim3A_3 {strides = array<i32>} : memref<16384xi32, #tpu.memory_space<vmem>>, vector<16xi32>,
      %add3A_545 = arith.constant 0 : i32
      %add3A_546 = arith.addi %add3A_545, %scan3A_471 : i32
      %mul3A_547 = arith.constant 16 : i32
      %mul3A_548 = arith.muli %add3A_546, %mul3A_547 : i32
      %swap3A_549 = arith.index_cast %mul3A_548 : i32 to index
      %swap3A_550 = tpu.vector_load %arg11[%swap3A_549] {strides = array<i32>} : memref<16384xi32, #tpu.memory_space<vmem>>, vector<16xi32>,
      tpu.vector_store %arg11[%swap3A_549], %broadcast_in_dim3A_3 {strides = array<i32>} : memref<16384xi32, #tpu.memory_space<vmem>>, vector<16xi32>,
      %add3A_551 = arith.constant 256 : i32
      %add3A_552 = arith.addi %add3A_551, %scan3A_471 : i32
      %mul3A_553 = arith.constant 16 : i32
      %mul3A_554 = arith.muli %add3A_552, %mul3A_553 : i32
      %swap3A_555 = arith.index_cast %mul3A_554 : i32 to index
      %swap3A_556 = tpu.vector_load %arg11[%swap3A_555] {strides = array<i32>} : memref<16384xi32, #tpu.memory_space<vmem>>, vector<16xi32>,
      tpu.vector_store %arg11[%swap3A_555], %broadcast_in_dim3A_3 {strides = array<i32>} : memref<16384xi32, #tpu.memory_space<vmem>>, vector<16xi32>,
      %add3A_557 = arith.constant 512 : i32
      %add3A_558 = arith.addi %add3A_557, %scan3A_471 : i32
      %mul3A_559 = arith.constant 16 : i32
      %mul3A_560 = arith.muli %add3A_558, %mul3A_559 : i32
      %swap3A_561 = arith.index_cast %mul3A_560 : i32 to index
      %swap3A_562 = tpu.vector_load %arg11[%swap3A_561] {strides = array<i32>} : memref<16384xi32, #tpu.memory_space<vmem>>, vector<16xi32>,
      tpu.vector_store %arg11[%swap3A_561], %broadcast_in_dim3A_3 {strides = array<i32>} : memref<16384xi32, #tpu.memory_space<vmem>>, vector<16xi32>,
      %add3A_563 = arith.constant 768 : i32
      %add3A_564 = arith.addi %add3A_563, %scan3A_471 : i32
      %mul3A_565 = arith.constant 16 : i32
      %mul3A_566 = arith.muli %add3A_564, %mul3A_565 : i32
      %swap3A_567 = arith.index_cast %mul3A_566 : i32 to index
      %swap3A_568 = tpu.vector_load %arg11[%swap3A_567] {strides = array<i32>} : memref<16384xi32, #tpu.memory_space<vmem>>, vector<16xi32>,
      tpu.vector_store %arg11[%swap3A_567], %broadcast_in_dim3A_3 {strides = array<i32>} : memref<16384xi32, #tpu.memory_space<vmem>>, vector<16xi32>,
      %add3A_569 = arith.addi %get3A_479, %get3A_485 : vector<16xi32>
      %add3A_570 = arith.addi %get3A_491, %get3A_497 : vector<16xi32>
      %add3A_571 = arith.addi %add3A_569, %add3A_570 : vector<16xi32>
      %add3A_572 = arith.addi %get3A_503, %get3A_509 : vector<16xi32>
      %add3A_573 = arith.addi %get3A_515, %get3A_521 : vector<16xi32>
      %add3A_574 = arith.addi %add3A_572, %add3A_573 : vector<16xi32>
      %broadcast_in_dim3A_575 = arith.constant true
      %broadcast_in_dim3A_576 = vector.broadcast %broadcast_in_dim3A_575 : i1 to vector<16xi1>
      %masked_cumsum3A = tpu.scan <sum>, %add3A_571 masked %broadcast_in_dim3A_576 : vector<16xi32>, vector<16xi1> -> vector<16xi32>
      %broadcast_in_dim3A_577 = arith.constant true
      %broadcast_in_dim3A_578 = vector.broadcast %broadcast_in_dim3A_577 : i1 to vector<16xi1>
      %masked_cumsum3A_579 = tpu.scan <sum>, %add3A_574 masked %broadcast_in_dim3A_578 : vector<16xi32>, vector<16xi1> -> vector<16xi32>
      %sub3A = arith.subi %masked_cumsum3A, %add3A_571 : vector<16xi32>
      %add3A_580 = arith.addi %sub3A, %scan3A_472 : vector<16xi32>
      %sub3A_581 = arith.subi %masked_cumsum3A_579, %add3A_574 : vector<16xi32>
      %add3A_582 = arith.addi %sub3A_581, %scan3A_473 : vector<16xi32>
      %lt3A = arith.constant 0 : i32
      %lt3A_583 = vector.broadcast %lt3A : i32 to vector<16xi32>
      %lt3A_584 = arith.cmpi slt, %broadcast_in_dim3A_7, %lt3A_583 : vector<16xi32>
      %add3A_585 = arith.constant 16 : i32
      %add3A_586 = vector.broadcast %add3A_585 : i32 to vector<16xi32>
      %add3A_587 = arith.addi %broadcast_in_dim3A_7, %add3A_586 : vector<16xi32>
      %select_n3A = arith.select %lt3A_584, %add3A_587, %broadcast_in_dim3A_7 : vector<16xi1>, vector<16xi32>
      %broadcast_in_dim3A_588 = vector.shape_cast %select_n3A : vector<16xi32> to vector<16x1xi32>
      %gather3A_589 = vector.shape_cast %broadcast_in_dim3A_588 : vector<16x1xi32> to vector<16xi32>
      %gather3A_590 = tpu.dynamic_gather %masked_cumsum3A[%gather3A_589] in [0] : vector<16xi32>, vector<16xi32> -> vector<16xi32>
      %lt3A_591 = arith.constant 0 : i32
      %lt3A_592 = vector.broadcast %lt3A_591 : i32 to vector<16xi32>
      %lt3A_593 = arith.cmpi slt, %broadcast_in_dim3A_7, %lt3A_592 : vector<16xi32>
      %add3A_594 = arith.constant 16 : i32
      %add3A_595 = vector.broadcast %add3A_594 : i32 to vector<16xi32>
      %add3A_596 = arith.addi %broadcast_in_dim3A_7, %add3A_595 : vector<16xi32>
      %select_n3A_597 = arith.select %lt3A_593, %add3A_596, %broadcast_in_dim3A_7 : vector<16xi1>, vector<16xi32>
      %broadcast_in_dim3A_598 = vector.shape_cast %select_n3A_597 : vector<16xi32> to vector<16x1xi32>
      %gather3A_599 = vector.shape_cast %broadcast_in_dim3A_598 : vector<16x1xi32> to vector<16xi32>
      %gather3A_600 = tpu.dynamic_gather %masked_cumsum3A_579[%gather3A_599] in [0] : vector<16xi32>, vector<16xi32> -> vector<16xi32>
      %add3A_601 = arith.addi %scan3A_472, %gather3A_590 : vector<16xi32>
      %add3A_602 = arith.addi %scan3A_473, %gather3A_600 : vector<16xi32>
      %mul3A_603 = arith.constant 16 : i32
      %mul3A_604 = arith.muli %scan3A_471, %mul3A_603 : i32
      %swap3A_605 = arith.index_cast %mul3A_604 : i32 to index
      %swap3A_606 = tpu.vector_load %arg12[%swap3A_605] {strides = array<i32>} : memref<4096xi32, #tpu.memory_space<vmem>>, vector<16xi32>,
      tpu.vector_store %arg12[%swap3A_605], %add3A_580 {strides = array<i32>} : memref<4096xi32, #tpu.memory_space<vmem>>, vector<16xi32>,
      %add3A_607 = arith.addi %add3A_580, %get3A_479 : vector<16xi32>
      %mul3A_608 = arith.constant 16 : i32
      %mul3A_609 = arith.muli %scan3A_471, %mul3A_608 : i32
      %swap3A_610 = arith.index_cast %mul3A_609 : i32 to index
      %swap3A_611 = tpu.vector_load %arg13[%swap3A_610] {strides = array<i32>} : memref<4096xi32, #tpu.memory_space<vmem>>, vector<16xi32>,
      tpu.vector_store %arg13[%swap3A_610], %add3A_607 {strides = array<i32>} : memref<4096xi32, #tpu.memory_space<vmem>>, vector<16xi32>,
      %add3A_612 = arith.addi %add3A_607, %get3A_485 : vector<16xi32>
      %mul3A_613 = arith.constant 16 : i32
      %mul3A_614 = arith.muli %scan3A_471, %mul3A_613 : i32
      %swap3A_615 = arith.index_cast %mul3A_614 : i32 to index
      %swap3A_616 = tpu.vector_load %arg14[%swap3A_615] {strides = array<i32>} : memref<4096xi32, #tpu.memory_space<vmem>>, vector<16xi32>,
      tpu.vector_store %arg14[%swap3A_615], %add3A_612 {strides = array<i32>} : memref<4096xi32, #tpu.memory_space<vmem>>, vector<16xi32>,
      %add3A_617 = arith.addi %add3A_612, %get3A_491 : vector<16xi32>
      %mul3A_618 = arith.constant 16 : i32
      %mul3A_619 = arith.muli %scan3A_471, %mul3A_618 : i32
      %swap3A_620 = arith.index_cast %mul3A_619 : i32 to index
      %swap3A_621 = tpu.vector_load %arg15[%swap3A_620] {strides = array<i32>} : memref<4096xi32, #tpu.memory_space<vmem>>, vector<16xi32>,
      tpu.vector_store %arg15[%swap3A_620], %add3A_617 {strides = array<i32>} : memref<4096xi32, #tpu.memory_space<vmem>>, vector<16xi32>,
      %mul3A_622 = arith.constant 16 : i32
      %mul3A_623 = arith.muli %scan3A_471, %mul3A_622 : i32
      %swap3A_624 = arith.index_cast %mul3A_623 : i32 to index
      %swap3A_625 = tpu.vector_load %arg16[%swap3A_624] {strides = array<i32>} : memref<4096xi32, #tpu.memory_space<vmem>>, vector<16xi32>,
      tpu.vector_store %arg16[%swap3A_624], %add3A_582 {strides = array<i32>} : memref<4096xi32, #tpu.memory_space<vmem>>, vector<16xi32>,
      %add3A_626 = arith.addi %add3A_582, %get3A_503 : vector<16xi32>
      %mul3A_627 = arith.constant 16 : i32
      %mul3A_628 = arith.muli %scan3A_471, %mul3A_627 : i32
      %swap3A_629 = arith.index_cast %mul3A_628 : i32 to index
      %swap3A_630 = tpu.vector_load %arg17[%swap3A_629] {strides = array<i32>} : memref<4096xi32, #tpu.memory_space<vmem>>, vector<16xi32>,
      tpu.vector_store %arg17[%swap3A_629], %add3A_626 {strides = array<i32>} : memref<4096xi32, #tpu.memory_space<vmem>>, vector<16xi32>,
      %add3A_631 = arith.addi %add3A_626, %get3A_509 : vector<16xi32>
      %mul3A_632 = arith.constant 16 : i32
      %mul3A_633 = arith.muli %scan3A_471, %mul3A_632 : i32
      %swap3A_634 = arith.index_cast %mul3A_633 : i32 to index
      %swap3A_635 = tpu.vector_load %arg18[%swap3A_634] {strides = array<i32>} : memref<4096xi32, #tpu.memory_space<vmem>>, vector<16xi32>,
      tpu.vector_store %arg18[%swap3A_634], %add3A_631 {strides = array<i32>} : memref<4096xi32, #tpu.memory_space<vmem>>, vector<16xi32>,
      %add3A_636 = arith.addi %add3A_631, %get3A_515 : vector<16xi32>
      %mul3A_637 = arith.constant 16 : i32
      %mul3A_638 = arith.muli %scan3A_471, %mul3A_637 : i32
      %swap3A_639 = arith.index_cast %mul3A_638 : i32 to index
      %swap3A_640 = tpu.vector_load %arg19[%swap3A_639] {strides = array<i32>} : memref<4096xi32, #tpu.memory_space<vmem>>, vector<16xi32>,
      tpu.vector_store %arg19[%swap3A_639], %add3A_636 {strides = array<i32>} : memref<4096xi32, #tpu.memory_space<vmem>>, vector<16xi32>,
      scf.yield %add3A_601, %add3A_602 : vector<16xi32>, vector<16xi32>
    }
    %scan3A_103 = arith.constant 256 : i32
    %add3A_104 = arith.constant 0 : i32
    %add3A_105 = vector.broadcast %add3A_104 : i32 to vector<16xi32>
    %add3A_106 = arith.addi %add3A_11, %add3A_105 : vector<16xi32>
    %add3A_107 = arith.constant 128 : i32
    %add3A_108 = vector.broadcast %add3A_107 : i32 to vector<16xi32>
    %add3A_109 = arith.addi %add3A_11, %add3A_108 : vector<16xi32>
    %add3A_110 = arith.constant 256 : i32
    %add3A_111 = vector.broadcast %add3A_110 : i32 to vector<16xi32>
    %add3A_112 = arith.addi %add3A_11, %add3A_111 : vector<16xi32>
    %add3A_113 = arith.constant 384 : i32
    %add3A_114 = vector.broadcast %add3A_113 : i32 to vector<16xi32>
    %add3A_115 = arith.addi %add3A_11, %add3A_114 : vector<16xi32>
    %gather3A = tpu.vector_load_idx %arg7[%add3A_106] : memref<8208xi32, #tpu.memory_space<vmem>>[vector<16xi32>], vector<16xi32>,
    %gather3A_116 = tpu.vector_load_idx %arg7[%add3A_109] : memref<8208xi32, #tpu.memory_space<vmem>>[vector<16xi32>], vector<16xi32>,
    %gather3A_117 = tpu.vector_load_idx %arg7[%add3A_112] : memref<8208xi32, #tpu.memory_space<vmem>>[vector<16xi32>], vector<16xi32>,
    %gather3A_118 = tpu.vector_load_idx %arg7[%add3A_115] : memref<8208xi32, #tpu.memory_space<vmem>>[vector<16xi32>], vector<16xi32>,
    %gather3A_119 = tpu.vector_load_idx %arg9[%add3A_106] : memref<8208xi32, #tpu.memory_space<vmem>>[vector<16xi32>], vector<16xi32>,
    %gather3A_120 = tpu.vector_load_idx %arg9[%add3A_109] : memref<8208xi32, #tpu.memory_space<vmem>>[vector<16xi32>], vector<16xi32>,
    %gather3A_121 = tpu.vector_load_idx %arg9[%add3A_112] : memref<8208xi32, #tpu.memory_space<vmem>>[vector<16xi32>], vector<16xi32>,
    %gather3A_122 = tpu.vector_load_idx %arg9[%add3A_115] : memref<8208xi32, #tpu.memory_space<vmem>>[vector<16xi32>], vector<16xi32>,
    %shift_left3A = arith.constant 4 : i32
    %shift_left3A_123 = vector.broadcast %shift_left3A : i32 to vector<16xi32>
    %shift_left3A_124 = arith.shli %gather3A, %shift_left3A_123 : vector<16xi32>
    %shift_left3A_125 = arith.constant 4 : i32
    %shift_left3A_126 = vector.broadcast %shift_left3A_125 : i32 to vector<16xi32>
    %shift_left3A_127 = arith.shli %gather3A_116, %shift_left3A_126 : vector<16xi32>
    %shift_left3A_128 = arith.constant 4 : i32
    %shift_left3A_129 = vector.broadcast %shift_left3A_128 : i32 to vector<16xi32>
    %shift_left3A_130 = arith.shli %gather3A_117, %shift_left3A_129 : vector<16xi32>
    %shift_left3A_131 = arith.constant 4 : i32
    %shift_left3A_132 = vector.broadcast %shift_left3A_131 : i32 to vector<16xi32>
    %shift_left3A_133 = arith.shli %gather3A_118, %shift_left3A_132 : vector<16xi32>
    %shift_left3A_134 = arith.constant 4 : i32
    %shift_left3A_135 = vector.broadcast %shift_left3A_134 : i32 to vector<16xi32>
    %shift_left3A_136 = arith.shli %gather3A_119, %shift_left3A_135 : vector<16xi32>
    %shift_left3A_137 = arith.constant 4 : i32
    %shift_left3A_138 = vector.broadcast %shift_left3A_137 : i32 to vector<16xi32>
    %shift_left3A_139 = arith.shli %gather3A_120, %shift_left3A_138 : vector<16xi32>
    %shift_left3A_140 = arith.constant 4 : i32
    %shift_left3A_141 = vector.broadcast %shift_left3A_140 : i32 to vector<16xi32>
    %shift_left3A_142 = arith.shli %gather3A_121, %shift_left3A_141 : vector<16xi32>
    %shift_left3A_143 = arith.constant 4 : i32
    %shift_left3A_144 = vector.broadcast %shift_left3A_143 : i32 to vector<16xi32>
    %shift_left3A_145 = arith.shli %gather3A_122, %shift_left3A_144 : vector<16xi32>
    %and3A_146 = arith.constant 4080 : i32
    %and3A_147 = vector.broadcast %and3A_146 : i32 to vector<16xi32>
    %and3A_148 = arith.andi %shift_left3A_124, %and3A_147 : vector<16xi32>
    %and3A_149 = arith.constant 4080 : i32
    %and3A_150 = vector.broadcast %and3A_149 : i32 to vector<16xi32>
    %and3A_151 = arith.andi %shift_left3A_127, %and3A_150 : vector<16xi32>
    %and3A_152 = arith.constant 4080 : i32
    %and3A_153 = vector.broadcast %and3A_152 : i32 to vector<16xi32>
    %and3A_154 = arith.andi %shift_left3A_130, %and3A_153 : vector<16xi32>
    %and3A_155 = arith.constant 4080 : i32
    %and3A_156 = vector.broadcast %and3A_155 : i32 to vector<16xi32>
    %and3A_157 = arith.andi %shift_left3A_133, %and3A_156 : vector<16xi32>
    %and3A_158 = arith.constant 4080 : i32
    %and3A_159 = vector.broadcast %and3A_158 : i32 to vector<16xi32>
    %and3A_160 = arith.andi %shift_left3A_136, %and3A_159 : vector<16xi32>
    %and3A_161 = arith.constant 4080 : i32
    %and3A_162 = vector.broadcast %and3A_161 : i32 to vector<16xi32>
    %and3A_163 = arith.andi %shift_left3A_139, %and3A_162 : vector<16xi32>
    %and3A_164 = arith.constant 4080 : i32
    %and3A_165 = vector.broadcast %and3A_164 : i32 to vector<16xi32>
    %and3A_166 = arith.andi %shift_left3A_142, %and3A_165 : vector<16xi32>
    %and3A_167 = arith.constant 4080 : i32
    %and3A_168 = vector.broadcast %and3A_167 : i32 to vector<16xi32>
    %and3A_169 = arith.andi %shift_left3A_145, %and3A_168 : vector<16xi32>
    %or3A = arith.ori %and3A_148, %iota3A : vector<16xi32>
    %or3A_170 = arith.ori %and3A_151, %iota3A : vector<16xi32>
    %or3A_171 = arith.ori %and3A_154, %iota3A : vector<16xi32>
    %or3A_172 = arith.ori %and3A_157, %iota3A : vector<16xi32>
    %or3A_173 = arith.ori %and3A_160, %iota3A : vector<16xi32>
    %or3A_174 = arith.ori %and3A_163, %iota3A : vector<16xi32>
    %or3A_175 = arith.ori %and3A_166, %iota3A : vector<16xi32>
    %or3A_176 = arith.ori %and3A_169, %iota3A : vector<16xi32>
    %scan3A_177 = arith.constant 0 : i32
    %scan3A_178 = arith.constant 128 : i32
    %scan3A_179 = arith.addi %scan3A_177, %scan3A_178 : i32
    %scan3A_180 = arith.constant 1 : i32
    %scan3A_181:16 = scf.for %scan3A_471 = %scan3A_177 to %scan3A_179 step %scan3A_180 iter_args(%scan3A_472 = %gather3A, %scan3A_473 = %gather3A_116, %scan3A_474 = %gather3A_117, %scan3A_475 = %gather3A_118, %scan3A_476 = %gather3A_119, %scan3A_477 = %gather3A_120, %scan3A_478 = %gather3A_121, %scan3A_479 = %gather3A_122, %scan3A_480 = %or3A, %scan3A_481 = %or3A_170, %scan3A_482 = %or3A_171, %scan3A_483 = %or3A_172, %scan3A_484 = %or3A_173, %scan3A_485 = %or3A_174, %scan3A_486 = %or3A_175, %scan3A_487 = %or3A_176) -> (vector<16xi32>, vector<16xi32>, vector<16xi32>, vector<16xi32>, vector<16xi32>, vector<16xi32>, vector<16xi32>, vector<16xi32>, vector<16xi32>, vector<16xi32>, vector<16xi32>, vector<16xi32>, vector<16xi32>, vector<16xi32>, vector<16xi32>, vector<16xi32>)  : i32 {
      %gather3A_488 = tpu.vector_load_idx %arg12[%scan3A_480] : memref<4096xi32, #tpu.memory_space<vmem>>[vector<16xi32>], vector<16xi32>,
      %gather3A_489 = tpu.vector_load_idx %arg13[%scan3A_481] : memref<4096xi32, #tpu.memory_space<vmem>>[vector<16xi32>], vector<16xi32>,
      %gather3A_490 = tpu.vector_load_idx %arg14[%scan3A_482] : memref<4096xi32, #tpu.memory_space<vmem>>[vector<16xi32>], vector<16xi32>,
      %gather3A_491 = tpu.vector_load_idx %arg15[%scan3A_483] : memref<4096xi32, #tpu.memory_space<vmem>>[vector<16xi32>], vector<16xi32>,
      %gather3A_492 = tpu.vector_load_idx %arg16[%scan3A_484] : memref<4096xi32, #tpu.memory_space<vmem>>[vector<16xi32>], vector<16xi32>,
      %gather3A_493 = tpu.vector_load_idx %arg17[%scan3A_485] : memref<4096xi32, #tpu.memory_space<vmem>>[vector<16xi32>], vector<16xi32>,
      %gather3A_494 = tpu.vector_load_idx %arg18[%scan3A_486] : memref<4096xi32, #tpu.memory_space<vmem>>[vector<16xi32>], vector<16xi32>,
      %gather3A_495 = tpu.vector_load_idx %arg19[%scan3A_487] : memref<4096xi32, #tpu.memory_space<vmem>>[vector<16xi32>], vector<16xi32>,
      %shift_right_logical3A_496 = arith.constant 9 : i32
      %shift_right_logical3A_497 = vector.broadcast %shift_right_logical3A_496 : i32 to vector<16xi32>
      %shift_right_logical3A_498 = arith.shrui %gather3A_488, %shift_right_logical3A_497 : vector<16xi32>
      %shift_right_logical3A_499 = arith.constant 9 : i32
      %shift_right_logical3A_500 = vector.broadcast %shift_right_logical3A_499 : i32 to vector<16xi32>
      %shift_right_logical3A_501 = arith.shrui %gather3A_489, %shift_right_logical3A_500 : vector<16xi32>
      %shift_right_logical3A_502 = arith.constant 9 : i32
      %shift_right_logical3A_503 = vector.broadcast %shift_right_logical3A_502 : i32 to vector<16xi32>
      %shift_right_logical3A_504 = arith.shrui %gather3A_490, %shift_right_logical3A_503 : vector<16xi32>
      %shift_right_logical3A_505 = arith.constant 9 : i32
      %shift_right_logical3A_506 = vector.broadcast %shift_right_logical3A_505 : i32 to vector<16xi32>
      %shift_right_logical3A_507 = arith.shrui %gather3A_491, %shift_right_logical3A_506 : vector<16xi32>
      %shift_right_logical3A_508 = arith.constant 9 : i32
      %shift_right_logical3A_509 = vector.broadcast %shift_right_logical3A_508 : i32 to vector<16xi32>
      %shift_right_logical3A_510 = arith.shrui %gather3A_492, %shift_right_logical3A_509 : vector<16xi32>
      %shift_right_logical3A_511 = arith.constant 9 : i32
      %shift_right_logical3A_512 = vector.broadcast %shift_right_logical3A_511 : i32 to vector<16xi32>
      %shift_right_logical3A_513 = arith.shrui %gather3A_493, %shift_right_logical3A_512 : vector<16xi32>
      %shift_right_logical3A_514 = arith.constant 9 : i32
      %shift_right_logical3A_515 = vector.broadcast %shift_right_logical3A_514 : i32 to vector<16xi32>
      %shift_right_logical3A_516 = arith.shrui %gather3A_494, %shift_right_logical3A_515 : vector<16xi32>
      %shift_right_logical3A_517 = arith.constant 9 : i32
      %shift_right_logical3A_518 = vector.broadcast %shift_right_logical3A_517 : i32 to vector<16xi32>
      %shift_right_logical3A_519 = arith.shrui %gather3A_495, %shift_right_logical3A_518 : vector<16xi32>
      %add3A_520 = arith.addi %gather3A_488, %shift_right_logical3A_498 : vector<16xi32>
      %add3A_521 = arith.addi %gather3A_489, %shift_right_logical3A_501 : vector<16xi32>
      %add3A_522 = arith.addi %gather3A_490, %shift_right_logical3A_504 : vector<16xi32>
      %add3A_523 = arith.addi %gather3A_491, %shift_right_logical3A_507 : vector<16xi32>
      %add3A_524 = arith.addi %gather3A_492, %shift_right_logical3A_510 : vector<16xi32>
      %add3A_525 = arith.addi %gather3A_493, %shift_right_logical3A_513 : vector<16xi32>
      %add3A_526 = arith.addi %gather3A_494, %shift_right_logical3A_516 : vector<16xi32>
      %add3A_527 = arith.addi %gather3A_495, %shift_right_logical3A_519 : vector<16xi32>
      %shift_left3A_528 = arith.constant 5 : i32
      %shift_left3A_529 = vector.broadcast %shift_left3A_528 : i32 to vector<16xi32>
      %shift_left3A_530 = arith.shli %gather3A_488, %shift_left3A_529 : vector<16xi32>
      %and3A_531 = arith.constant 12288 : i32
      %and3A_532 = vector.broadcast %and3A_531 : i32 to vector<16xi32>
      %and3A_533 = arith.andi %shift_left3A_530, %and3A_532 : vector<16xi32>
      %shift_left3A_534 = arith.constant 5 : i32
      %shift_left3A_535 = vector.broadcast %shift_left3A_534 : i32 to vector<16xi32>
      %shift_left3A_536 = arith.shli %gather3A_489, %shift_left3A_535 : vector<16xi32>
      %and3A_537 = arith.constant 12288 : i32
      %and3A_538 = vector.broadcast %and3A_537 : i32 to vector<16xi32>
      %and3A_539 = arith.andi %shift_left3A_536, %and3A_538 : vector<16xi32>
      %shift_left3A_540 = arith.constant 5 : i32
      %shift_left3A_541 = vector.broadcast %shift_left3A_540 : i32 to vector<16xi32>
      %shift_left3A_542 = arith.shli %gather3A_490, %shift_left3A_541 : vector<16xi32>
      %and3A_543 = arith.constant 12288 : i32
      %and3A_544 = vector.broadcast %and3A_543 : i32 to vector<16xi32>
      %and3A_545 = arith.andi %shift_left3A_542, %and3A_544 : vector<16xi32>
      %shift_left3A_546 = arith.constant 5 : i32
      %shift_left3A_547 = vector.broadcast %shift_left3A_546 : i32 to vector<16xi32>
      %shift_left3A_548 = arith.shli %gather3A_491, %shift_left3A_547 : vector<16xi32>
      %and3A_549 = arith.constant 12288 : i32
      %and3A_550 = vector.broadcast %and3A_549 : i32 to vector<16xi32>
      %and3A_551 = arith.andi %shift_left3A_548, %and3A_550 : vector<16xi32>
      %shift_left3A_552 = arith.constant 5 : i32
      %shift_left3A_553 = vector.broadcast %shift_left3A_552 : i32 to vector<16xi32>
      %shift_left3A_554 = arith.shli %gather3A_492, %shift_left3A_553 : vector<16xi32>
      %and3A_555 = arith.constant 12288 : i32
      %and3A_556 = vector.broadcast %and3A_555 : i32 to vector<16xi32>
      %and3A_557 = arith.andi %shift_left3A_554, %and3A_556 : vector<16xi32>
      %shift_left3A_558 = arith.constant 5 : i32
      %shift_left3A_559 = vector.broadcast %shift_left3A_558 : i32 to vector<16xi32>
      %shift_left3A_560 = arith.shli %gather3A_493, %shift_left3A_559 : vector<16xi32>
      %and3A_561 = arith.constant 12288 : i32
      %and3A_562 = vector.broadcast %and3A_561 : i32 to vector<16xi32>
      %and3A_563 = arith.andi %shift_left3A_560, %and3A_562 : vector<16xi32>
      %shift_left3A_564 = arith.constant 5 : i32
      %shift_left3A_565 = vector.broadcast %shift_left3A_564 : i32 to vector<16xi32>
      %shift_left3A_566 = arith.shli %gather3A_494, %shift_left3A_565 : vector<16xi32>
      %and3A_567 = arith.constant 12288 : i32
      %and3A_568 = vector.broadcast %and3A_567 : i32 to vector<16xi32>
      %and3A_569 = arith.andi %shift_left3A_566, %and3A_568 : vector<16xi32>
      %shift_left3A_570 = arith.constant 5 : i32
      %shift_left3A_571 = vector.broadcast %shift_left3A_570 : i32 to vector<16xi32>
      %shift_left3A_572 = arith.shli %gather3A_495, %shift_left3A_571 : vector<16xi32>
      %and3A_573 = arith.constant 12288 : i32
      %and3A_574 = vector.broadcast %and3A_573 : i32 to vector<16xi32>
      %and3A_575 = arith.andi %shift_left3A_572, %and3A_574 : vector<16xi32>
      %shift_right_logical3A_576 = arith.constant 4 : i32
      %shift_right_logical3A_577 = vector.broadcast %shift_right_logical3A_576 : i32 to vector<16xi32>
      %shift_right_logical3A_578 = arith.shrui %scan3A_472, %shift_right_logical3A_577 : vector<16xi32>
      %shift_right_logical3A_579 = arith.constant 4 : i32
      %shift_right_logical3A_580 = vector.broadcast %shift_right_logical3A_579 : i32 to vector<16xi32>
      %shift_right_logical3A_581 = arith.shrui %scan3A_473, %shift_right_logical3A_580 : vector<16xi32>
      %shift_right_logical3A_582 = arith.constant 4 : i32
      %shift_right_logical3A_583 = vector.broadcast %shift_right_logical3A_582 : i32 to vector<16xi32>
      %shift_right_logical3A_584 = arith.shrui %scan3A_474, %shift_right_logical3A_583 : vector<16xi32>
      %shift_right_logical3A_585 = arith.constant 4 : i32
      %shift_right_logical3A_586 = vector.broadcast %shift_right_logical3A_585 : i32 to vector<16xi32>
      %shift_right_logical3A_587 = arith.shrui %scan3A_475, %shift_right_logical3A_586 : vector<16xi32>
      %shift_right_logical3A_588 = arith.constant 4 : i32
      %shift_right_logical3A_589 = vector.broadcast %shift_right_logical3A_588 : i32 to vector<16xi32>
      %shift_right_logical3A_590 = arith.shrui %scan3A_476, %shift_right_logical3A_589 : vector<16xi32>
      %shift_right_logical3A_591 = arith.constant 4 : i32
      %shift_right_logical3A_592 = vector.broadcast %shift_right_logical3A_591 : i32 to vector<16xi32>
      %shift_right_logical3A_593 = arith.shrui %scan3A_477, %shift_right_logical3A_592 : vector<16xi32>
      %shift_right_logical3A_594 = arith.constant 4 : i32
      %shift_right_logical3A_595 = vector.broadcast %shift_right_logical3A_594 : i32 to vector<16xi32>
      %shift_right_logical3A_596 = arith.shrui %scan3A_478, %shift_right_logical3A_595 : vector<16xi32>
      %shift_right_logical3A_597 = arith.constant 4 : i32
      %shift_right_logical3A_598 = vector.broadcast %shift_right_logical3A_597 : i32 to vector<16xi32>
      %shift_right_logical3A_599 = arith.shrui %scan3A_479, %shift_right_logical3A_598 : vector<16xi32>
      %and3A_600 = arith.constant 4080 : i32
      %and3A_601 = vector.broadcast %and3A_600 : i32 to vector<16xi32>
      %and3A_602 = arith.andi %shift_right_logical3A_578, %and3A_601 : vector<16xi32>
      %and3A_603 = arith.constant 4080 : i32
      %and3A_604 = vector.broadcast %and3A_603 : i32 to vector<16xi32>
      %and3A_605 = arith.andi %shift_right_logical3A_581, %and3A_604 : vector<16xi32>
      %and3A_606 = arith.constant 4080 : i32
      %and3A_607 = vector.broadcast %and3A_606 : i32 to vector<16xi32>
      %and3A_608 = arith.andi %shift_right_logical3A_584, %and3A_607 : vector<16xi32>
      %and3A_609 = arith.constant 4080 : i32
      %and3A_610 = vector.broadcast %and3A_609 : i32 to vector<16xi32>
      %and3A_611 = arith.andi %shift_right_logical3A_587, %and3A_610 : vector<16xi32>
      %and3A_612 = arith.constant 4080 : i32
      %and3A_613 = vector.broadcast %and3A_612 : i32 to vector<16xi32>
      %and3A_614 = arith.andi %shift_right_logical3A_590, %and3A_613 : vector<16xi32>
      %and3A_615 = arith.constant 4080 : i32
      %and3A_616 = vector.broadcast %and3A_615 : i32 to vector<16xi32>
      %and3A_617 = arith.andi %shift_right_logical3A_593, %and3A_616 : vector<16xi32>
      %and3A_618 = arith.constant 4080 : i32
      %and3A_619 = vector.broadcast %and3A_618 : i32 to vector<16xi32>
      %and3A_620 = arith.andi %shift_right_logical3A_596, %and3A_619 : vector<16xi32>
      %and3A_621 = arith.constant 4080 : i32
      %and3A_622 = vector.broadcast %and3A_621 : i32 to vector<16xi32>
      %and3A_623 = arith.andi %shift_right_logical3A_599, %and3A_622 : vector<16xi32>
      %or3A_624 = arith.ori %and3A_533, %shift_right_logical3A_498 : vector<16xi32>
      %or3A_625 = arith.ori %and3A_539, %shift_right_logical3A_501 : vector<16xi32>
      %or3A_626 = arith.ori %and3A_545, %shift_right_logical3A_504 : vector<16xi32>
      %or3A_627 = arith.ori %and3A_551, %shift_right_logical3A_507 : vector<16xi32>
      %or3A_628 = arith.ori %and3A_557, %shift_right_logical3A_510 : vector<16xi32>
      %or3A_629 = arith.ori %and3A_563, %shift_right_logical3A_513 : vector<16xi32>
      %or3A_630 = arith.ori %and3A_569, %shift_right_logical3A_516 : vector<16xi32>
      %or3A_631 = arith.ori %and3A_575, %shift_right_logical3A_519 : vector<16xi32>
      %or3A_632 = arith.ori %or3A_624, %and3A_602 : vector<16xi32>
      %or3A_633 = arith.ori %or3A_625, %and3A_605 : vector<16xi32>
      %or3A_634 = arith.ori %or3A_626, %and3A_608 : vector<16xi32>
      %or3A_635 = arith.ori %or3A_627, %and3A_611 : vector<16xi32>
      %or3A_636 = arith.ori %or3A_628, %and3A_614 : vector<16xi32>
      %or3A_637 = arith.ori %or3A_629, %and3A_617 : vector<16xi32>
      %or3A_638 = arith.ori %or3A_630, %and3A_620 : vector<16xi32>
      %or3A_639 = arith.ori %or3A_631, %and3A_623 : vector<16xi32>
      tpu.vector_store_idx %arg6[%add3A_520], %scan3A_472 : memref<8208xi32, #tpu.memory_space<vmem>>[vector<16xi32>], vector<16xi32>,
      tpu.vector_store_idx %arg6[%add3A_521], %scan3A_473 : memref<8208xi32, #tpu.memory_space<vmem>>[vector<16xi32>], vector<16xi32>,
      tpu.vector_store_idx %arg6[%add3A_522], %scan3A_474 : memref<8208xi32, #tpu.memory_space<vmem>>[vector<16xi32>], vector<16xi32>,
      tpu.vector_store_idx %arg6[%add3A_523], %scan3A_475 : memref<8208xi32, #tpu.memory_space<vmem>>[vector<16xi32>], vector<16xi32>,
      tpu.vector_store_idx %arg8[%add3A_524], %scan3A_476 : memref<8208xi32, #tpu.memory_space<vmem>>[vector<16xi32>], vector<16xi32>,
      tpu.vector_store_idx %arg8[%add3A_525], %scan3A_477 : memref<8208xi32, #tpu.memory_space<vmem>>[vector<16xi32>], vector<16xi32>,
      tpu.vector_store_idx %arg8[%add3A_526], %scan3A_478 : memref<8208xi32, #tpu.memory_space<vmem>>[vector<16xi32>], vector<16xi32>,
      tpu.vector_store_idx %arg8[%add3A_527], %scan3A_479 : memref<8208xi32, #tpu.memory_space<vmem>>[vector<16xi32>], vector<16xi32>,
      tpu.vector_store_idx %arg12[%scan3A_480], %broadcast_in_dim3A_1 {add = true} : memref<4096xi32, #tpu.memory_space<vmem>>[vector<16xi32>], vector<16xi32>,
      tpu.vector_store_idx %arg13[%scan3A_481], %broadcast_in_dim3A_1 {add = true} : memref<4096xi32, #tpu.memory_space<vmem>>[vector<16xi32>], vector<16xi32>,
      tpu.vector_store_idx %arg14[%scan3A_482], %broadcast_in_dim3A_1 {add = true} : memref<4096xi32, #tpu.memory_space<vmem>>[vector<16xi32>], vector<16xi32>,
      tpu.vector_store_idx %arg15[%scan3A_483], %broadcast_in_dim3A_1 {add = true} : memref<4096xi32, #tpu.memory_space<vmem>>[vector<16xi32>], vector<16xi32>,
      tpu.vector_store_idx %arg16[%scan3A_484], %broadcast_in_dim3A_1 {add = true} : memref<4096xi32, #tpu.memory_space<vmem>>[vector<16xi32>], vector<16xi32>,
      tpu.vector_store_idx %arg17[%scan3A_485], %broadcast_in_dim3A_1 {add = true} : memref<4096xi32, #tpu.memory_space<vmem>>[vector<16xi32>], vector<16xi32>,
      tpu.vector_store_idx %arg18[%scan3A_486], %broadcast_in_dim3A_1 {add = true} : memref<4096xi32, #tpu.memory_space<vmem>>[vector<16xi32>], vector<16xi32>,
      tpu.vector_store_idx %arg19[%scan3A_487], %broadcast_in_dim3A_1 {add = true} : memref<4096xi32, #tpu.memory_space<vmem>>[vector<16xi32>], vector<16xi32>,
      tpu.vector_store_idx %arg10[%or3A_632], %broadcast_in_dim3A_1 {add = true} : memref<16384xi32, #tpu.memory_space<vmem>>[vector<16xi32>], vector<16xi32>,
      tpu.vector_store_idx %arg10[%or3A_633], %broadcast_in_dim3A_1 {add = true} : memref<16384xi32, #tpu.memory_space<vmem>>[vector<16xi32>], vector<16xi32>,
      tpu.vector_store_idx %arg10[%or3A_634], %broadcast_in_dim3A_1 {add = true} : memref<16384xi32, #tpu.memory_space<vmem>>[vector<16xi32>], vector<16xi32>,
      tpu.vector_store_idx %arg10[%or3A_635], %broadcast_in_dim3A_1 {add = true} : memref<16384xi32, #tpu.memory_space<vmem>>[vector<16xi32>], vector<16xi32>,
      tpu.vector_store_idx %arg11[%or3A_636], %broadcast_in_dim3A_1 {add = true} : memref<16384xi32, #tpu.memory_space<vmem>>[vector<16xi32>], vector<16xi32>,
      tpu.vector_store_idx %arg11[%or3A_637], %broadcast_in_dim3A_1 {add = true} : memref<16384xi32, #tpu.memory_space<vmem>>[vector<16xi32>], vector<16xi32>,
      tpu.vector_store_idx %arg11[%or3A_638], %broadcast_in_dim3A_1 {add = true} : memref<16384xi32, #tpu.memory_space<vmem>>[vector<16xi32>], vector<16xi32>,
      tpu.vector_store_idx %arg11[%or3A_639], %broadcast_in_dim3A_1 {add = true} : memref<16384xi32, #tpu.memory_space<vmem>>[vector<16xi32>], vector<16xi32>,
      %add3A_640 = arith.constant 1 : i32
      %add3A_641 = arith.addi %scan3A_471, %add3A_640 : i32
      %add3A_642 = arith.constant 0 : i32
      %add3A_643 = arith.addi %add3A_642, %add3A_641 : i32
      %add3A_644 = vector.broadcast %add3A_643 : i32 to vector<16xi32>
      %add3A_645 = arith.addi %add3A_11, %add3A_644 : vector<16xi32>
      %add3A_646 = arith.constant 128 : i32
      %add3A_647 = arith.addi %add3A_646, %add3A_641 : i32
      %add3A_648 = vector.broadcast %add3A_647 : i32 to vector<16xi32>
      %add3A_649 = arith.addi %add3A_11, %add3A_648 : vector<16xi32>
      %add3A_650 = arith.constant 256 : i32
      %add3A_651 = arith.addi %add3A_650, %add3A_641 : i32
      %add3A_652 = vector.broadcast %add3A_651 : i32 to vector<16xi32>
      %add3A_653 = arith.addi %add3A_11, %add3A_652 : vector<16xi32>
      %add3A_654 = arith.constant 384 : i32
      %add3A_655 = arith.addi %add3A_654, %add3A_641 : i32
      %add3A_656 = vector.broadcast %add3A_655 : i32 to vector<16xi32>
      %add3A_657 = arith.addi %add3A_11, %add3A_656 : vector<16xi32>
      %gather3A_658 = tpu.vector_load_idx %arg7[%add3A_645] : memref<8208xi32, #tpu.memory_space<vmem>>[vector<16xi32>], vector<16xi32>,
      %gather3A_659 = tpu.vector_load_idx %arg7[%add3A_649] : memref<8208xi32, #tpu.memory_space<vmem>>[vector<16xi32>], vector<16xi32>,
      %gather3A_660 = tpu.vector_load_idx %arg7[%add3A_653] : memref<8208xi32, #tpu.memory_space<vmem>>[vector<16xi32>], vector<16xi32>,
      %gather3A_661 = tpu.vector_load_idx %arg7[%add3A_657] : memref<8208xi32, #tpu.memory_space<vmem>>[vector<16xi32>], vector<16xi32>,
      %gather3A_662 = tpu.vector_load_idx %arg9[%add3A_645] : memref<8208xi32, #tpu.memory_space<vmem>>[vector<16xi32>], vector<16xi32>,
      %gather3A_663 = tpu.vector_load_idx %arg9[%add3A_649] : memref<8208xi32, #tpu.memory_space<vmem>>[vector<16xi32>], vector<16xi32>,
      %gather3A_664 = tpu.vector_load_idx %arg9[%add3A_653] : memref<8208xi32, #tpu.memory_space<vmem>>[vector<16xi32>], vector<16xi32>,
      %gather3A_665 = tpu.vector_load_idx %arg9[%add3A_657] : memref<8208xi32, #tpu.memory_space<vmem>>[vector<16xi32>], vector<16xi32>,
      %shift_left3A_666 = arith.constant 4 : i32
      %shift_left3A_667 = vector.broadcast %shift_left3A_666 : i32 to vector<16xi32>
      %shift_left3A_668 = arith.shli %gather3A_658, %shift_left3A_667 : vector<16xi32>
      %shift_left3A_669 = arith.constant 4 : i32
      %shift_left3A_670 = vector.broadcast %shift_left3A_669 : i32 to vector<16xi32>
      %shift_left3A_671 = arith.shli %gather3A_659, %shift_left3A_670 : vector<16xi32>
      %shift_left3A_672 = arith.constant 4 : i32
      %shift_left3A_673 = vector.broadcast %shift_left3A_672 : i32 to vector<16xi32>
      %shift_left3A_674 = arith.shli %gather3A_660, %shift_left3A_673 : vector<16xi32>
      %shift_left3A_675 = arith.constant 4 : i32
      %shift_left3A_676 = vector.broadcast %shift_left3A_675 : i32 to vector<16xi32>
      %shift_left3A_677 = arith.shli %gather3A_661, %shift_left3A_676 : vector<16xi32>
      %shift_left3A_678 = arith.constant 4 : i32
      %shift_left3A_679 = vector.broadcast %shift_left3A_678 : i32 to vector<16xi32>
      %shift_left3A_680 = arith.shli %gather3A_662, %shift_left3A_679 : vector<16xi32>
      %shift_left3A_681 = arith.constant 4 : i32
      %shift_left3A_682 = vector.broadcast %shift_left3A_681 : i32 to vector<16xi32>
      %shift_left3A_683 = arith.shli %gather3A_663, %shift_left3A_682 : vector<16xi32>
      %shift_left3A_684 = arith.constant 4 : i32
      %shift_left3A_685 = vector.broadcast %shift_left3A_684 : i32 to vector<16xi32>
      %shift_left3A_686 = arith.shli %gather3A_664, %shift_left3A_685 : vector<16xi32>
      %shift_left3A_687 = arith.constant 4 : i32
      %shift_left3A_688 = vector.broadcast %shift_left3A_687 : i32 to vector<16xi32>
      %shift_left3A_689 = arith.shli %gather3A_665, %shift_left3A_688 : vector<16xi32>
      %and3A_690 = arith.constant 4080 : i32
      %and3A_691 = vector.broadcast %and3A_690 : i32 to vector<16xi32>
      %and3A_692 = arith.andi %shift_left3A_668, %and3A_691 : vector<16xi32>
      %and3A_693 = arith.constant 4080 : i32
      %and3A_694 = vector.broadcast %and3A_693 : i32 to vector<16xi32>
      %and3A_695 = arith.andi %shift_left3A_671, %and3A_694 : vector<16xi32>
      %and3A_696 = arith.constant 4080 : i32
      %and3A_697 = vector.broadcast %and3A_696 : i32 to vector<16xi32>
      %and3A_698 = arith.andi %shift_left3A_674, %and3A_697 : vector<16xi32>
      %and3A_699 = arith.constant 4080 : i32
      %and3A_700 = vector.broadcast %and3A_699 : i32 to vector<16xi32>
      %and3A_701 = arith.andi %shift_left3A_677, %and3A_700 : vector<16xi32>
      %and3A_702 = arith.constant 4080 : i32
      %and3A_703 = vector.broadcast %and3A_702 : i32 to vector<16xi32>
      %and3A_704 = arith.andi %shift_left3A_680, %and3A_703 : vector<16xi32>
      %and3A_705 = arith.constant 4080 : i32
      %and3A_706 = vector.broadcast %and3A_705 : i32 to vector<16xi32>
      %and3A_707 = arith.andi %shift_left3A_683, %and3A_706 : vector<16xi32>
      %and3A_708 = arith.constant 4080 : i32
      %and3A_709 = vector.broadcast %and3A_708 : i32 to vector<16xi32>
      %and3A_710 = arith.andi %shift_left3A_686, %and3A_709 : vector<16xi32>
      %and3A_711 = arith.constant 4080 : i32
      %and3A_712 = vector.broadcast %and3A_711 : i32 to vector<16xi32>
      %and3A_713 = arith.andi %shift_left3A_689, %and3A_712 : vector<16xi32>
      %or3A_714 = arith.ori %and3A_692, %iota3A : vector<16xi32>
      %or3A_715 = arith.ori %and3A_695, %iota3A : vector<16xi32>
      %or3A_716 = arith.ori %and3A_698, %iota3A : vector<16xi32>
      %or3A_717 = arith.ori %and3A_701, %iota3A : vector<16xi32>
      %or3A_718 = arith.ori %and3A_704, %iota3A : vector<16xi32>
      %or3A_719 = arith.ori %and3A_707, %iota3A : vector<16xi32>
      %or3A_720 = arith.ori %and3A_710, %iota3A : vector<16xi32>
      %or3A_721 = arith.ori %and3A_713, %iota3A : vector<16xi32>
      scf.yield %gather3A_658, %gather3A_659, %gather3A_660, %gather3A_661, %gather3A_662, %gather3A_663, %gather3A_664, %gather3A_665, %or3A_714, %or3A_715, %or3A_716, %or3A_717, %or3A_718, %or3A_719, %or3A_720, %or3A_721 : vector<16xi32>, vector<16xi32>, vector<16xi32>, vector<16xi32>, vector<16xi32>, vector<16xi32>, vector<16xi32>, vector<16xi32>, vector<16xi32>, vector<16xi32>, vector<16xi32>, vector<16xi32>, vector<16xi32>, vector<16xi32>, vector<16xi32>, vector<16xi32>
    }
    %scan3A_182 = arith.constant 128 : i32
    %scan3A_183 = arith.constant 0 : i32
    %scan3A_184 = arith.constant 256 : i32
    %scan3A_185 = arith.addi %scan3A_183, %scan3A_184 : i32
    %scan3A_186 = arith.constant 1 : i32
    %scan3A_187:2 = scf.for %scan3A_471 = %scan3A_183 to %scan3A_185 step %scan3A_186 iter_args(%scan3A_472 = %broadcast_in_dim3A_5, %scan3A_473 = %broadcast_in_dim3A_5) -> (vector<16xi32>, vector<16xi32>)  : i32 {
      %add3A_474 = arith.constant 0 : i32
      %add3A_475 = arith.addi %add3A_474, %scan3A_471 : i32
      %mul3A_476 = arith.constant 16 : i32
      %mul3A_477 = arith.muli %add3A_475, %mul3A_476 : i32
      %get3A_478 = arith.index_cast %mul3A_477 : i32 to index
      %get3A_479 = tpu.vector_load %arg10[%get3A_478] {strides = array<i32>} : memref<16384xi32, #tpu.memory_space<vmem>>, vector<16xi32>,
      %add3A_480 = arith.constant 256 : i32
      %add3A_481 = arith.addi %add3A_480, %scan3A_471 : i32
      %mul3A_482 = arith.constant 16 : i32
      %mul3A_483 = arith.muli %add3A_481, %mul3A_482 : i32
      %get3A_484 = arith.index_cast %mul3A_483 : i32 to index
      %get3A_485 = tpu.vector_load %arg10[%get3A_484] {strides = array<i32>} : memref<16384xi32, #tpu.memory_space<vmem>>, vector<16xi32>,
      %add3A_486 = arith.constant 512 : i32
      %add3A_487 = arith.addi %add3A_486, %scan3A_471 : i32
      %mul3A_488 = arith.constant 16 : i32
      %mul3A_489 = arith.muli %add3A_487, %mul3A_488 : i32
      %get3A_490 = arith.index_cast %mul3A_489 : i32 to index
      %get3A_491 = tpu.vector_load %arg10[%get3A_490] {strides = array<i32>} : memref<16384xi32, #tpu.memory_space<vmem>>, vector<16xi32>,
      %add3A_492 = arith.constant 768 : i32
      %add3A_493 = arith.addi %add3A_492, %scan3A_471 : i32
      %mul3A_494 = arith.constant 16 : i32
      %mul3A_495 = arith.muli %add3A_493, %mul3A_494 : i32
      %get3A_496 = arith.index_cast %mul3A_495 : i32 to index
      %get3A_497 = tpu.vector_load %arg10[%get3A_496] {strides = array<i32>} : memref<16384xi32, #tpu.memory_space<vmem>>, vector<16xi32>,
      %add3A_498 = arith.constant 0 : i32
      %add3A_499 = arith.addi %add3A_498, %scan3A_471 : i32
      %mul3A_500 = arith.constant 16 : i32
      %mul3A_501 = arith.muli %add3A_499, %mul3A_500 : i32
      %get3A_502 = arith.index_cast %mul3A_501 : i32 to index
      %get3A_503 = tpu.vector_load %arg11[%get3A_502] {strides = array<i32>} : memref<16384xi32, #tpu.memory_space<vmem>>, vector<16xi32>,
      %add3A_504 = arith.constant 256 : i32
      %add3A_505 = arith.addi %add3A_504, %scan3A_471 : i32
      %mul3A_506 = arith.constant 16 : i32
      %mul3A_507 = arith.muli %add3A_505, %mul3A_506 : i32
      %get3A_508 = arith.index_cast %mul3A_507 : i32 to index
      %get3A_509 = tpu.vector_load %arg11[%get3A_508] {strides = array<i32>} : memref<16384xi32, #tpu.memory_space<vmem>>, vector<16xi32>,
      %add3A_510 = arith.constant 512 : i32
      %add3A_511 = arith.addi %add3A_510, %scan3A_471 : i32
      %mul3A_512 = arith.constant 16 : i32
      %mul3A_513 = arith.muli %add3A_511, %mul3A_512 : i32
      %get3A_514 = arith.index_cast %mul3A_513 : i32 to index
      %get3A_515 = tpu.vector_load %arg11[%get3A_514] {strides = array<i32>} : memref<16384xi32, #tpu.memory_space<vmem>>, vector<16xi32>,
      %add3A_516 = arith.constant 768 : i32
      %add3A_517 = arith.addi %add3A_516, %scan3A_471 : i32
      %mul3A_518 = arith.constant 16 : i32
      %mul3A_519 = arith.muli %add3A_517, %mul3A_518 : i32
      %get3A_520 = arith.index_cast %mul3A_519 : i32 to index
      %get3A_521 = tpu.vector_load %arg11[%get3A_520] {strides = array<i32>} : memref<16384xi32, #tpu.memory_space<vmem>>, vector<16xi32>,
      %add3A_522 = arith.constant 0 : i32
      %add3A_523 = arith.addi %add3A_522, %scan3A_471 : i32
      %mul3A_524 = arith.constant 16 : i32
      %mul3A_525 = arith.muli %add3A_523, %mul3A_524 : i32
      %swap3A = arith.index_cast %mul3A_525 : i32 to index
      %swap3A_526 = tpu.vector_load %arg10[%swap3A] {strides = array<i32>} : memref<16384xi32, #tpu.memory_space<vmem>>, vector<16xi32>,
      tpu.vector_store %arg10[%swap3A], %broadcast_in_dim3A_3 {strides = array<i32>} : memref<16384xi32, #tpu.memory_space<vmem>>, vector<16xi32>,
      %add3A_527 = arith.constant 256 : i32
      %add3A_528 = arith.addi %add3A_527, %scan3A_471 : i32
      %mul3A_529 = arith.constant 16 : i32
      %mul3A_530 = arith.muli %add3A_528, %mul3A_529 : i32
      %swap3A_531 = arith.index_cast %mul3A_530 : i32 to index
      %swap3A_532 = tpu.vector_load %arg10[%swap3A_531] {strides = array<i32>} : memref<16384xi32, #tpu.memory_space<vmem>>, vector<16xi32>,
      tpu.vector_store %arg10[%swap3A_531], %broadcast_in_dim3A_3 {strides = array<i32>} : memref<16384xi32, #tpu.memory_space<vmem>>, vector<16xi32>,
      %add3A_533 = arith.constant 512 : i32
      %add3A_534 = arith.addi %add3A_533, %scan3A_471 : i32
      %mul3A_535 = arith.constant 16 : i32
      %mul3A_536 = arith.muli %add3A_534, %mul3A_535 : i32
      %swap3A_537 = arith.index_cast %mul3A_536 : i32 to index
      %swap3A_538 = tpu.vector_load %arg10[%swap3A_537] {strides = array<i32>} : memref<16384xi32, #tpu.memory_space<vmem>>, vector<16xi32>,
      tpu.vector_store %arg10[%swap3A_537], %broadcast_in_dim3A_3 {strides = array<i32>} : memref<16384xi32, #tpu.memory_space<vmem>>, vector<16xi32>,
      %add3A_539 = arith.constant 768 : i32
      %add3A_540 = arith.addi %add3A_539, %scan3A_471 : i32
      %mul3A_541 = arith.constant 16 : i32
      %mul3A_542 = arith.muli %add3A_540, %mul3A_541 : i32
      %swap3A_543 = arith.index_cast %mul3A_542 : i32 to index
      %swap3A_544 = tpu.vector_load %arg10[%swap3A_543] {strides = array<i32>} : memref<16384xi32, #tpu.memory_space<vmem>>, vector<16xi32>,
      tpu.vector_store %arg10[%swap3A_543], %broadcast_in_dim3A_3 {strides = array<i32>} : memref<16384xi32, #tpu.memory_space<vmem>>, vector<16xi32>,
      %add3A_545 = arith.constant 0 : i32
      %add3A_546 = arith.addi %add3A_545, %scan3A_471 : i32
      %mul3A_547 = arith.constant 16 : i32
      %mul3A_548 = arith.muli %add3A_546, %mul3A_547 : i32
      %swap3A_549 = arith.index_cast %mul3A_548 : i32 to index
      %swap3A_550 = tpu.vector_load %arg11[%swap3A_549] {strides = array<i32>} : memref<16384xi32, #tpu.memory_space<vmem>>, vector<16xi32>,
      tpu.vector_store %arg11[%swap3A_549], %broadcast_in_dim3A_3 {strides = array<i32>} : memref<16384xi32, #tpu.memory_space<vmem>>, vector<16xi32>,
      %add3A_551 = arith.constant 256 : i32
      %add3A_552 = arith.addi %add3A_551, %scan3A_471 : i32
      %mul3A_553 = arith.constant 16 : i32
      %mul3A_554 = arith.muli %add3A_552, %mul3A_553 : i32
      %swap3A_555 = arith.index_cast %mul3A_554 : i32 to index
      %swap3A_556 = tpu.vector_load %arg11[%swap3A_555] {strides = array<i32>} : memref<16384xi32, #tpu.memory_space<vmem>>, vector<16xi32>,
      tpu.vector_store %arg11[%swap3A_555], %broadcast_in_dim3A_3 {strides = array<i32>} : memref<16384xi32, #tpu.memory_space<vmem>>, vector<16xi32>,
      %add3A_557 = arith.constant 512 : i32
      %add3A_558 = arith.addi %add3A_557, %scan3A_471 : i32
      %mul3A_559 = arith.constant 16 : i32
      %mul3A_560 = arith.muli %add3A_558, %mul3A_559 : i32
      %swap3A_561 = arith.index_cast %mul3A_560 : i32 to index
      %swap3A_562 = tpu.vector_load %arg11[%swap3A_561] {strides = array<i32>} : memref<16384xi32, #tpu.memory_space<vmem>>, vector<16xi32>,
      tpu.vector_store %arg11[%swap3A_561], %broadcast_in_dim3A_3 {strides = array<i32>} : memref<16384xi32, #tpu.memory_space<vmem>>, vector<16xi32>,
      %add3A_563 = arith.constant 768 : i32
      %add3A_564 = arith.addi %add3A_563, %scan3A_471 : i32
      %mul3A_565 = arith.constant 16 : i32
      %mul3A_566 = arith.muli %add3A_564, %mul3A_565 : i32
      %swap3A_567 = arith.index_cast %mul3A_566 : i32 to index
      %swap3A_568 = tpu.vector_load %arg11[%swap3A_567] {strides = array<i32>} : memref<16384xi32, #tpu.memory_space<vmem>>, vector<16xi32>,
      tpu.vector_store %arg11[%swap3A_567], %broadcast_in_dim3A_3 {strides = array<i32>} : memref<16384xi32, #tpu.memory_space<vmem>>, vector<16xi32>,
      %add3A_569 = arith.addi %get3A_479, %get3A_485 : vector<16xi32>
      %add3A_570 = arith.addi %get3A_491, %get3A_497 : vector<16xi32>
      %add3A_571 = arith.addi %add3A_569, %add3A_570 : vector<16xi32>
      %add3A_572 = arith.addi %get3A_503, %get3A_509 : vector<16xi32>
      %add3A_573 = arith.addi %get3A_515, %get3A_521 : vector<16xi32>
      %add3A_574 = arith.addi %add3A_572, %add3A_573 : vector<16xi32>
      %broadcast_in_dim3A_575 = arith.constant true
      %broadcast_in_dim3A_576 = vector.broadcast %broadcast_in_dim3A_575 : i1 to vector<16xi1>
      %masked_cumsum3A = tpu.scan <sum>, %add3A_571 masked %broadcast_in_dim3A_576 : vector<16xi32>, vector<16xi1> -> vector<16xi32>
      %broadcast_in_dim3A_577 = arith.constant true
      %broadcast_in_dim3A_578 = vector.broadcast %broadcast_in_dim3A_577 : i1 to vector<16xi1>
      %masked_cumsum3A_579 = tpu.scan <sum>, %add3A_574 masked %broadcast_in_dim3A_578 : vector<16xi32>, vector<16xi1> -> vector<16xi32>
      %sub3A = arith.subi %masked_cumsum3A, %add3A_571 : vector<16xi32>
      %add3A_580 = arith.addi %sub3A, %scan3A_472 : vector<16xi32>
      %sub3A_581 = arith.subi %masked_cumsum3A_579, %add3A_574 : vector<16xi32>
      %add3A_582 = arith.addi %sub3A_581, %scan3A_473 : vector<16xi32>
      %lt3A = arith.constant 0 : i32
      %lt3A_583 = vector.broadcast %lt3A : i32 to vector<16xi32>
      %lt3A_584 = arith.cmpi slt, %broadcast_in_dim3A_7, %lt3A_583 : vector<16xi32>
      %add3A_585 = arith.constant 16 : i32
      %add3A_586 = vector.broadcast %add3A_585 : i32 to vector<16xi32>
      %add3A_587 = arith.addi %broadcast_in_dim3A_7, %add3A_586 : vector<16xi32>
      %select_n3A = arith.select %lt3A_584, %add3A_587, %broadcast_in_dim3A_7 : vector<16xi1>, vector<16xi32>
      %broadcast_in_dim3A_588 = vector.shape_cast %select_n3A : vector<16xi32> to vector<16x1xi32>
      %gather3A_589 = vector.shape_cast %broadcast_in_dim3A_588 : vector<16x1xi32> to vector<16xi32>
      %gather3A_590 = tpu.dynamic_gather %masked_cumsum3A[%gather3A_589] in [0] : vector<16xi32>, vector<16xi32> -> vector<16xi32>
      %lt3A_591 = arith.constant 0 : i32
      %lt3A_592 = vector.broadcast %lt3A_591 : i32 to vector<16xi32>
      %lt3A_593 = arith.cmpi slt, %broadcast_in_dim3A_7, %lt3A_592 : vector<16xi32>
      %add3A_594 = arith.constant 16 : i32
      %add3A_595 = vector.broadcast %add3A_594 : i32 to vector<16xi32>
      %add3A_596 = arith.addi %broadcast_in_dim3A_7, %add3A_595 : vector<16xi32>
      %select_n3A_597 = arith.select %lt3A_593, %add3A_596, %broadcast_in_dim3A_7 : vector<16xi1>, vector<16xi32>
      %broadcast_in_dim3A_598 = vector.shape_cast %select_n3A_597 : vector<16xi32> to vector<16x1xi32>
      %gather3A_599 = vector.shape_cast %broadcast_in_dim3A_598 : vector<16x1xi32> to vector<16xi32>
      %gather3A_600 = tpu.dynamic_gather %masked_cumsum3A_579[%gather3A_599] in [0] : vector<16xi32>, vector<16xi32> -> vector<16xi32>
      %add3A_601 = arith.addi %scan3A_472, %gather3A_590 : vector<16xi32>
      %add3A_602 = arith.addi %scan3A_473, %gather3A_600 : vector<16xi32>
      %mul3A_603 = arith.constant 16 : i32
      %mul3A_604 = arith.muli %scan3A_471, %mul3A_603 : i32
      %swap3A_605 = arith.index_cast %mul3A_604 : i32 to index
      %swap3A_606 = tpu.vector_load %arg12[%swap3A_605] {strides = array<i32>} : memref<4096xi32, #tpu.memory_space<vmem>>, vector<16xi32>,
      tpu.vector_store %arg12[%swap3A_605], %add3A_580 {strides = array<i32>} : memref<4096xi32, #tpu.memory_space<vmem>>, vector<16xi32>,
      %add3A_607 = arith.addi %add3A_580, %get3A_479 : vector<16xi32>
      %mul3A_608 = arith.constant 16 : i32
      %mul3A_609 = arith.muli %scan3A_471, %mul3A_608 : i32
      %swap3A_610 = arith.index_cast %mul3A_609 : i32 to index
      %swap3A_611 = tpu.vector_load %arg13[%swap3A_610] {strides = array<i32>} : memref<4096xi32, #tpu.memory_space<vmem>>, vector<16xi32>,
      tpu.vector_store %arg13[%swap3A_610], %add3A_607 {strides = array<i32>} : memref<4096xi32, #tpu.memory_space<vmem>>, vector<16xi32>,
      %add3A_612 = arith.addi %add3A_607, %get3A_485 : vector<16xi32>
      %mul3A_613 = arith.constant 16 : i32
      %mul3A_614 = arith.muli %scan3A_471, %mul3A_613 : i32
      %swap3A_615 = arith.index_cast %mul3A_614 : i32 to index
      %swap3A_616 = tpu.vector_load %arg14[%swap3A_615] {strides = array<i32>} : memref<4096xi32, #tpu.memory_space<vmem>>, vector<16xi32>,
      tpu.vector_store %arg14[%swap3A_615], %add3A_612 {strides = array<i32>} : memref<4096xi32, #tpu.memory_space<vmem>>, vector<16xi32>,
      %add3A_617 = arith.addi %add3A_612, %get3A_491 : vector<16xi32>
      %mul3A_618 = arith.constant 16 : i32
      %mul3A_619 = arith.muli %scan3A_471, %mul3A_618 : i32
      %swap3A_620 = arith.index_cast %mul3A_619 : i32 to index
      %swap3A_621 = tpu.vector_load %arg15[%swap3A_620] {strides = array<i32>} : memref<4096xi32, #tpu.memory_space<vmem>>, vector<16xi32>,
      tpu.vector_store %arg15[%swap3A_620], %add3A_617 {strides = array<i32>} : memref<4096xi32, #tpu.memory_space<vmem>>, vector<16xi32>,
      %mul3A_622 = arith.constant 16 : i32
      %mul3A_623 = arith.muli %scan3A_471, %mul3A_622 : i32
      %swap3A_624 = arith.index_cast %mul3A_623 : i32 to index
      %swap3A_625 = tpu.vector_load %arg16[%swap3A_624] {strides = array<i32>} : memref<4096xi32, #tpu.memory_space<vmem>>, vector<16xi32>,
      tpu.vector_store %arg16[%swap3A_624], %add3A_582 {strides = array<i32>} : memref<4096xi32, #tpu.memory_space<vmem>>, vector<16xi32>,
      %add3A_626 = arith.addi %add3A_582, %get3A_503 : vector<16xi32>
      %mul3A_627 = arith.constant 16 : i32
      %mul3A_628 = arith.muli %scan3A_471, %mul3A_627 : i32
      %swap3A_629 = arith.index_cast %mul3A_628 : i32 to index
      %swap3A_630 = tpu.vector_load %arg17[%swap3A_629] {strides = array<i32>} : memref<4096xi32, #tpu.memory_space<vmem>>, vector<16xi32>,
      tpu.vector_store %arg17[%swap3A_629], %add3A_626 {strides = array<i32>} : memref<4096xi32, #tpu.memory_space<vmem>>, vector<16xi32>,
      %add3A_631 = arith.addi %add3A_626, %get3A_509 : vector<16xi32>
      %mul3A_632 = arith.constant 16 : i32
      %mul3A_633 = arith.muli %scan3A_471, %mul3A_632 : i32
      %swap3A_634 = arith.index_cast %mul3A_633 : i32 to index
      %swap3A_635 = tpu.vector_load %arg18[%swap3A_634] {strides = array<i32>} : memref<4096xi32, #tpu.memory_space<vmem>>, vector<16xi32>,
      tpu.vector_store %arg18[%swap3A_634], %add3A_631 {strides = array<i32>} : memref<4096xi32, #tpu.memory_space<vmem>>, vector<16xi32>,
      %add3A_636 = arith.addi %add3A_631, %get3A_515 : vector<16xi32>
      %mul3A_637 = arith.constant 16 : i32
      %mul3A_638 = arith.muli %scan3A_471, %mul3A_637 : i32
      %swap3A_639 = arith.index_cast %mul3A_638 : i32 to index
      %swap3A_640 = tpu.vector_load %arg19[%swap3A_639] {strides = array<i32>} : memref<4096xi32, #tpu.memory_space<vmem>>, vector<16xi32>,
      tpu.vector_store %arg19[%swap3A_639], %add3A_636 {strides = array<i32>} : memref<4096xi32, #tpu.memory_space<vmem>>, vector<16xi32>,
      scf.yield %add3A_601, %add3A_602 : vector<16xi32>, vector<16xi32>
    }
    %scan3A_188 = arith.constant 256 : i32
    %add3A_189 = arith.constant 0 : i32
    %add3A_190 = vector.broadcast %add3A_189 : i32 to vector<16xi32>
    %add3A_191 = arith.addi %add3A_11, %add3A_190 : vector<16xi32>
    %add3A_192 = arith.constant 128 : i32
    %add3A_193 = vector.broadcast %add3A_192 : i32 to vector<16xi32>
    %add3A_194 = arith.addi %add3A_11, %add3A_193 : vector<16xi32>
    %add3A_195 = arith.constant 256 : i32
    %add3A_196 = vector.broadcast %add3A_195 : i32 to vector<16xi32>
    %add3A_197 = arith.addi %add3A_11, %add3A_196 : vector<16xi32>
    %add3A_198 = arith.constant 384 : i32
    %add3A_199 = vector.broadcast %add3A_198 : i32 to vector<16xi32>
    %add3A_200 = arith.addi %add3A_11, %add3A_199 : vector<16xi32>
    %gather3A_201 = tpu.vector_load_idx %arg6[%add3A_191] : memref<8208xi32, #tpu.memory_space<vmem>>[vector<16xi32>], vector<16xi32>,
    %gather3A_202 = tpu.vector_load_idx %arg6[%add3A_194] : memref<8208xi32, #tpu.memory_space<vmem>>[vector<16xi32>], vector<16xi32>,
    %gather3A_203 = tpu.vector_load_idx %arg6[%add3A_197] : memref<8208xi32, #tpu.memory_space<vmem>>[vector<16xi32>], vector<16xi32>,
    %gather3A_204 = tpu.vector_load_idx %arg6[%add3A_200] : memref<8208xi32, #tpu.memory_space<vmem>>[vector<16xi32>], vector<16xi32>,
    %gather3A_205 = tpu.vector_load_idx %arg8[%add3A_191] : memref<8208xi32, #tpu.memory_space<vmem>>[vector<16xi32>], vector<16xi32>,
    %gather3A_206 = tpu.vector_load_idx %arg8[%add3A_194] : memref<8208xi32, #tpu.memory_space<vmem>>[vector<16xi32>], vector<16xi32>,
    %gather3A_207 = tpu.vector_load_idx %arg8[%add3A_197] : memref<8208xi32, #tpu.memory_space<vmem>>[vector<16xi32>], vector<16xi32>,
    %gather3A_208 = tpu.vector_load_idx %arg8[%add3A_200] : memref<8208xi32, #tpu.memory_space<vmem>>[vector<16xi32>], vector<16xi32>,
    %shift_right_logical3A_209 = arith.constant 4 : i32
    %shift_right_logical3A_210 = vector.broadcast %shift_right_logical3A_209 : i32 to vector<16xi32>
    %shift_right_logical3A_211 = arith.shrui %gather3A_201, %shift_right_logical3A_210 : vector<16xi32>
    %shift_right_logical3A_212 = arith.constant 4 : i32
    %shift_right_logical3A_213 = vector.broadcast %shift_right_logical3A_212 : i32 to vector<16xi32>
    %shift_right_logical3A_214 = arith.shrui %gather3A_202, %shift_right_logical3A_213 : vector<16xi32>
    %shift_right_logical3A_215 = arith.constant 4 : i32
    %shift_right_logical3A_216 = vector.broadcast %shift_right_logical3A_215 : i32 to vector<16xi32>
    %shift_right_logical3A_217 = arith.shrui %gather3A_203, %shift_right_logical3A_216 : vector<16xi32>
    %shift_right_logical3A_218 = arith.constant 4 : i32
    %shift_right_logical3A_219 = vector.broadcast %shift_right_logical3A_218 : i32 to vector<16xi32>
    %shift_right_logical3A_220 = arith.shrui %gather3A_204, %shift_right_logical3A_219 : vector<16xi32>
    %shift_right_logical3A_221 = arith.constant 4 : i32
    %shift_right_logical3A_222 = vector.broadcast %shift_right_logical3A_221 : i32 to vector<16xi32>
    %shift_right_logical3A_223 = arith.shrui %gather3A_205, %shift_right_logical3A_222 : vector<16xi32>
    %shift_right_logical3A_224 = arith.constant 4 : i32
    %shift_right_logical3A_225 = vector.broadcast %shift_right_logical3A_224 : i32 to vector<16xi32>
    %shift_right_logical3A_226 = arith.shrui %gather3A_206, %shift_right_logical3A_225 : vector<16xi32>
    %shift_right_logical3A_227 = arith.constant 4 : i32
    %shift_right_logical3A_228 = vector.broadcast %shift_right_logical3A_227 : i32 to vector<16xi32>
    %shift_right_logical3A_229 = arith.shrui %gather3A_207, %shift_right_logical3A_228 : vector<16xi32>
    %shift_right_logical3A_230 = arith.constant 4 : i32
    %shift_right_logical3A_231 = vector.broadcast %shift_right_logical3A_230 : i32 to vector<16xi32>
    %shift_right_logical3A_232 = arith.shrui %gather3A_208, %shift_right_logical3A_231 : vector<16xi32>
    %and3A_233 = arith.constant 4080 : i32
    %and3A_234 = vector.broadcast %and3A_233 : i32 to vector<16xi32>
    %and3A_235 = arith.andi %shift_right_logical3A_211, %and3A_234 : vector<16xi32>
    %and3A_236 = arith.constant 4080 : i32
    %and3A_237 = vector.broadcast %and3A_236 : i32 to vector<16xi32>
    %and3A_238 = arith.andi %shift_right_logical3A_214, %and3A_237 : vector<16xi32>
    %and3A_239 = arith.constant 4080 : i32
    %and3A_240 = vector.broadcast %and3A_239 : i32 to vector<16xi32>
    %and3A_241 = arith.andi %shift_right_logical3A_217, %and3A_240 : vector<16xi32>
    %and3A_242 = arith.constant 4080 : i32
    %and3A_243 = vector.broadcast %and3A_242 : i32 to vector<16xi32>
    %and3A_244 = arith.andi %shift_right_logical3A_220, %and3A_243 : vector<16xi32>
    %and3A_245 = arith.constant 4080 : i32
    %and3A_246 = vector.broadcast %and3A_245 : i32 to vector<16xi32>
    %and3A_247 = arith.andi %shift_right_logical3A_223, %and3A_246 : vector<16xi32>
    %and3A_248 = arith.constant 4080 : i32
    %and3A_249 = vector.broadcast %and3A_248 : i32 to vector<16xi32>
    %and3A_250 = arith.andi %shift_right_logical3A_226, %and3A_249 : vector<16xi32>
    %and3A_251 = arith.constant 4080 : i32
    %and3A_252 = vector.broadcast %and3A_251 : i32 to vector<16xi32>
    %and3A_253 = arith.andi %shift_right_logical3A_229, %and3A_252 : vector<16xi32>
    %and3A_254 = arith.constant 4080 : i32
    %and3A_255 = vector.broadcast %and3A_254 : i32 to vector<16xi32>
    %and3A_256 = arith.andi %shift_right_logical3A_232, %and3A_255 : vector<16xi32>
    %or3A_257 = arith.ori %and3A_235, %iota3A : vector<16xi32>
    %or3A_258 = arith.ori %and3A_238, %iota3A : vector<16xi32>
    %or3A_259 = arith.ori %and3A_241, %iota3A : vector<16xi32>
    %or3A_260 = arith.ori %and3A_244, %iota3A : vector<16xi32>
    %or3A_261 = arith.ori %and3A_247, %iota3A : vector<16xi32>
    %or3A_262 = arith.ori %and3A_250, %iota3A : vector<16xi32>
    %or3A_263 = arith.ori %and3A_253, %iota3A : vector<16xi32>
    %or3A_264 = arith.ori %and3A_256, %iota3A : vector<16xi32>
    %scan3A_265 = arith.constant 0 : i32
    %scan3A_266 = arith.constant 128 : i32
    %scan3A_267 = arith.addi %scan3A_265, %scan3A_266 : i32
    %scan3A_268 = arith.constant 1 : i32
    %scan3A_269:16 = scf.for %scan3A_471 = %scan3A_265 to %scan3A_267 step %scan3A_268 iter_args(%scan3A_472 = %gather3A_201, %scan3A_473 = %gather3A_202, %scan3A_474 = %gather3A_203, %scan3A_475 = %gather3A_204, %scan3A_476 = %gather3A_205, %scan3A_477 = %gather3A_206, %scan3A_478 = %gather3A_207, %scan3A_479 = %gather3A_208, %scan3A_480 = %or3A_257, %scan3A_481 = %or3A_258, %scan3A_482 = %or3A_259, %scan3A_483 = %or3A_260, %scan3A_484 = %or3A_261, %scan3A_485 = %or3A_262, %scan3A_486 = %or3A_263, %scan3A_487 = %or3A_264) -> (vector<16xi32>, vector<16xi32>, vector<16xi32>, vector<16xi32>, vector<16xi32>, vector<16xi32>, vector<16xi32>, vector<16xi32>, vector<16xi32>, vector<16xi32>, vector<16xi32>, vector<16xi32>, vector<16xi32>, vector<16xi32>, vector<16xi32>, vector<16xi32>)  : i32 {
      %gather3A_488 = tpu.vector_load_idx %arg12[%scan3A_480] : memref<4096xi32, #tpu.memory_space<vmem>>[vector<16xi32>], vector<16xi32>,
      %gather3A_489 = tpu.vector_load_idx %arg13[%scan3A_481] : memref<4096xi32, #tpu.memory_space<vmem>>[vector<16xi32>], vector<16xi32>,
      %gather3A_490 = tpu.vector_load_idx %arg14[%scan3A_482] : memref<4096xi32, #tpu.memory_space<vmem>>[vector<16xi32>], vector<16xi32>,
      %gather3A_491 = tpu.vector_load_idx %arg15[%scan3A_483] : memref<4096xi32, #tpu.memory_space<vmem>>[vector<16xi32>], vector<16xi32>,
      %gather3A_492 = tpu.vector_load_idx %arg16[%scan3A_484] : memref<4096xi32, #tpu.memory_space<vmem>>[vector<16xi32>], vector<16xi32>,
      %gather3A_493 = tpu.vector_load_idx %arg17[%scan3A_485] : memref<4096xi32, #tpu.memory_space<vmem>>[vector<16xi32>], vector<16xi32>,
      %gather3A_494 = tpu.vector_load_idx %arg18[%scan3A_486] : memref<4096xi32, #tpu.memory_space<vmem>>[vector<16xi32>], vector<16xi32>,
      %gather3A_495 = tpu.vector_load_idx %arg19[%scan3A_487] : memref<4096xi32, #tpu.memory_space<vmem>>[vector<16xi32>], vector<16xi32>,
      %shift_right_logical3A_496 = arith.constant 9 : i32
      %shift_right_logical3A_497 = vector.broadcast %shift_right_logical3A_496 : i32 to vector<16xi32>
      %shift_right_logical3A_498 = arith.shrui %gather3A_488, %shift_right_logical3A_497 : vector<16xi32>
      %shift_right_logical3A_499 = arith.constant 9 : i32
      %shift_right_logical3A_500 = vector.broadcast %shift_right_logical3A_499 : i32 to vector<16xi32>
      %shift_right_logical3A_501 = arith.shrui %gather3A_489, %shift_right_logical3A_500 : vector<16xi32>
      %shift_right_logical3A_502 = arith.constant 9 : i32
      %shift_right_logical3A_503 = vector.broadcast %shift_right_logical3A_502 : i32 to vector<16xi32>
      %shift_right_logical3A_504 = arith.shrui %gather3A_490, %shift_right_logical3A_503 : vector<16xi32>
      %shift_right_logical3A_505 = arith.constant 9 : i32
      %shift_right_logical3A_506 = vector.broadcast %shift_right_logical3A_505 : i32 to vector<16xi32>
      %shift_right_logical3A_507 = arith.shrui %gather3A_491, %shift_right_logical3A_506 : vector<16xi32>
      %shift_right_logical3A_508 = arith.constant 9 : i32
      %shift_right_logical3A_509 = vector.broadcast %shift_right_logical3A_508 : i32 to vector<16xi32>
      %shift_right_logical3A_510 = arith.shrui %gather3A_492, %shift_right_logical3A_509 : vector<16xi32>
      %shift_right_logical3A_511 = arith.constant 9 : i32
      %shift_right_logical3A_512 = vector.broadcast %shift_right_logical3A_511 : i32 to vector<16xi32>
      %shift_right_logical3A_513 = arith.shrui %gather3A_493, %shift_right_logical3A_512 : vector<16xi32>
      %shift_right_logical3A_514 = arith.constant 9 : i32
      %shift_right_logical3A_515 = vector.broadcast %shift_right_logical3A_514 : i32 to vector<16xi32>
      %shift_right_logical3A_516 = arith.shrui %gather3A_494, %shift_right_logical3A_515 : vector<16xi32>
      %shift_right_logical3A_517 = arith.constant 9 : i32
      %shift_right_logical3A_518 = vector.broadcast %shift_right_logical3A_517 : i32 to vector<16xi32>
      %shift_right_logical3A_519 = arith.shrui %gather3A_495, %shift_right_logical3A_518 : vector<16xi32>
      %add3A_520 = arith.addi %gather3A_488, %shift_right_logical3A_498 : vector<16xi32>
      %add3A_521 = arith.addi %gather3A_489, %shift_right_logical3A_501 : vector<16xi32>
      %add3A_522 = arith.addi %gather3A_490, %shift_right_logical3A_504 : vector<16xi32>
      %add3A_523 = arith.addi %gather3A_491, %shift_right_logical3A_507 : vector<16xi32>
      %add3A_524 = arith.addi %gather3A_492, %shift_right_logical3A_510 : vector<16xi32>
      %add3A_525 = arith.addi %gather3A_493, %shift_right_logical3A_513 : vector<16xi32>
      %add3A_526 = arith.addi %gather3A_494, %shift_right_logical3A_516 : vector<16xi32>
      %add3A_527 = arith.addi %gather3A_495, %shift_right_logical3A_519 : vector<16xi32>
      %shift_left3A_528 = arith.constant 5 : i32
      %shift_left3A_529 = vector.broadcast %shift_left3A_528 : i32 to vector<16xi32>
      %shift_left3A_530 = arith.shli %gather3A_488, %shift_left3A_529 : vector<16xi32>
      %and3A_531 = arith.constant 12288 : i32
      %and3A_532 = vector.broadcast %and3A_531 : i32 to vector<16xi32>
      %and3A_533 = arith.andi %shift_left3A_530, %and3A_532 : vector<16xi32>
      %shift_left3A_534 = arith.constant 5 : i32
      %shift_left3A_535 = vector.broadcast %shift_left3A_534 : i32 to vector<16xi32>
      %shift_left3A_536 = arith.shli %gather3A_489, %shift_left3A_535 : vector<16xi32>
      %and3A_537 = arith.constant 12288 : i32
      %and3A_538 = vector.broadcast %and3A_537 : i32 to vector<16xi32>
      %and3A_539 = arith.andi %shift_left3A_536, %and3A_538 : vector<16xi32>
      %shift_left3A_540 = arith.constant 5 : i32
      %shift_left3A_541 = vector.broadcast %shift_left3A_540 : i32 to vector<16xi32>
      %shift_left3A_542 = arith.shli %gather3A_490, %shift_left3A_541 : vector<16xi32>
      %and3A_543 = arith.constant 12288 : i32
      %and3A_544 = vector.broadcast %and3A_543 : i32 to vector<16xi32>
      %and3A_545 = arith.andi %shift_left3A_542, %and3A_544 : vector<16xi32>
      %shift_left3A_546 = arith.constant 5 : i32
      %shift_left3A_547 = vector.broadcast %shift_left3A_546 : i32 to vector<16xi32>
      %shift_left3A_548 = arith.shli %gather3A_491, %shift_left3A_547 : vector<16xi32>
      %and3A_549 = arith.constant 12288 : i32
      %and3A_550 = vector.broadcast %and3A_549 : i32 to vector<16xi32>
      %and3A_551 = arith.andi %shift_left3A_548, %and3A_550 : vector<16xi32>
      %shift_left3A_552 = arith.constant 5 : i32
      %shift_left3A_553 = vector.broadcast %shift_left3A_552 : i32 to vector<16xi32>
      %shift_left3A_554 = arith.shli %gather3A_492, %shift_left3A_553 : vector<16xi32>
      %and3A_555 = arith.constant 12288 : i32
      %and3A_556 = vector.broadcast %and3A_555 : i32 to vector<16xi32>
      %and3A_557 = arith.andi %shift_left3A_554, %and3A_556 : vector<16xi32>
      %shift_left3A_558 = arith.constant 5 : i32
      %shift_left3A_559 = vector.broadcast %shift_left3A_558 : i32 to vector<16xi32>
      %shift_left3A_560 = arith.shli %gather3A_493, %shift_left3A_559 : vector<16xi32>
      %and3A_561 = arith.constant 12288 : i32
      %and3A_562 = vector.broadcast %and3A_561 : i32 to vector<16xi32>
      %and3A_563 = arith.andi %shift_left3A_560, %and3A_562 : vector<16xi32>
      %shift_left3A_564 = arith.constant 5 : i32
      %shift_left3A_565 = vector.broadcast %shift_left3A_564 : i32 to vector<16xi32>
      %shift_left3A_566 = arith.shli %gather3A_494, %shift_left3A_565 : vector<16xi32>
      %and3A_567 = arith.constant 12288 : i32
      %and3A_568 = vector.broadcast %and3A_567 : i32 to vector<16xi32>
      %and3A_569 = arith.andi %shift_left3A_566, %and3A_568 : vector<16xi32>
      %shift_left3A_570 = arith.constant 5 : i32
      %shift_left3A_571 = vector.broadcast %shift_left3A_570 : i32 to vector<16xi32>
      %shift_left3A_572 = arith.shli %gather3A_495, %shift_left3A_571 : vector<16xi32>
      %and3A_573 = arith.constant 12288 : i32
      %and3A_574 = vector.broadcast %and3A_573 : i32 to vector<16xi32>
      %and3A_575 = arith.andi %shift_left3A_572, %and3A_574 : vector<16xi32>
      %shift_right_logical3A_576 = arith.constant 12 : i32
      %shift_right_logical3A_577 = vector.broadcast %shift_right_logical3A_576 : i32 to vector<16xi32>
      %shift_right_logical3A_578 = arith.shrui %scan3A_472, %shift_right_logical3A_577 : vector<16xi32>
      %shift_right_logical3A_579 = arith.constant 12 : i32
      %shift_right_logical3A_580 = vector.broadcast %shift_right_logical3A_579 : i32 to vector<16xi32>
      %shift_right_logical3A_581 = arith.shrui %scan3A_473, %shift_right_logical3A_580 : vector<16xi32>
      %shift_right_logical3A_582 = arith.constant 12 : i32
      %shift_right_logical3A_583 = vector.broadcast %shift_right_logical3A_582 : i32 to vector<16xi32>
      %shift_right_logical3A_584 = arith.shrui %scan3A_474, %shift_right_logical3A_583 : vector<16xi32>
      %shift_right_logical3A_585 = arith.constant 12 : i32
      %shift_right_logical3A_586 = vector.broadcast %shift_right_logical3A_585 : i32 to vector<16xi32>
      %shift_right_logical3A_587 = arith.shrui %scan3A_475, %shift_right_logical3A_586 : vector<16xi32>
      %shift_right_logical3A_588 = arith.constant 12 : i32
      %shift_right_logical3A_589 = vector.broadcast %shift_right_logical3A_588 : i32 to vector<16xi32>
      %shift_right_logical3A_590 = arith.shrui %scan3A_476, %shift_right_logical3A_589 : vector<16xi32>
      %shift_right_logical3A_591 = arith.constant 12 : i32
      %shift_right_logical3A_592 = vector.broadcast %shift_right_logical3A_591 : i32 to vector<16xi32>
      %shift_right_logical3A_593 = arith.shrui %scan3A_477, %shift_right_logical3A_592 : vector<16xi32>
      %shift_right_logical3A_594 = arith.constant 12 : i32
      %shift_right_logical3A_595 = vector.broadcast %shift_right_logical3A_594 : i32 to vector<16xi32>
      %shift_right_logical3A_596 = arith.shrui %scan3A_478, %shift_right_logical3A_595 : vector<16xi32>
      %shift_right_logical3A_597 = arith.constant 12 : i32
      %shift_right_logical3A_598 = vector.broadcast %shift_right_logical3A_597 : i32 to vector<16xi32>
      %shift_right_logical3A_599 = arith.shrui %scan3A_479, %shift_right_logical3A_598 : vector<16xi32>
      %and3A_600 = arith.constant 4080 : i32
      %and3A_601 = vector.broadcast %and3A_600 : i32 to vector<16xi32>
      %and3A_602 = arith.andi %shift_right_logical3A_578, %and3A_601 : vector<16xi32>
      %and3A_603 = arith.constant 4080 : i32
      %and3A_604 = vector.broadcast %and3A_603 : i32 to vector<16xi32>
      %and3A_605 = arith.andi %shift_right_logical3A_581, %and3A_604 : vector<16xi32>
      %and3A_606 = arith.constant 4080 : i32
      %and3A_607 = vector.broadcast %and3A_606 : i32 to vector<16xi32>
      %and3A_608 = arith.andi %shift_right_logical3A_584, %and3A_607 : vector<16xi32>
      %and3A_609 = arith.constant 4080 : i32
      %and3A_610 = vector.broadcast %and3A_609 : i32 to vector<16xi32>
      %and3A_611 = arith.andi %shift_right_logical3A_587, %and3A_610 : vector<16xi32>
      %and3A_612 = arith.constant 4080 : i32
      %and3A_613 = vector.broadcast %and3A_612 : i32 to vector<16xi32>
      %and3A_614 = arith.andi %shift_right_logical3A_590, %and3A_613 : vector<16xi32>
      %and3A_615 = arith.constant 4080 : i32
      %and3A_616 = vector.broadcast %and3A_615 : i32 to vector<16xi32>
      %and3A_617 = arith.andi %shift_right_logical3A_593, %and3A_616 : vector<16xi32>
      %and3A_618 = arith.constant 4080 : i32
      %and3A_619 = vector.broadcast %and3A_618 : i32 to vector<16xi32>
      %and3A_620 = arith.andi %shift_right_logical3A_596, %and3A_619 : vector<16xi32>
      %and3A_621 = arith.constant 4080 : i32
      %and3A_622 = vector.broadcast %and3A_621 : i32 to vector<16xi32>
      %and3A_623 = arith.andi %shift_right_logical3A_599, %and3A_622 : vector<16xi32>
      %or3A_624 = arith.ori %and3A_533, %shift_right_logical3A_498 : vector<16xi32>
      %or3A_625 = arith.ori %and3A_539, %shift_right_logical3A_501 : vector<16xi32>
      %or3A_626 = arith.ori %and3A_545, %shift_right_logical3A_504 : vector<16xi32>
      %or3A_627 = arith.ori %and3A_551, %shift_right_logical3A_507 : vector<16xi32>
      %or3A_628 = arith.ori %and3A_557, %shift_right_logical3A_510 : vector<16xi32>
      %or3A_629 = arith.ori %and3A_563, %shift_right_logical3A_513 : vector<16xi32>
      %or3A_630 = arith.ori %and3A_569, %shift_right_logical3A_516 : vector<16xi32>
      %or3A_631 = arith.ori %and3A_575, %shift_right_logical3A_519 : vector<16xi32>
      %or3A_632 = arith.ori %or3A_624, %and3A_602 : vector<16xi32>
      %or3A_633 = arith.ori %or3A_625, %and3A_605 : vector<16xi32>
      %or3A_634 = arith.ori %or3A_626, %and3A_608 : vector<16xi32>
      %or3A_635 = arith.ori %or3A_627, %and3A_611 : vector<16xi32>
      %or3A_636 = arith.ori %or3A_628, %and3A_614 : vector<16xi32>
      %or3A_637 = arith.ori %or3A_629, %and3A_617 : vector<16xi32>
      %or3A_638 = arith.ori %or3A_630, %and3A_620 : vector<16xi32>
      %or3A_639 = arith.ori %or3A_631, %and3A_623 : vector<16xi32>
      tpu.vector_store_idx %arg7[%add3A_520], %scan3A_472 : memref<8208xi32, #tpu.memory_space<vmem>>[vector<16xi32>], vector<16xi32>,
      tpu.vector_store_idx %arg7[%add3A_521], %scan3A_473 : memref<8208xi32, #tpu.memory_space<vmem>>[vector<16xi32>], vector<16xi32>,
      tpu.vector_store_idx %arg7[%add3A_522], %scan3A_474 : memref<8208xi32, #tpu.memory_space<vmem>>[vector<16xi32>], vector<16xi32>,
      tpu.vector_store_idx %arg7[%add3A_523], %scan3A_475 : memref<8208xi32, #tpu.memory_space<vmem>>[vector<16xi32>], vector<16xi32>,
      tpu.vector_store_idx %arg9[%add3A_524], %scan3A_476 : memref<8208xi32, #tpu.memory_space<vmem>>[vector<16xi32>], vector<16xi32>,
      tpu.vector_store_idx %arg9[%add3A_525], %scan3A_477 : memref<8208xi32, #tpu.memory_space<vmem>>[vector<16xi32>], vector<16xi32>,
      tpu.vector_store_idx %arg9[%add3A_526], %scan3A_478 : memref<8208xi32, #tpu.memory_space<vmem>>[vector<16xi32>], vector<16xi32>,
      tpu.vector_store_idx %arg9[%add3A_527], %scan3A_479 : memref<8208xi32, #tpu.memory_space<vmem>>[vector<16xi32>], vector<16xi32>,
      tpu.vector_store_idx %arg12[%scan3A_480], %broadcast_in_dim3A_1 {add = true} : memref<4096xi32, #tpu.memory_space<vmem>>[vector<16xi32>], vector<16xi32>,
      tpu.vector_store_idx %arg13[%scan3A_481], %broadcast_in_dim3A_1 {add = true} : memref<4096xi32, #tpu.memory_space<vmem>>[vector<16xi32>], vector<16xi32>,
      tpu.vector_store_idx %arg14[%scan3A_482], %broadcast_in_dim3A_1 {add = true} : memref<4096xi32, #tpu.memory_space<vmem>>[vector<16xi32>], vector<16xi32>,
      tpu.vector_store_idx %arg15[%scan3A_483], %broadcast_in_dim3A_1 {add = true} : memref<4096xi32, #tpu.memory_space<vmem>>[vector<16xi32>], vector<16xi32>,
      tpu.vector_store_idx %arg16[%scan3A_484], %broadcast_in_dim3A_1 {add = true} : memref<4096xi32, #tpu.memory_space<vmem>>[vector<16xi32>], vector<16xi32>,
      tpu.vector_store_idx %arg17[%scan3A_485], %broadcast_in_dim3A_1 {add = true} : memref<4096xi32, #tpu.memory_space<vmem>>[vector<16xi32>], vector<16xi32>,
      tpu.vector_store_idx %arg18[%scan3A_486], %broadcast_in_dim3A_1 {add = true} : memref<4096xi32, #tpu.memory_space<vmem>>[vector<16xi32>], vector<16xi32>,
      tpu.vector_store_idx %arg19[%scan3A_487], %broadcast_in_dim3A_1 {add = true} : memref<4096xi32, #tpu.memory_space<vmem>>[vector<16xi32>], vector<16xi32>,
      tpu.vector_store_idx %arg10[%or3A_632], %broadcast_in_dim3A_1 {add = true} : memref<16384xi32, #tpu.memory_space<vmem>>[vector<16xi32>], vector<16xi32>,
      tpu.vector_store_idx %arg10[%or3A_633], %broadcast_in_dim3A_1 {add = true} : memref<16384xi32, #tpu.memory_space<vmem>>[vector<16xi32>], vector<16xi32>,
      tpu.vector_store_idx %arg10[%or3A_634], %broadcast_in_dim3A_1 {add = true} : memref<16384xi32, #tpu.memory_space<vmem>>[vector<16xi32>], vector<16xi32>,
      tpu.vector_store_idx %arg10[%or3A_635], %broadcast_in_dim3A_1 {add = true} : memref<16384xi32, #tpu.memory_space<vmem>>[vector<16xi32>], vector<16xi32>,
      tpu.vector_store_idx %arg11[%or3A_636], %broadcast_in_dim3A_1 {add = true} : memref<16384xi32, #tpu.memory_space<vmem>>[vector<16xi32>], vector<16xi32>,
      tpu.vector_store_idx %arg11[%or3A_637], %broadcast_in_dim3A_1 {add = true} : memref<16384xi32, #tpu.memory_space<vmem>>[vector<16xi32>], vector<16xi32>,
      tpu.vector_store_idx %arg11[%or3A_638], %broadcast_in_dim3A_1 {add = true} : memref<16384xi32, #tpu.memory_space<vmem>>[vector<16xi32>], vector<16xi32>,
      tpu.vector_store_idx %arg11[%or3A_639], %broadcast_in_dim3A_1 {add = true} : memref<16384xi32, #tpu.memory_space<vmem>>[vector<16xi32>], vector<16xi32>,
      %add3A_640 = arith.constant 1 : i32
      %add3A_641 = arith.addi %scan3A_471, %add3A_640 : i32
      %add3A_642 = arith.constant 0 : i32
      %add3A_643 = arith.addi %add3A_642, %add3A_641 : i32
      %add3A_644 = vector.broadcast %add3A_643 : i32 to vector<16xi32>
      %add3A_645 = arith.addi %add3A_11, %add3A_644 : vector<16xi32>
      %add3A_646 = arith.constant 128 : i32
      %add3A_647 = arith.addi %add3A_646, %add3A_641 : i32
      %add3A_648 = vector.broadcast %add3A_647 : i32 to vector<16xi32>
      %add3A_649 = arith.addi %add3A_11, %add3A_648 : vector<16xi32>
      %add3A_650 = arith.constant 256 : i32
      %add3A_651 = arith.addi %add3A_650, %add3A_641 : i32
      %add3A_652 = vector.broadcast %add3A_651 : i32 to vector<16xi32>
      %add3A_653 = arith.addi %add3A_11, %add3A_652 : vector<16xi32>
      %add3A_654 = arith.constant 384 : i32
      %add3A_655 = arith.addi %add3A_654, %add3A_641 : i32
      %add3A_656 = vector.broadcast %add3A_655 : i32 to vector<16xi32>
      %add3A_657 = arith.addi %add3A_11, %add3A_656 : vector<16xi32>
      %gather3A_658 = tpu.vector_load_idx %arg6[%add3A_645] : memref<8208xi32, #tpu.memory_space<vmem>>[vector<16xi32>], vector<16xi32>,
      %gather3A_659 = tpu.vector_load_idx %arg6[%add3A_649] : memref<8208xi32, #tpu.memory_space<vmem>>[vector<16xi32>], vector<16xi32>,
      %gather3A_660 = tpu.vector_load_idx %arg6[%add3A_653] : memref<8208xi32, #tpu.memory_space<vmem>>[vector<16xi32>], vector<16xi32>,
      %gather3A_661 = tpu.vector_load_idx %arg6[%add3A_657] : memref<8208xi32, #tpu.memory_space<vmem>>[vector<16xi32>], vector<16xi32>,
      %gather3A_662 = tpu.vector_load_idx %arg8[%add3A_645] : memref<8208xi32, #tpu.memory_space<vmem>>[vector<16xi32>], vector<16xi32>,
      %gather3A_663 = tpu.vector_load_idx %arg8[%add3A_649] : memref<8208xi32, #tpu.memory_space<vmem>>[vector<16xi32>], vector<16xi32>,
      %gather3A_664 = tpu.vector_load_idx %arg8[%add3A_653] : memref<8208xi32, #tpu.memory_space<vmem>>[vector<16xi32>], vector<16xi32>,
      %gather3A_665 = tpu.vector_load_idx %arg8[%add3A_657] : memref<8208xi32, #tpu.memory_space<vmem>>[vector<16xi32>], vector<16xi32>,
      %shift_right_logical3A_666 = arith.constant 4 : i32
      %shift_right_logical3A_667 = vector.broadcast %shift_right_logical3A_666 : i32 to vector<16xi32>
      %shift_right_logical3A_668 = arith.shrui %gather3A_658, %shift_right_logical3A_667 : vector<16xi32>
      %shift_right_logical3A_669 = arith.constant 4 : i32
      %shift_right_logical3A_670 = vector.broadcast %shift_right_logical3A_669 : i32 to vector<16xi32>
      %shift_right_logical3A_671 = arith.shrui %gather3A_659, %shift_right_logical3A_670 : vector<16xi32>
      %shift_right_logical3A_672 = arith.constant 4 : i32
      %shift_right_logical3A_673 = vector.broadcast %shift_right_logical3A_672 : i32 to vector<16xi32>
      %shift_right_logical3A_674 = arith.shrui %gather3A_660, %shift_right_logical3A_673 : vector<16xi32>
      %shift_right_logical3A_675 = arith.constant 4 : i32
      %shift_right_logical3A_676 = vector.broadcast %shift_right_logical3A_675 : i32 to vector<16xi32>
      %shift_right_logical3A_677 = arith.shrui %gather3A_661, %shift_right_logical3A_676 : vector<16xi32>
      %shift_right_logical3A_678 = arith.constant 4 : i32
      %shift_right_logical3A_679 = vector.broadcast %shift_right_logical3A_678 : i32 to vector<16xi32>
      %shift_right_logical3A_680 = arith.shrui %gather3A_662, %shift_right_logical3A_679 : vector<16xi32>
      %shift_right_logical3A_681 = arith.constant 4 : i32
      %shift_right_logical3A_682 = vector.broadcast %shift_right_logical3A_681 : i32 to vector<16xi32>
      %shift_right_logical3A_683 = arith.shrui %gather3A_663, %shift_right_logical3A_682 : vector<16xi32>
      %shift_right_logical3A_684 = arith.constant 4 : i32
      %shift_right_logical3A_685 = vector.broadcast %shift_right_logical3A_684 : i32 to vector<16xi32>
      %shift_right_logical3A_686 = arith.shrui %gather3A_664, %shift_right_logical3A_685 : vector<16xi32>
      %shift_right_logical3A_687 = arith.constant 4 : i32
      %shift_right_logical3A_688 = vector.broadcast %shift_right_logical3A_687 : i32 to vector<16xi32>
      %shift_right_logical3A_689 = arith.shrui %gather3A_665, %shift_right_logical3A_688 : vector<16xi32>
      %and3A_690 = arith.constant 4080 : i32
      %and3A_691 = vector.broadcast %and3A_690 : i32 to vector<16xi32>
      %and3A_692 = arith.andi %shift_right_logical3A_668, %and3A_691 : vector<16xi32>
      %and3A_693 = arith.constant 4080 : i32
      %and3A_694 = vector.broadcast %and3A_693 : i32 to vector<16xi32>
      %and3A_695 = arith.andi %shift_right_logical3A_671, %and3A_694 : vector<16xi32>
      %and3A_696 = arith.constant 4080 : i32
      %and3A_697 = vector.broadcast %and3A_696 : i32 to vector<16xi32>
      %and3A_698 = arith.andi %shift_right_logical3A_674, %and3A_697 : vector<16xi32>
      %and3A_699 = arith.constant 4080 : i32
      %and3A_700 = vector.broadcast %and3A_699 : i32 to vector<16xi32>
      %and3A_701 = arith.andi %shift_right_logical3A_677, %and3A_700 : vector<16xi32>
      %and3A_702 = arith.constant 4080 : i32
      %and3A_703 = vector.broadcast %and3A_702 : i32 to vector<16xi32>
      %and3A_704 = arith.andi %shift_right_logical3A_680, %and3A_703 : vector<16xi32>
      %and3A_705 = arith.constant 4080 : i32
      %and3A_706 = vector.broadcast %and3A_705 : i32 to vector<16xi32>
      %and3A_707 = arith.andi %shift_right_logical3A_683, %and3A_706 : vector<16xi32>
      %and3A_708 = arith.constant 4080 : i32
      %and3A_709 = vector.broadcast %and3A_708 : i32 to vector<16xi32>
      %and3A_710 = arith.andi %shift_right_logical3A_686, %and3A_709 : vector<16xi32>
      %and3A_711 = arith.constant 4080 : i32
      %and3A_712 = vector.broadcast %and3A_711 : i32 to vector<16xi32>
      %and3A_713 = arith.andi %shift_right_logical3A_689, %and3A_712 : vector<16xi32>
      %or3A_714 = arith.ori %and3A_692, %iota3A : vector<16xi32>
      %or3A_715 = arith.ori %and3A_695, %iota3A : vector<16xi32>
      %or3A_716 = arith.ori %and3A_698, %iota3A : vector<16xi32>
      %or3A_717 = arith.ori %and3A_701, %iota3A : vector<16xi32>
      %or3A_718 = arith.ori %and3A_704, %iota3A : vector<16xi32>
      %or3A_719 = arith.ori %and3A_707, %iota3A : vector<16xi32>
      %or3A_720 = arith.ori %and3A_710, %iota3A : vector<16xi32>
      %or3A_721 = arith.ori %and3A_713, %iota3A : vector<16xi32>
      scf.yield %gather3A_658, %gather3A_659, %gather3A_660, %gather3A_661, %gather3A_662, %gather3A_663, %gather3A_664, %gather3A_665, %or3A_714, %or3A_715, %or3A_716, %or3A_717, %or3A_718, %or3A_719, %or3A_720, %or3A_721 : vector<16xi32>, vector<16xi32>, vector<16xi32>, vector<16xi32>, vector<16xi32>, vector<16xi32>, vector<16xi32>, vector<16xi32>, vector<16xi32>, vector<16xi32>, vector<16xi32>, vector<16xi32>, vector<16xi32>, vector<16xi32>, vector<16xi32>, vector<16xi32>
    }
    %scan3A_270 = arith.constant 128 : i32
    %scan3A_271 = arith.constant 0 : i32
    %scan3A_272 = arith.constant 256 : i32
    %scan3A_273 = arith.addi %scan3A_271, %scan3A_272 : i32
    %scan3A_274 = arith.constant 1 : i32
    %scan3A_275:2 = scf.for %scan3A_471 = %scan3A_271 to %scan3A_273 step %scan3A_274 iter_args(%scan3A_472 = %broadcast_in_dim3A_5, %scan3A_473 = %broadcast_in_dim3A_5) -> (vector<16xi32>, vector<16xi32>)  : i32 {
      %add3A_474 = arith.constant 0 : i32
      %add3A_475 = arith.addi %add3A_474, %scan3A_471 : i32
      %mul3A_476 = arith.constant 16 : i32
      %mul3A_477 = arith.muli %add3A_475, %mul3A_476 : i32
      %get3A_478 = arith.index_cast %mul3A_477 : i32 to index
      %get3A_479 = tpu.vector_load %arg10[%get3A_478] {strides = array<i32>} : memref<16384xi32, #tpu.memory_space<vmem>>, vector<16xi32>,
      %add3A_480 = arith.constant 256 : i32
      %add3A_481 = arith.addi %add3A_480, %scan3A_471 : i32
      %mul3A_482 = arith.constant 16 : i32
      %mul3A_483 = arith.muli %add3A_481, %mul3A_482 : i32
      %get3A_484 = arith.index_cast %mul3A_483 : i32 to index
      %get3A_485 = tpu.vector_load %arg10[%get3A_484] {strides = array<i32>} : memref<16384xi32, #tpu.memory_space<vmem>>, vector<16xi32>,
      %add3A_486 = arith.constant 512 : i32
      %add3A_487 = arith.addi %add3A_486, %scan3A_471 : i32
      %mul3A_488 = arith.constant 16 : i32
      %mul3A_489 = arith.muli %add3A_487, %mul3A_488 : i32
      %get3A_490 = arith.index_cast %mul3A_489 : i32 to index
      %get3A_491 = tpu.vector_load %arg10[%get3A_490] {strides = array<i32>} : memref<16384xi32, #tpu.memory_space<vmem>>, vector<16xi32>,
      %add3A_492 = arith.constant 768 : i32
      %add3A_493 = arith.addi %add3A_492, %scan3A_471 : i32
      %mul3A_494 = arith.constant 16 : i32
      %mul3A_495 = arith.muli %add3A_493, %mul3A_494 : i32
      %get3A_496 = arith.index_cast %mul3A_495 : i32 to index
      %get3A_497 = tpu.vector_load %arg10[%get3A_496] {strides = array<i32>} : memref<16384xi32, #tpu.memory_space<vmem>>, vector<16xi32>,
      %add3A_498 = arith.constant 0 : i32
      %add3A_499 = arith.addi %add3A_498, %scan3A_471 : i32
      %mul3A_500 = arith.constant 16 : i32
      %mul3A_501 = arith.muli %add3A_499, %mul3A_500 : i32
      %get3A_502 = arith.index_cast %mul3A_501 : i32 to index
      %get3A_503 = tpu.vector_load %arg11[%get3A_502] {strides = array<i32>} : memref<16384xi32, #tpu.memory_space<vmem>>, vector<16xi32>,
      %add3A_504 = arith.constant 256 : i32
      %add3A_505 = arith.addi %add3A_504, %scan3A_471 : i32
      %mul3A_506 = arith.constant 16 : i32
      %mul3A_507 = arith.muli %add3A_505, %mul3A_506 : i32
      %get3A_508 = arith.index_cast %mul3A_507 : i32 to index
      %get3A_509 = tpu.vector_load %arg11[%get3A_508] {strides = array<i32>} : memref<16384xi32, #tpu.memory_space<vmem>>, vector<16xi32>,
      %add3A_510 = arith.constant 512 : i32
      %add3A_511 = arith.addi %add3A_510, %scan3A_471 : i32
      %mul3A_512 = arith.constant 16 : i32
      %mul3A_513 = arith.muli %add3A_511, %mul3A_512 : i32
      %get3A_514 = arith.index_cast %mul3A_513 : i32 to index
      %get3A_515 = tpu.vector_load %arg11[%get3A_514] {strides = array<i32>} : memref<16384xi32, #tpu.memory_space<vmem>>, vector<16xi32>,
      %add3A_516 = arith.constant 768 : i32
      %add3A_517 = arith.addi %add3A_516, %scan3A_471 : i32
      %mul3A_518 = arith.constant 16 : i32
      %mul3A_519 = arith.muli %add3A_517, %mul3A_518 : i32
      %get3A_520 = arith.index_cast %mul3A_519 : i32 to index
      %get3A_521 = tpu.vector_load %arg11[%get3A_520] {strides = array<i32>} : memref<16384xi32, #tpu.memory_space<vmem>>, vector<16xi32>,
      %add3A_522 = arith.constant 0 : i32
      %add3A_523 = arith.addi %add3A_522, %scan3A_471 : i32
      %mul3A_524 = arith.constant 16 : i32
      %mul3A_525 = arith.muli %add3A_523, %mul3A_524 : i32
      %swap3A = arith.index_cast %mul3A_525 : i32 to index
      %swap3A_526 = tpu.vector_load %arg10[%swap3A] {strides = array<i32>} : memref<16384xi32, #tpu.memory_space<vmem>>, vector<16xi32>,
      tpu.vector_store %arg10[%swap3A], %broadcast_in_dim3A_3 {strides = array<i32>} : memref<16384xi32, #tpu.memory_space<vmem>>, vector<16xi32>,
      %add3A_527 = arith.constant 256 : i32
      %add3A_528 = arith.addi %add3A_527, %scan3A_471 : i32
      %mul3A_529 = arith.constant 16 : i32
      %mul3A_530 = arith.muli %add3A_528, %mul3A_529 : i32
      %swap3A_531 = arith.index_cast %mul3A_530 : i32 to index
      %swap3A_532 = tpu.vector_load %arg10[%swap3A_531] {strides = array<i32>} : memref<16384xi32, #tpu.memory_space<vmem>>, vector<16xi32>,
      tpu.vector_store %arg10[%swap3A_531], %broadcast_in_dim3A_3 {strides = array<i32>} : memref<16384xi32, #tpu.memory_space<vmem>>, vector<16xi32>,
      %add3A_533 = arith.constant 512 : i32
      %add3A_534 = arith.addi %add3A_533, %scan3A_471 : i32
      %mul3A_535 = arith.constant 16 : i32
      %mul3A_536 = arith.muli %add3A_534, %mul3A_535 : i32
      %swap3A_537 = arith.index_cast %mul3A_536 : i32 to index
      %swap3A_538 = tpu.vector_load %arg10[%swap3A_537] {strides = array<i32>} : memref<16384xi32, #tpu.memory_space<vmem>>, vector<16xi32>,
      tpu.vector_store %arg10[%swap3A_537], %broadcast_in_dim3A_3 {strides = array<i32>} : memref<16384xi32, #tpu.memory_space<vmem>>, vector<16xi32>,
      %add3A_539 = arith.constant 768 : i32
      %add3A_540 = arith.addi %add3A_539, %scan3A_471 : i32
      %mul3A_541 = arith.constant 16 : i32
      %mul3A_542 = arith.muli %add3A_540, %mul3A_541 : i32
      %swap3A_543 = arith.index_cast %mul3A_542 : i32 to index
      %swap3A_544 = tpu.vector_load %arg10[%swap3A_543] {strides = array<i32>} : memref<16384xi32, #tpu.memory_space<vmem>>, vector<16xi32>,
      tpu.vector_store %arg10[%swap3A_543], %broadcast_in_dim3A_3 {strides = array<i32>} : memref<16384xi32, #tpu.memory_space<vmem>>, vector<16xi32>,
      %add3A_545 = arith.constant 0 : i32
      %add3A_546 = arith.addi %add3A_545, %scan3A_471 : i32
      %mul3A_547 = arith.constant 16 : i32
      %mul3A_548 = arith.muli %add3A_546, %mul3A_547 : i32
      %swap3A_549 = arith.index_cast %mul3A_548 : i32 to index
      %swap3A_550 = tpu.vector_load %arg11[%swap3A_549] {strides = array<i32>} : memref<16384xi32, #tpu.memory_space<vmem>>, vector<16xi32>,
      tpu.vector_store %arg11[%swap3A_549], %broadcast_in_dim3A_3 {strides = array<i32>} : memref<16384xi32, #tpu.memory_space<vmem>>, vector<16xi32>,
      %add3A_551 = arith.constant 256 : i32
      %add3A_552 = arith.addi %add3A_551, %scan3A_471 : i32
      %mul3A_553 = arith.constant 16 : i32
      %mul3A_554 = arith.muli %add3A_552, %mul3A_553 : i32
      %swap3A_555 = arith.index_cast %mul3A_554 : i32 to index
      %swap3A_556 = tpu.vector_load %arg11[%swap3A_555] {strides = array<i32>} : memref<16384xi32, #tpu.memory_space<vmem>>, vector<16xi32>,
      tpu.vector_store %arg11[%swap3A_555], %broadcast_in_dim3A_3 {strides = array<i32>} : memref<16384xi32, #tpu.memory_space<vmem>>, vector<16xi32>,
      %add3A_557 = arith.constant 512 : i32
      %add3A_558 = arith.addi %add3A_557, %scan3A_471 : i32
      %mul3A_559 = arith.constant 16 : i32
      %mul3A_560 = arith.muli %add3A_558, %mul3A_559 : i32
      %swap3A_561 = arith.index_cast %mul3A_560 : i32 to index
      %swap3A_562 = tpu.vector_load %arg11[%swap3A_561] {strides = array<i32>} : memref<16384xi32, #tpu.memory_space<vmem>>, vector<16xi32>,
      tpu.vector_store %arg11[%swap3A_561], %broadcast_in_dim3A_3 {strides = array<i32>} : memref<16384xi32, #tpu.memory_space<vmem>>, vector<16xi32>,
      %add3A_563 = arith.constant 768 : i32
      %add3A_564 = arith.addi %add3A_563, %scan3A_471 : i32
      %mul3A_565 = arith.constant 16 : i32
      %mul3A_566 = arith.muli %add3A_564, %mul3A_565 : i32
      %swap3A_567 = arith.index_cast %mul3A_566 : i32 to index
      %swap3A_568 = tpu.vector_load %arg11[%swap3A_567] {strides = array<i32>} : memref<16384xi32, #tpu.memory_space<vmem>>, vector<16xi32>,
      tpu.vector_store %arg11[%swap3A_567], %broadcast_in_dim3A_3 {strides = array<i32>} : memref<16384xi32, #tpu.memory_space<vmem>>, vector<16xi32>,
      %add3A_569 = arith.addi %get3A_479, %get3A_485 : vector<16xi32>
      %add3A_570 = arith.addi %get3A_491, %get3A_497 : vector<16xi32>
      %add3A_571 = arith.addi %add3A_569, %add3A_570 : vector<16xi32>
      %add3A_572 = arith.addi %get3A_503, %get3A_509 : vector<16xi32>
      %add3A_573 = arith.addi %get3A_515, %get3A_521 : vector<16xi32>
      %add3A_574 = arith.addi %add3A_572, %add3A_573 : vector<16xi32>
      %broadcast_in_dim3A_575 = arith.constant true
      %broadcast_in_dim3A_576 = vector.broadcast %broadcast_in_dim3A_575 : i1 to vector<16xi1>
      %masked_cumsum3A = tpu.scan <sum>, %add3A_571 masked %broadcast_in_dim3A_576 : vector<16xi32>, vector<16xi1> -> vector<16xi32>
      %broadcast_in_dim3A_577 = arith.constant true
      %broadcast_in_dim3A_578 = vector.broadcast %broadcast_in_dim3A_577 : i1 to vector<16xi1>
      %masked_cumsum3A_579 = tpu.scan <sum>, %add3A_574 masked %broadcast_in_dim3A_578 : vector<16xi32>, vector<16xi1> -> vector<16xi32>
      %sub3A = arith.subi %masked_cumsum3A, %add3A_571 : vector<16xi32>
      %add3A_580 = arith.addi %sub3A, %scan3A_472 : vector<16xi32>
      %sub3A_581 = arith.subi %masked_cumsum3A_579, %add3A_574 : vector<16xi32>
      %add3A_582 = arith.addi %sub3A_581, %scan3A_473 : vector<16xi32>
      %lt3A = arith.constant 0 : i32
      %lt3A_583 = vector.broadcast %lt3A : i32 to vector<16xi32>
      %lt3A_584 = arith.cmpi slt, %broadcast_in_dim3A_7, %lt3A_583 : vector<16xi32>
      %add3A_585 = arith.constant 16 : i32
      %add3A_586 = vector.broadcast %add3A_585 : i32 to vector<16xi32>
      %add3A_587 = arith.addi %broadcast_in_dim3A_7, %add3A_586 : vector<16xi32>
      %select_n3A = arith.select %lt3A_584, %add3A_587, %broadcast_in_dim3A_7 : vector<16xi1>, vector<16xi32>
      %broadcast_in_dim3A_588 = vector.shape_cast %select_n3A : vector<16xi32> to vector<16x1xi32>
      %gather3A_589 = vector.shape_cast %broadcast_in_dim3A_588 : vector<16x1xi32> to vector<16xi32>
      %gather3A_590 = tpu.dynamic_gather %masked_cumsum3A[%gather3A_589] in [0] : vector<16xi32>, vector<16xi32> -> vector<16xi32>
      %lt3A_591 = arith.constant 0 : i32
      %lt3A_592 = vector.broadcast %lt3A_591 : i32 to vector<16xi32>
      %lt3A_593 = arith.cmpi slt, %broadcast_in_dim3A_7, %lt3A_592 : vector<16xi32>
      %add3A_594 = arith.constant 16 : i32
      %add3A_595 = vector.broadcast %add3A_594 : i32 to vector<16xi32>
      %add3A_596 = arith.addi %broadcast_in_dim3A_7, %add3A_595 : vector<16xi32>
      %select_n3A_597 = arith.select %lt3A_593, %add3A_596, %broadcast_in_dim3A_7 : vector<16xi1>, vector<16xi32>
      %broadcast_in_dim3A_598 = vector.shape_cast %select_n3A_597 : vector<16xi32> to vector<16x1xi32>
      %gather3A_599 = vector.shape_cast %broadcast_in_dim3A_598 : vector<16x1xi32> to vector<16xi32>
      %gather3A_600 = tpu.dynamic_gather %masked_cumsum3A_579[%gather3A_599] in [0] : vector<16xi32>, vector<16xi32> -> vector<16xi32>
      %add3A_601 = arith.addi %scan3A_472, %gather3A_590 : vector<16xi32>
      %add3A_602 = arith.addi %scan3A_473, %gather3A_600 : vector<16xi32>
      %mul3A_603 = arith.constant 16 : i32
      %mul3A_604 = arith.muli %scan3A_471, %mul3A_603 : i32
      %swap3A_605 = arith.index_cast %mul3A_604 : i32 to index
      %swap3A_606 = tpu.vector_load %arg12[%swap3A_605] {strides = array<i32>} : memref<4096xi32, #tpu.memory_space<vmem>>, vector<16xi32>,
      tpu.vector_store %arg12[%swap3A_605], %add3A_580 {strides = array<i32>} : memref<4096xi32, #tpu.memory_space<vmem>>, vector<16xi32>,
      %add3A_607 = arith.addi %add3A_580, %get3A_479 : vector<16xi32>
      %mul3A_608 = arith.constant 16 : i32
      %mul3A_609 = arith.muli %scan3A_471, %mul3A_608 : i32
      %swap3A_610 = arith.index_cast %mul3A_609 : i32 to index
      %swap3A_611 = tpu.vector_load %arg13[%swap3A_610] {strides = array<i32>} : memref<4096xi32, #tpu.memory_space<vmem>>, vector<16xi32>,
      tpu.vector_store %arg13[%swap3A_610], %add3A_607 {strides = array<i32>} : memref<4096xi32, #tpu.memory_space<vmem>>, vector<16xi32>,
      %add3A_612 = arith.addi %add3A_607, %get3A_485 : vector<16xi32>
      %mul3A_613 = arith.constant 16 : i32
      %mul3A_614 = arith.muli %scan3A_471, %mul3A_613 : i32
      %swap3A_615 = arith.index_cast %mul3A_614 : i32 to index
      %swap3A_616 = tpu.vector_load %arg14[%swap3A_615] {strides = array<i32>} : memref<4096xi32, #tpu.memory_space<vmem>>, vector<16xi32>,
      tpu.vector_store %arg14[%swap3A_615], %add3A_612 {strides = array<i32>} : memref<4096xi32, #tpu.memory_space<vmem>>, vector<16xi32>,
      %add3A_617 = arith.addi %add3A_612, %get3A_491 : vector<16xi32>
      %mul3A_618 = arith.constant 16 : i32
      %mul3A_619 = arith.muli %scan3A_471, %mul3A_618 : i32
      %swap3A_620 = arith.index_cast %mul3A_619 : i32 to index
      %swap3A_621 = tpu.vector_load %arg15[%swap3A_620] {strides = array<i32>} : memref<4096xi32, #tpu.memory_space<vmem>>, vector<16xi32>,
      tpu.vector_store %arg15[%swap3A_620], %add3A_617 {strides = array<i32>} : memref<4096xi32, #tpu.memory_space<vmem>>, vector<16xi32>,
      %mul3A_622 = arith.constant 16 : i32
      %mul3A_623 = arith.muli %scan3A_471, %mul3A_622 : i32
      %swap3A_624 = arith.index_cast %mul3A_623 : i32 to index
      %swap3A_625 = tpu.vector_load %arg16[%swap3A_624] {strides = array<i32>} : memref<4096xi32, #tpu.memory_space<vmem>>, vector<16xi32>,
      tpu.vector_store %arg16[%swap3A_624], %add3A_582 {strides = array<i32>} : memref<4096xi32, #tpu.memory_space<vmem>>, vector<16xi32>,
      %add3A_626 = arith.addi %add3A_582, %get3A_503 : vector<16xi32>
      %mul3A_627 = arith.constant 16 : i32
      %mul3A_628 = arith.muli %scan3A_471, %mul3A_627 : i32
      %swap3A_629 = arith.index_cast %mul3A_628 : i32 to index
      %swap3A_630 = tpu.vector_load %arg17[%swap3A_629] {strides = array<i32>} : memref<4096xi32, #tpu.memory_space<vmem>>, vector<16xi32>,
      tpu.vector_store %arg17[%swap3A_629], %add3A_626 {strides = array<i32>} : memref<4096xi32, #tpu.memory_space<vmem>>, vector<16xi32>,
      %add3A_631 = arith.addi %add3A_626, %get3A_509 : vector<16xi32>
      %mul3A_632 = arith.constant 16 : i32
      %mul3A_633 = arith.muli %scan3A_471, %mul3A_632 : i32
      %swap3A_634 = arith.index_cast %mul3A_633 : i32 to index
      %swap3A_635 = tpu.vector_load %arg18[%swap3A_634] {strides = array<i32>} : memref<4096xi32, #tpu.memory_space<vmem>>, vector<16xi32>,
      tpu.vector_store %arg18[%swap3A_634], %add3A_631 {strides = array<i32>} : memref<4096xi32, #tpu.memory_space<vmem>>, vector<16xi32>,
      %add3A_636 = arith.addi %add3A_631, %get3A_515 : vector<16xi32>
      %mul3A_637 = arith.constant 16 : i32
      %mul3A_638 = arith.muli %scan3A_471, %mul3A_637 : i32
      %swap3A_639 = arith.index_cast %mul3A_638 : i32 to index
      %swap3A_640 = tpu.vector_load %arg19[%swap3A_639] {strides = array<i32>} : memref<4096xi32, #tpu.memory_space<vmem>>, vector<16xi32>,
      tpu.vector_store %arg19[%swap3A_639], %add3A_636 {strides = array<i32>} : memref<4096xi32, #tpu.memory_space<vmem>>, vector<16xi32>,
      scf.yield %add3A_601, %add3A_602 : vector<16xi32>, vector<16xi32>
    }
    %scan3A_276 = arith.constant 256 : i32
    %add3A_277 = arith.constant 0 : i32
    %add3A_278 = vector.broadcast %add3A_277 : i32 to vector<16xi32>
    %add3A_279 = arith.addi %add3A_11, %add3A_278 : vector<16xi32>
    %add3A_280 = arith.constant 128 : i32
    %add3A_281 = vector.broadcast %add3A_280 : i32 to vector<16xi32>
    %add3A_282 = arith.addi %add3A_11, %add3A_281 : vector<16xi32>
    %add3A_283 = arith.constant 256 : i32
    %add3A_284 = vector.broadcast %add3A_283 : i32 to vector<16xi32>
    %add3A_285 = arith.addi %add3A_11, %add3A_284 : vector<16xi32>
    %add3A_286 = arith.constant 384 : i32
    %add3A_287 = vector.broadcast %add3A_286 : i32 to vector<16xi32>
    %add3A_288 = arith.addi %add3A_11, %add3A_287 : vector<16xi32>
    %gather3A_289 = tpu.vector_load_idx %arg7[%add3A_279] : memref<8208xi32, #tpu.memory_space<vmem>>[vector<16xi32>], vector<16xi32>,
    %gather3A_290 = tpu.vector_load_idx %arg7[%add3A_282] : memref<8208xi32, #tpu.memory_space<vmem>>[vector<16xi32>], vector<16xi32>,
    %gather3A_291 = tpu.vector_load_idx %arg7[%add3A_285] : memref<8208xi32, #tpu.memory_space<vmem>>[vector<16xi32>], vector<16xi32>,
    %gather3A_292 = tpu.vector_load_idx %arg7[%add3A_288] : memref<8208xi32, #tpu.memory_space<vmem>>[vector<16xi32>], vector<16xi32>,
    %gather3A_293 = tpu.vector_load_idx %arg9[%add3A_279] : memref<8208xi32, #tpu.memory_space<vmem>>[vector<16xi32>], vector<16xi32>,
    %gather3A_294 = tpu.vector_load_idx %arg9[%add3A_282] : memref<8208xi32, #tpu.memory_space<vmem>>[vector<16xi32>], vector<16xi32>,
    %gather3A_295 = tpu.vector_load_idx %arg9[%add3A_285] : memref<8208xi32, #tpu.memory_space<vmem>>[vector<16xi32>], vector<16xi32>,
    %gather3A_296 = tpu.vector_load_idx %arg9[%add3A_288] : memref<8208xi32, #tpu.memory_space<vmem>>[vector<16xi32>], vector<16xi32>,
    %shift_right_logical3A_297 = arith.constant 12 : i32
    %shift_right_logical3A_298 = vector.broadcast %shift_right_logical3A_297 : i32 to vector<16xi32>
    %shift_right_logical3A_299 = arith.shrui %gather3A_289, %shift_right_logical3A_298 : vector<16xi32>
    %shift_right_logical3A_300 = arith.constant 12 : i32
    %shift_right_logical3A_301 = vector.broadcast %shift_right_logical3A_300 : i32 to vector<16xi32>
    %shift_right_logical3A_302 = arith.shrui %gather3A_290, %shift_right_logical3A_301 : vector<16xi32>
    %shift_right_logical3A_303 = arith.constant 12 : i32
    %shift_right_logical3A_304 = vector.broadcast %shift_right_logical3A_303 : i32 to vector<16xi32>
    %shift_right_logical3A_305 = arith.shrui %gather3A_291, %shift_right_logical3A_304 : vector<16xi32>
    %shift_right_logical3A_306 = arith.constant 12 : i32
    %shift_right_logical3A_307 = vector.broadcast %shift_right_logical3A_306 : i32 to vector<16xi32>
    %shift_right_logical3A_308 = arith.shrui %gather3A_292, %shift_right_logical3A_307 : vector<16xi32>
    %shift_right_logical3A_309 = arith.constant 12 : i32
    %shift_right_logical3A_310 = vector.broadcast %shift_right_logical3A_309 : i32 to vector<16xi32>
    %shift_right_logical3A_311 = arith.shrui %gather3A_293, %shift_right_logical3A_310 : vector<16xi32>
    %shift_right_logical3A_312 = arith.constant 12 : i32
    %shift_right_logical3A_313 = vector.broadcast %shift_right_logical3A_312 : i32 to vector<16xi32>
    %shift_right_logical3A_314 = arith.shrui %gather3A_294, %shift_right_logical3A_313 : vector<16xi32>
    %shift_right_logical3A_315 = arith.constant 12 : i32
    %shift_right_logical3A_316 = vector.broadcast %shift_right_logical3A_315 : i32 to vector<16xi32>
    %shift_right_logical3A_317 = arith.shrui %gather3A_295, %shift_right_logical3A_316 : vector<16xi32>
    %shift_right_logical3A_318 = arith.constant 12 : i32
    %shift_right_logical3A_319 = vector.broadcast %shift_right_logical3A_318 : i32 to vector<16xi32>
    %shift_right_logical3A_320 = arith.shrui %gather3A_296, %shift_right_logical3A_319 : vector<16xi32>
    %and3A_321 = arith.constant 4080 : i32
    %and3A_322 = vector.broadcast %and3A_321 : i32 to vector<16xi32>
    %and3A_323 = arith.andi %shift_right_logical3A_299, %and3A_322 : vector<16xi32>
    %and3A_324 = arith.constant 4080 : i32
    %and3A_325 = vector.broadcast %and3A_324 : i32 to vector<16xi32>
    %and3A_326 = arith.andi %shift_right_logical3A_302, %and3A_325 : vector<16xi32>
    %and3A_327 = arith.constant 4080 : i32
    %and3A_328 = vector.broadcast %and3A_327 : i32 to vector<16xi32>
    %and3A_329 = arith.andi %shift_right_logical3A_305, %and3A_328 : vector<16xi32>
    %and3A_330 = arith.constant 4080 : i32
    %and3A_331 = vector.broadcast %and3A_330 : i32 to vector<16xi32>
    %and3A_332 = arith.andi %shift_right_logical3A_308, %and3A_331 : vector<16xi32>
    %and3A_333 = arith.constant 4080 : i32
    %and3A_334 = vector.broadcast %and3A_333 : i32 to vector<16xi32>
    %and3A_335 = arith.andi %shift_right_logical3A_311, %and3A_334 : vector<16xi32>
    %and3A_336 = arith.constant 4080 : i32
    %and3A_337 = vector.broadcast %and3A_336 : i32 to vector<16xi32>
    %and3A_338 = arith.andi %shift_right_logical3A_314, %and3A_337 : vector<16xi32>
    %and3A_339 = arith.constant 4080 : i32
    %and3A_340 = vector.broadcast %and3A_339 : i32 to vector<16xi32>
    %and3A_341 = arith.andi %shift_right_logical3A_317, %and3A_340 : vector<16xi32>
    %and3A_342 = arith.constant 4080 : i32
    %and3A_343 = vector.broadcast %and3A_342 : i32 to vector<16xi32>
    %and3A_344 = arith.andi %shift_right_logical3A_320, %and3A_343 : vector<16xi32>
    %or3A_345 = arith.ori %and3A_323, %iota3A : vector<16xi32>
    %or3A_346 = arith.ori %and3A_326, %iota3A : vector<16xi32>
    %or3A_347 = arith.ori %and3A_329, %iota3A : vector<16xi32>
    %or3A_348 = arith.ori %and3A_332, %iota3A : vector<16xi32>
    %or3A_349 = arith.ori %and3A_335, %iota3A : vector<16xi32>
    %or3A_350 = arith.ori %and3A_338, %iota3A : vector<16xi32>
    %or3A_351 = arith.ori %and3A_341, %iota3A : vector<16xi32>
    %or3A_352 = arith.ori %and3A_344, %iota3A : vector<16xi32>
    %scan3A_353 = arith.constant 0 : i32
    %scan3A_354 = arith.constant 128 : i32
    %scan3A_355 = arith.addi %scan3A_353, %scan3A_354 : i32
    %scan3A_356 = arith.constant 1 : i32
    %scan3A_357:16 = scf.for %scan3A_471 = %scan3A_353 to %scan3A_355 step %scan3A_356 iter_args(%scan3A_472 = %gather3A_289, %scan3A_473 = %gather3A_290, %scan3A_474 = %gather3A_291, %scan3A_475 = %gather3A_292, %scan3A_476 = %gather3A_293, %scan3A_477 = %gather3A_294, %scan3A_478 = %gather3A_295, %scan3A_479 = %gather3A_296, %scan3A_480 = %or3A_345, %scan3A_481 = %or3A_346, %scan3A_482 = %or3A_347, %scan3A_483 = %or3A_348, %scan3A_484 = %or3A_349, %scan3A_485 = %or3A_350, %scan3A_486 = %or3A_351, %scan3A_487 = %or3A_352) -> (vector<16xi32>, vector<16xi32>, vector<16xi32>, vector<16xi32>, vector<16xi32>, vector<16xi32>, vector<16xi32>, vector<16xi32>, vector<16xi32>, vector<16xi32>, vector<16xi32>, vector<16xi32>, vector<16xi32>, vector<16xi32>, vector<16xi32>, vector<16xi32>)  : i32 {
      %gather3A_488 = tpu.vector_load_idx %arg12[%scan3A_480] : memref<4096xi32, #tpu.memory_space<vmem>>[vector<16xi32>], vector<16xi32>,
      %gather3A_489 = tpu.vector_load_idx %arg13[%scan3A_481] : memref<4096xi32, #tpu.memory_space<vmem>>[vector<16xi32>], vector<16xi32>,
      %gather3A_490 = tpu.vector_load_idx %arg14[%scan3A_482] : memref<4096xi32, #tpu.memory_space<vmem>>[vector<16xi32>], vector<16xi32>,
      %gather3A_491 = tpu.vector_load_idx %arg15[%scan3A_483] : memref<4096xi32, #tpu.memory_space<vmem>>[vector<16xi32>], vector<16xi32>,
      %gather3A_492 = tpu.vector_load_idx %arg16[%scan3A_484] : memref<4096xi32, #tpu.memory_space<vmem>>[vector<16xi32>], vector<16xi32>,
      %gather3A_493 = tpu.vector_load_idx %arg17[%scan3A_485] : memref<4096xi32, #tpu.memory_space<vmem>>[vector<16xi32>], vector<16xi32>,
      %gather3A_494 = tpu.vector_load_idx %arg18[%scan3A_486] : memref<4096xi32, #tpu.memory_space<vmem>>[vector<16xi32>], vector<16xi32>,
      %gather3A_495 = tpu.vector_load_idx %arg19[%scan3A_487] : memref<4096xi32, #tpu.memory_space<vmem>>[vector<16xi32>], vector<16xi32>,
      %shift_right_logical3A_496 = arith.constant 9 : i32
      %shift_right_logical3A_497 = vector.broadcast %shift_right_logical3A_496 : i32 to vector<16xi32>
      %shift_right_logical3A_498 = arith.shrui %gather3A_488, %shift_right_logical3A_497 : vector<16xi32>
      %shift_right_logical3A_499 = arith.constant 9 : i32
      %shift_right_logical3A_500 = vector.broadcast %shift_right_logical3A_499 : i32 to vector<16xi32>
      %shift_right_logical3A_501 = arith.shrui %gather3A_489, %shift_right_logical3A_500 : vector<16xi32>
      %shift_right_logical3A_502 = arith.constant 9 : i32
      %shift_right_logical3A_503 = vector.broadcast %shift_right_logical3A_502 : i32 to vector<16xi32>
      %shift_right_logical3A_504 = arith.shrui %gather3A_490, %shift_right_logical3A_503 : vector<16xi32>
      %shift_right_logical3A_505 = arith.constant 9 : i32
      %shift_right_logical3A_506 = vector.broadcast %shift_right_logical3A_505 : i32 to vector<16xi32>
      %shift_right_logical3A_507 = arith.shrui %gather3A_491, %shift_right_logical3A_506 : vector<16xi32>
      %shift_right_logical3A_508 = arith.constant 9 : i32
      %shift_right_logical3A_509 = vector.broadcast %shift_right_logical3A_508 : i32 to vector<16xi32>
      %shift_right_logical3A_510 = arith.shrui %gather3A_492, %shift_right_logical3A_509 : vector<16xi32>
      %shift_right_logical3A_511 = arith.constant 9 : i32
      %shift_right_logical3A_512 = vector.broadcast %shift_right_logical3A_511 : i32 to vector<16xi32>
      %shift_right_logical3A_513 = arith.shrui %gather3A_493, %shift_right_logical3A_512 : vector<16xi32>
      %shift_right_logical3A_514 = arith.constant 9 : i32
      %shift_right_logical3A_515 = vector.broadcast %shift_right_logical3A_514 : i32 to vector<16xi32>
      %shift_right_logical3A_516 = arith.shrui %gather3A_494, %shift_right_logical3A_515 : vector<16xi32>
      %shift_right_logical3A_517 = arith.constant 9 : i32
      %shift_right_logical3A_518 = vector.broadcast %shift_right_logical3A_517 : i32 to vector<16xi32>
      %shift_right_logical3A_519 = arith.shrui %gather3A_495, %shift_right_logical3A_518 : vector<16xi32>
      %add3A_520 = arith.addi %gather3A_488, %shift_right_logical3A_498 : vector<16xi32>
      %add3A_521 = arith.addi %gather3A_489, %shift_right_logical3A_501 : vector<16xi32>
      %add3A_522 = arith.addi %gather3A_490, %shift_right_logical3A_504 : vector<16xi32>
      %add3A_523 = arith.addi %gather3A_491, %shift_right_logical3A_507 : vector<16xi32>
      %add3A_524 = arith.addi %gather3A_492, %shift_right_logical3A_510 : vector<16xi32>
      %add3A_525 = arith.addi %gather3A_493, %shift_right_logical3A_513 : vector<16xi32>
      %add3A_526 = arith.addi %gather3A_494, %shift_right_logical3A_516 : vector<16xi32>
      %add3A_527 = arith.addi %gather3A_495, %shift_right_logical3A_519 : vector<16xi32>
      %shift_left3A_528 = arith.constant 5 : i32
      %shift_left3A_529 = vector.broadcast %shift_left3A_528 : i32 to vector<16xi32>
      %shift_left3A_530 = arith.shli %gather3A_488, %shift_left3A_529 : vector<16xi32>
      %and3A_531 = arith.constant 12288 : i32
      %and3A_532 = vector.broadcast %and3A_531 : i32 to vector<16xi32>
      %and3A_533 = arith.andi %shift_left3A_530, %and3A_532 : vector<16xi32>
      %shift_left3A_534 = arith.constant 5 : i32
      %shift_left3A_535 = vector.broadcast %shift_left3A_534 : i32 to vector<16xi32>
      %shift_left3A_536 = arith.shli %gather3A_489, %shift_left3A_535 : vector<16xi32>
      %and3A_537 = arith.constant 12288 : i32
      %and3A_538 = vector.broadcast %and3A_537 : i32 to vector<16xi32>
      %and3A_539 = arith.andi %shift_left3A_536, %and3A_538 : vector<16xi32>
      %shift_left3A_540 = arith.constant 5 : i32
      %shift_left3A_541 = vector.broadcast %shift_left3A_540 : i32 to vector<16xi32>
      %shift_left3A_542 = arith.shli %gather3A_490, %shift_left3A_541 : vector<16xi32>
      %and3A_543 = arith.constant 12288 : i32
      %and3A_544 = vector.broadcast %and3A_543 : i32 to vector<16xi32>
      %and3A_545 = arith.andi %shift_left3A_542, %and3A_544 : vector<16xi32>
      %shift_left3A_546 = arith.constant 5 : i32
      %shift_left3A_547 = vector.broadcast %shift_left3A_546 : i32 to vector<16xi32>
      %shift_left3A_548 = arith.shli %gather3A_491, %shift_left3A_547 : vector<16xi32>
      %and3A_549 = arith.constant 12288 : i32
      %and3A_550 = vector.broadcast %and3A_549 : i32 to vector<16xi32>
      %and3A_551 = arith.andi %shift_left3A_548, %and3A_550 : vector<16xi32>
      %shift_left3A_552 = arith.constant 5 : i32
      %shift_left3A_553 = vector.broadcast %shift_left3A_552 : i32 to vector<16xi32>
      %shift_left3A_554 = arith.shli %gather3A_492, %shift_left3A_553 : vector<16xi32>
      %and3A_555 = arith.constant 12288 : i32
      %and3A_556 = vector.broadcast %and3A_555 : i32 to vector<16xi32>
      %and3A_557 = arith.andi %shift_left3A_554, %and3A_556 : vector<16xi32>
      %shift_left3A_558 = arith.constant 5 : i32
      %shift_left3A_559 = vector.broadcast %shift_left3A_558 : i32 to vector<16xi32>
      %shift_left3A_560 = arith.shli %gather3A_493, %shift_left3A_559 : vector<16xi32>
      %and3A_561 = arith.constant 12288 : i32
      %and3A_562 = vector.broadcast %and3A_561 : i32 to vector<16xi32>
      %and3A_563 = arith.andi %shift_left3A_560, %and3A_562 : vector<16xi32>
      %shift_left3A_564 = arith.constant 5 : i32
      %shift_left3A_565 = vector.broadcast %shift_left3A_564 : i32 to vector<16xi32>
      %shift_left3A_566 = arith.shli %gather3A_494, %shift_left3A_565 : vector<16xi32>
      %and3A_567 = arith.constant 12288 : i32
      %and3A_568 = vector.broadcast %and3A_567 : i32 to vector<16xi32>
      %and3A_569 = arith.andi %shift_left3A_566, %and3A_568 : vector<16xi32>
      %shift_left3A_570 = arith.constant 5 : i32
      %shift_left3A_571 = vector.broadcast %shift_left3A_570 : i32 to vector<16xi32>
      %shift_left3A_572 = arith.shli %gather3A_495, %shift_left3A_571 : vector<16xi32>
      %and3A_573 = arith.constant 12288 : i32
      %and3A_574 = vector.broadcast %and3A_573 : i32 to vector<16xi32>
      %and3A_575 = arith.andi %shift_left3A_572, %and3A_574 : vector<16xi32>
      %shift_right_logical3A_576 = arith.constant 20 : i32
      %shift_right_logical3A_577 = vector.broadcast %shift_right_logical3A_576 : i32 to vector<16xi32>
      %shift_right_logical3A_578 = arith.shrui %scan3A_472, %shift_right_logical3A_577 : vector<16xi32>
      %shift_right_logical3A_579 = arith.constant 20 : i32
      %shift_right_logical3A_580 = vector.broadcast %shift_right_logical3A_579 : i32 to vector<16xi32>
      %shift_right_logical3A_581 = arith.shrui %scan3A_473, %shift_right_logical3A_580 : vector<16xi32>
      %shift_right_logical3A_582 = arith.constant 20 : i32
      %shift_right_logical3A_583 = vector.broadcast %shift_right_logical3A_582 : i32 to vector<16xi32>
      %shift_right_logical3A_584 = arith.shrui %scan3A_474, %shift_right_logical3A_583 : vector<16xi32>
      %shift_right_logical3A_585 = arith.constant 20 : i32
      %shift_right_logical3A_586 = vector.broadcast %shift_right_logical3A_585 : i32 to vector<16xi32>
      %shift_right_logical3A_587 = arith.shrui %scan3A_475, %shift_right_logical3A_586 : vector<16xi32>
      %shift_right_logical3A_588 = arith.constant 20 : i32
      %shift_right_logical3A_589 = vector.broadcast %shift_right_logical3A_588 : i32 to vector<16xi32>
      %shift_right_logical3A_590 = arith.shrui %scan3A_476, %shift_right_logical3A_589 : vector<16xi32>
      %shift_right_logical3A_591 = arith.constant 20 : i32
      %shift_right_logical3A_592 = vector.broadcast %shift_right_logical3A_591 : i32 to vector<16xi32>
      %shift_right_logical3A_593 = arith.shrui %scan3A_477, %shift_right_logical3A_592 : vector<16xi32>
      %shift_right_logical3A_594 = arith.constant 20 : i32
      %shift_right_logical3A_595 = vector.broadcast %shift_right_logical3A_594 : i32 to vector<16xi32>
      %shift_right_logical3A_596 = arith.shrui %scan3A_478, %shift_right_logical3A_595 : vector<16xi32>
      %shift_right_logical3A_597 = arith.constant 20 : i32
      %shift_right_logical3A_598 = vector.broadcast %shift_right_logical3A_597 : i32 to vector<16xi32>
      %shift_right_logical3A_599 = arith.shrui %scan3A_479, %shift_right_logical3A_598 : vector<16xi32>
      %and3A_600 = arith.constant 4080 : i32
      %and3A_601 = vector.broadcast %and3A_600 : i32 to vector<16xi32>
      %and3A_602 = arith.andi %shift_right_logical3A_578, %and3A_601 : vector<16xi32>
      %and3A_603 = arith.constant 4080 : i32
      %and3A_604 = vector.broadcast %and3A_603 : i32 to vector<16xi32>
      %and3A_605 = arith.andi %shift_right_logical3A_581, %and3A_604 : vector<16xi32>
      %and3A_606 = arith.constant 4080 : i32
      %and3A_607 = vector.broadcast %and3A_606 : i32 to vector<16xi32>
      %and3A_608 = arith.andi %shift_right_logical3A_584, %and3A_607 : vector<16xi32>
      %and3A_609 = arith.constant 4080 : i32
      %and3A_610 = vector.broadcast %and3A_609 : i32 to vector<16xi32>
      %and3A_611 = arith.andi %shift_right_logical3A_587, %and3A_610 : vector<16xi32>
      %and3A_612 = arith.constant 4080 : i32
      %and3A_613 = vector.broadcast %and3A_612 : i32 to vector<16xi32>
      %and3A_614 = arith.andi %shift_right_logical3A_590, %and3A_613 : vector<16xi32>
      %and3A_615 = arith.constant 4080 : i32
      %and3A_616 = vector.broadcast %and3A_615 : i32 to vector<16xi32>
      %and3A_617 = arith.andi %shift_right_logical3A_593, %and3A_616 : vector<16xi32>
      %and3A_618 = arith.constant 4080 : i32
      %and3A_619 = vector.broadcast %and3A_618 : i32 to vector<16xi32>
      %and3A_620 = arith.andi %shift_right_logical3A_596, %and3A_619 : vector<16xi32>
      %and3A_621 = arith.constant 4080 : i32
      %and3A_622 = vector.broadcast %and3A_621 : i32 to vector<16xi32>
      %and3A_623 = arith.andi %shift_right_logical3A_599, %and3A_622 : vector<16xi32>
      %or3A_624 = arith.ori %and3A_533, %shift_right_logical3A_498 : vector<16xi32>
      %or3A_625 = arith.ori %and3A_539, %shift_right_logical3A_501 : vector<16xi32>
      %or3A_626 = arith.ori %and3A_545, %shift_right_logical3A_504 : vector<16xi32>
      %or3A_627 = arith.ori %and3A_551, %shift_right_logical3A_507 : vector<16xi32>
      %or3A_628 = arith.ori %and3A_557, %shift_right_logical3A_510 : vector<16xi32>
      %or3A_629 = arith.ori %and3A_563, %shift_right_logical3A_513 : vector<16xi32>
      %or3A_630 = arith.ori %and3A_569, %shift_right_logical3A_516 : vector<16xi32>
      %or3A_631 = arith.ori %and3A_575, %shift_right_logical3A_519 : vector<16xi32>
      %or3A_632 = arith.ori %or3A_624, %and3A_602 : vector<16xi32>
      %or3A_633 = arith.ori %or3A_625, %and3A_605 : vector<16xi32>
      %or3A_634 = arith.ori %or3A_626, %and3A_608 : vector<16xi32>
      %or3A_635 = arith.ori %or3A_627, %and3A_611 : vector<16xi32>
      %or3A_636 = arith.ori %or3A_628, %and3A_614 : vector<16xi32>
      %or3A_637 = arith.ori %or3A_629, %and3A_617 : vector<16xi32>
      %or3A_638 = arith.ori %or3A_630, %and3A_620 : vector<16xi32>
      %or3A_639 = arith.ori %or3A_631, %and3A_623 : vector<16xi32>
      tpu.vector_store_idx %arg6[%add3A_520], %scan3A_472 : memref<8208xi32, #tpu.memory_space<vmem>>[vector<16xi32>], vector<16xi32>,
      tpu.vector_store_idx %arg6[%add3A_521], %scan3A_473 : memref<8208xi32, #tpu.memory_space<vmem>>[vector<16xi32>], vector<16xi32>,
      tpu.vector_store_idx %arg6[%add3A_522], %scan3A_474 : memref<8208xi32, #tpu.memory_space<vmem>>[vector<16xi32>], vector<16xi32>,
      tpu.vector_store_idx %arg6[%add3A_523], %scan3A_475 : memref<8208xi32, #tpu.memory_space<vmem>>[vector<16xi32>], vector<16xi32>,
      tpu.vector_store_idx %arg8[%add3A_524], %scan3A_476 : memref<8208xi32, #tpu.memory_space<vmem>>[vector<16xi32>], vector<16xi32>,
      tpu.vector_store_idx %arg8[%add3A_525], %scan3A_477 : memref<8208xi32, #tpu.memory_space<vmem>>[vector<16xi32>], vector<16xi32>,
      tpu.vector_store_idx %arg8[%add3A_526], %scan3A_478 : memref<8208xi32, #tpu.memory_space<vmem>>[vector<16xi32>], vector<16xi32>,
      tpu.vector_store_idx %arg8[%add3A_527], %scan3A_479 : memref<8208xi32, #tpu.memory_space<vmem>>[vector<16xi32>], vector<16xi32>,
      tpu.vector_store_idx %arg12[%scan3A_480], %broadcast_in_dim3A_1 {add = true} : memref<4096xi32, #tpu.memory_space<vmem>>[vector<16xi32>], vector<16xi32>,
      tpu.vector_store_idx %arg13[%scan3A_481], %broadcast_in_dim3A_1 {add = true} : memref<4096xi32, #tpu.memory_space<vmem>>[vector<16xi32>], vector<16xi32>,
      tpu.vector_store_idx %arg14[%scan3A_482], %broadcast_in_dim3A_1 {add = true} : memref<4096xi32, #tpu.memory_space<vmem>>[vector<16xi32>], vector<16xi32>,
      tpu.vector_store_idx %arg15[%scan3A_483], %broadcast_in_dim3A_1 {add = true} : memref<4096xi32, #tpu.memory_space<vmem>>[vector<16xi32>], vector<16xi32>,
      tpu.vector_store_idx %arg16[%scan3A_484], %broadcast_in_dim3A_1 {add = true} : memref<4096xi32, #tpu.memory_space<vmem>>[vector<16xi32>], vector<16xi32>,
      tpu.vector_store_idx %arg17[%scan3A_485], %broadcast_in_dim3A_1 {add = true} : memref<4096xi32, #tpu.memory_space<vmem>>[vector<16xi32>], vector<16xi32>,
      tpu.vector_store_idx %arg18[%scan3A_486], %broadcast_in_dim3A_1 {add = true} : memref<4096xi32, #tpu.memory_space<vmem>>[vector<16xi32>], vector<16xi32>,
      tpu.vector_store_idx %arg19[%scan3A_487], %broadcast_in_dim3A_1 {add = true} : memref<4096xi32, #tpu.memory_space<vmem>>[vector<16xi32>], vector<16xi32>,
      tpu.vector_store_idx %arg10[%or3A_632], %broadcast_in_dim3A_1 {add = true} : memref<16384xi32, #tpu.memory_space<vmem>>[vector<16xi32>], vector<16xi32>,
      tpu.vector_store_idx %arg10[%or3A_633], %broadcast_in_dim3A_1 {add = true} : memref<16384xi32, #tpu.memory_space<vmem>>[vector<16xi32>], vector<16xi32>,
      tpu.vector_store_idx %arg10[%or3A_634], %broadcast_in_dim3A_1 {add = true} : memref<16384xi32, #tpu.memory_space<vmem>>[vector<16xi32>], vector<16xi32>,
      tpu.vector_store_idx %arg10[%or3A_635], %broadcast_in_dim3A_1 {add = true} : memref<16384xi32, #tpu.memory_space<vmem>>[vector<16xi32>], vector<16xi32>,
      tpu.vector_store_idx %arg11[%or3A_636], %broadcast_in_dim3A_1 {add = true} : memref<16384xi32, #tpu.memory_space<vmem>>[vector<16xi32>], vector<16xi32>,
      tpu.vector_store_idx %arg11[%or3A_637], %broadcast_in_dim3A_1 {add = true} : memref<16384xi32, #tpu.memory_space<vmem>>[vector<16xi32>], vector<16xi32>,
      tpu.vector_store_idx %arg11[%or3A_638], %broadcast_in_dim3A_1 {add = true} : memref<16384xi32, #tpu.memory_space<vmem>>[vector<16xi32>], vector<16xi32>,
      tpu.vector_store_idx %arg11[%or3A_639], %broadcast_in_dim3A_1 {add = true} : memref<16384xi32, #tpu.memory_space<vmem>>[vector<16xi32>], vector<16xi32>,
      %add3A_640 = arith.constant 1 : i32
      %add3A_641 = arith.addi %scan3A_471, %add3A_640 : i32
      %add3A_642 = arith.constant 0 : i32
      %add3A_643 = arith.addi %add3A_642, %add3A_641 : i32
      %add3A_644 = vector.broadcast %add3A_643 : i32 to vector<16xi32>
      %add3A_645 = arith.addi %add3A_11, %add3A_644 : vector<16xi32>
      %add3A_646 = arith.constant 128 : i32
      %add3A_647 = arith.addi %add3A_646, %add3A_641 : i32
      %add3A_648 = vector.broadcast %add3A_647 : i32 to vector<16xi32>
      %add3A_649 = arith.addi %add3A_11, %add3A_648 : vector<16xi32>
      %add3A_650 = arith.constant 256 : i32
      %add3A_651 = arith.addi %add3A_650, %add3A_641 : i32
      %add3A_652 = vector.broadcast %add3A_651 : i32 to vector<16xi32>
      %add3A_653 = arith.addi %add3A_11, %add3A_652 : vector<16xi32>
      %add3A_654 = arith.constant 384 : i32
      %add3A_655 = arith.addi %add3A_654, %add3A_641 : i32
      %add3A_656 = vector.broadcast %add3A_655 : i32 to vector<16xi32>
      %add3A_657 = arith.addi %add3A_11, %add3A_656 : vector<16xi32>
      %gather3A_658 = tpu.vector_load_idx %arg7[%add3A_645] : memref<8208xi32, #tpu.memory_space<vmem>>[vector<16xi32>], vector<16xi32>,
      %gather3A_659 = tpu.vector_load_idx %arg7[%add3A_649] : memref<8208xi32, #tpu.memory_space<vmem>>[vector<16xi32>], vector<16xi32>,
      %gather3A_660 = tpu.vector_load_idx %arg7[%add3A_653] : memref<8208xi32, #tpu.memory_space<vmem>>[vector<16xi32>], vector<16xi32>,
      %gather3A_661 = tpu.vector_load_idx %arg7[%add3A_657] : memref<8208xi32, #tpu.memory_space<vmem>>[vector<16xi32>], vector<16xi32>,
      %gather3A_662 = tpu.vector_load_idx %arg9[%add3A_645] : memref<8208xi32, #tpu.memory_space<vmem>>[vector<16xi32>], vector<16xi32>,
      %gather3A_663 = tpu.vector_load_idx %arg9[%add3A_649] : memref<8208xi32, #tpu.memory_space<vmem>>[vector<16xi32>], vector<16xi32>,
      %gather3A_664 = tpu.vector_load_idx %arg9[%add3A_653] : memref<8208xi32, #tpu.memory_space<vmem>>[vector<16xi32>], vector<16xi32>,
      %gather3A_665 = tpu.vector_load_idx %arg9[%add3A_657] : memref<8208xi32, #tpu.memory_space<vmem>>[vector<16xi32>], vector<16xi32>,
      %shift_right_logical3A_666 = arith.constant 12 : i32
      %shift_right_logical3A_667 = vector.broadcast %shift_right_logical3A_666 : i32 to vector<16xi32>
      %shift_right_logical3A_668 = arith.shrui %gather3A_658, %shift_right_logical3A_667 : vector<16xi32>
      %shift_right_logical3A_669 = arith.constant 12 : i32
      %shift_right_logical3A_670 = vector.broadcast %shift_right_logical3A_669 : i32 to vector<16xi32>
      %shift_right_logical3A_671 = arith.shrui %gather3A_659, %shift_right_logical3A_670 : vector<16xi32>
      %shift_right_logical3A_672 = arith.constant 12 : i32
      %shift_right_logical3A_673 = vector.broadcast %shift_right_logical3A_672 : i32 to vector<16xi32>
      %shift_right_logical3A_674 = arith.shrui %gather3A_660, %shift_right_logical3A_673 : vector<16xi32>
      %shift_right_logical3A_675 = arith.constant 12 : i32
      %shift_right_logical3A_676 = vector.broadcast %shift_right_logical3A_675 : i32 to vector<16xi32>
      %shift_right_logical3A_677 = arith.shrui %gather3A_661, %shift_right_logical3A_676 : vector<16xi32>
      %shift_right_logical3A_678 = arith.constant 12 : i32
      %shift_right_logical3A_679 = vector.broadcast %shift_right_logical3A_678 : i32 to vector<16xi32>
      %shift_right_logical3A_680 = arith.shrui %gather3A_662, %shift_right_logical3A_679 : vector<16xi32>
      %shift_right_logical3A_681 = arith.constant 12 : i32
      %shift_right_logical3A_682 = vector.broadcast %shift_right_logical3A_681 : i32 to vector<16xi32>
      %shift_right_logical3A_683 = arith.shrui %gather3A_663, %shift_right_logical3A_682 : vector<16xi32>
      %shift_right_logical3A_684 = arith.constant 12 : i32
      %shift_right_logical3A_685 = vector.broadcast %shift_right_logical3A_684 : i32 to vector<16xi32>
      %shift_right_logical3A_686 = arith.shrui %gather3A_664, %shift_right_logical3A_685 : vector<16xi32>
      %shift_right_logical3A_687 = arith.constant 12 : i32
      %shift_right_logical3A_688 = vector.broadcast %shift_right_logical3A_687 : i32 to vector<16xi32>
      %shift_right_logical3A_689 = arith.shrui %gather3A_665, %shift_right_logical3A_688 : vector<16xi32>
      %and3A_690 = arith.constant 4080 : i32
      %and3A_691 = vector.broadcast %and3A_690 : i32 to vector<16xi32>
      %and3A_692 = arith.andi %shift_right_logical3A_668, %and3A_691 : vector<16xi32>
      %and3A_693 = arith.constant 4080 : i32
      %and3A_694 = vector.broadcast %and3A_693 : i32 to vector<16xi32>
      %and3A_695 = arith.andi %shift_right_logical3A_671, %and3A_694 : vector<16xi32>
      %and3A_696 = arith.constant 4080 : i32
      %and3A_697 = vector.broadcast %and3A_696 : i32 to vector<16xi32>
      %and3A_698 = arith.andi %shift_right_logical3A_674, %and3A_697 : vector<16xi32>
      %and3A_699 = arith.constant 4080 : i32
      %and3A_700 = vector.broadcast %and3A_699 : i32 to vector<16xi32>
      %and3A_701 = arith.andi %shift_right_logical3A_677, %and3A_700 : vector<16xi32>
      %and3A_702 = arith.constant 4080 : i32
      %and3A_703 = vector.broadcast %and3A_702 : i32 to vector<16xi32>
      %and3A_704 = arith.andi %shift_right_logical3A_680, %and3A_703 : vector<16xi32>
      %and3A_705 = arith.constant 4080 : i32
      %and3A_706 = vector.broadcast %and3A_705 : i32 to vector<16xi32>
      %and3A_707 = arith.andi %shift_right_logical3A_683, %and3A_706 : vector<16xi32>
      %and3A_708 = arith.constant 4080 : i32
      %and3A_709 = vector.broadcast %and3A_708 : i32 to vector<16xi32>
      %and3A_710 = arith.andi %shift_right_logical3A_686, %and3A_709 : vector<16xi32>
      %and3A_711 = arith.constant 4080 : i32
      %and3A_712 = vector.broadcast %and3A_711 : i32 to vector<16xi32>
      %and3A_713 = arith.andi %shift_right_logical3A_689, %and3A_712 : vector<16xi32>
      %or3A_714 = arith.ori %and3A_692, %iota3A : vector<16xi32>
      %or3A_715 = arith.ori %and3A_695, %iota3A : vector<16xi32>
      %or3A_716 = arith.ori %and3A_698, %iota3A : vector<16xi32>
      %or3A_717 = arith.ori %and3A_701, %iota3A : vector<16xi32>
      %or3A_718 = arith.ori %and3A_704, %iota3A : vector<16xi32>
      %or3A_719 = arith.ori %and3A_707, %iota3A : vector<16xi32>
      %or3A_720 = arith.ori %and3A_710, %iota3A : vector<16xi32>
      %or3A_721 = arith.ori %and3A_713, %iota3A : vector<16xi32>
      scf.yield %gather3A_658, %gather3A_659, %gather3A_660, %gather3A_661, %gather3A_662, %gather3A_663, %gather3A_664, %gather3A_665, %or3A_714, %or3A_715, %or3A_716, %or3A_717, %or3A_718, %or3A_719, %or3A_720, %or3A_721 : vector<16xi32>, vector<16xi32>, vector<16xi32>, vector<16xi32>, vector<16xi32>, vector<16xi32>, vector<16xi32>, vector<16xi32>, vector<16xi32>, vector<16xi32>, vector<16xi32>, vector<16xi32>, vector<16xi32>, vector<16xi32>, vector<16xi32>, vector<16xi32>
    }
    %scan3A_358 = arith.constant 128 : i32
    %scan3A_359 = arith.constant 0 : i32
    %scan3A_360 = arith.constant 256 : i32
    %scan3A_361 = arith.addi %scan3A_359, %scan3A_360 : i32
    %scan3A_362 = arith.constant 1 : i32
    %scan3A_363:2 = scf.for %scan3A_471 = %scan3A_359 to %scan3A_361 step %scan3A_362 iter_args(%scan3A_472 = %broadcast_in_dim3A_5, %scan3A_473 = %broadcast_in_dim3A_5) -> (vector<16xi32>, vector<16xi32>)  : i32 {
      %add3A_474 = arith.constant 0 : i32
      %add3A_475 = arith.addi %add3A_474, %scan3A_471 : i32
      %mul3A_476 = arith.constant 16 : i32
      %mul3A_477 = arith.muli %add3A_475, %mul3A_476 : i32
      %get3A_478 = arith.index_cast %mul3A_477 : i32 to index
      %get3A_479 = tpu.vector_load %arg10[%get3A_478] {strides = array<i32>} : memref<16384xi32, #tpu.memory_space<vmem>>, vector<16xi32>,
      %add3A_480 = arith.constant 256 : i32
      %add3A_481 = arith.addi %add3A_480, %scan3A_471 : i32
      %mul3A_482 = arith.constant 16 : i32
      %mul3A_483 = arith.muli %add3A_481, %mul3A_482 : i32
      %get3A_484 = arith.index_cast %mul3A_483 : i32 to index
      %get3A_485 = tpu.vector_load %arg10[%get3A_484] {strides = array<i32>} : memref<16384xi32, #tpu.memory_space<vmem>>, vector<16xi32>,
      %add3A_486 = arith.constant 512 : i32
      %add3A_487 = arith.addi %add3A_486, %scan3A_471 : i32
      %mul3A_488 = arith.constant 16 : i32
      %mul3A_489 = arith.muli %add3A_487, %mul3A_488 : i32
      %get3A_490 = arith.index_cast %mul3A_489 : i32 to index
      %get3A_491 = tpu.vector_load %arg10[%get3A_490] {strides = array<i32>} : memref<16384xi32, #tpu.memory_space<vmem>>, vector<16xi32>,
      %add3A_492 = arith.constant 768 : i32
      %add3A_493 = arith.addi %add3A_492, %scan3A_471 : i32
      %mul3A_494 = arith.constant 16 : i32
      %mul3A_495 = arith.muli %add3A_493, %mul3A_494 : i32
      %get3A_496 = arith.index_cast %mul3A_495 : i32 to index
      %get3A_497 = tpu.vector_load %arg10[%get3A_496] {strides = array<i32>} : memref<16384xi32, #tpu.memory_space<vmem>>, vector<16xi32>,
      %add3A_498 = arith.constant 0 : i32
      %add3A_499 = arith.addi %add3A_498, %scan3A_471 : i32
      %mul3A_500 = arith.constant 16 : i32
      %mul3A_501 = arith.muli %add3A_499, %mul3A_500 : i32
      %get3A_502 = arith.index_cast %mul3A_501 : i32 to index
      %get3A_503 = tpu.vector_load %arg11[%get3A_502] {strides = array<i32>} : memref<16384xi32, #tpu.memory_space<vmem>>, vector<16xi32>,
      %add3A_504 = arith.constant 256 : i32
      %add3A_505 = arith.addi %add3A_504, %scan3A_471 : i32
      %mul3A_506 = arith.constant 16 : i32
      %mul3A_507 = arith.muli %add3A_505, %mul3A_506 : i32
      %get3A_508 = arith.index_cast %mul3A_507 : i32 to index
      %get3A_509 = tpu.vector_load %arg11[%get3A_508] {strides = array<i32>} : memref<16384xi32, #tpu.memory_space<vmem>>, vector<16xi32>,
      %add3A_510 = arith.constant 512 : i32
      %add3A_511 = arith.addi %add3A_510, %scan3A_471 : i32
      %mul3A_512 = arith.constant 16 : i32
      %mul3A_513 = arith.muli %add3A_511, %mul3A_512 : i32
      %get3A_514 = arith.index_cast %mul3A_513 : i32 to index
      %get3A_515 = tpu.vector_load %arg11[%get3A_514] {strides = array<i32>} : memref<16384xi32, #tpu.memory_space<vmem>>, vector<16xi32>,
      %add3A_516 = arith.constant 768 : i32
      %add3A_517 = arith.addi %add3A_516, %scan3A_471 : i32
      %mul3A_518 = arith.constant 16 : i32
      %mul3A_519 = arith.muli %add3A_517, %mul3A_518 : i32
      %get3A_520 = arith.index_cast %mul3A_519 : i32 to index
      %get3A_521 = tpu.vector_load %arg11[%get3A_520] {strides = array<i32>} : memref<16384xi32, #tpu.memory_space<vmem>>, vector<16xi32>,
      %add3A_522 = arith.addi %get3A_479, %get3A_485 : vector<16xi32>
      %add3A_523 = arith.addi %get3A_491, %get3A_497 : vector<16xi32>
      %add3A_524 = arith.addi %add3A_522, %add3A_523 : vector<16xi32>
      %add3A_525 = arith.addi %get3A_503, %get3A_509 : vector<16xi32>
      %add3A_526 = arith.addi %get3A_515, %get3A_521 : vector<16xi32>
      %add3A_527 = arith.addi %add3A_525, %add3A_526 : vector<16xi32>
      %broadcast_in_dim3A_528 = arith.constant true
      %broadcast_in_dim3A_529 = vector.broadcast %broadcast_in_dim3A_528 : i1 to vector<16xi1>
      %masked_cumsum3A = tpu.scan <sum>, %add3A_524 masked %broadcast_in_dim3A_529 : vector<16xi32>, vector<16xi1> -> vector<16xi32>
      %broadcast_in_dim3A_530 = arith.constant true
      %broadcast_in_dim3A_531 = vector.broadcast %broadcast_in_dim3A_530 : i1 to vector<16xi1>
      %masked_cumsum3A_532 = tpu.scan <sum>, %add3A_527 masked %broadcast_in_dim3A_531 : vector<16xi32>, vector<16xi1> -> vector<16xi32>
      %sub3A = arith.subi %masked_cumsum3A, %add3A_524 : vector<16xi32>
      %add3A_533 = arith.addi %sub3A, %scan3A_472 : vector<16xi32>
      %sub3A_534 = arith.subi %masked_cumsum3A_532, %add3A_527 : vector<16xi32>
      %add3A_535 = arith.addi %sub3A_534, %scan3A_473 : vector<16xi32>
      %lt3A = arith.constant 0 : i32
      %lt3A_536 = vector.broadcast %lt3A : i32 to vector<16xi32>
      %lt3A_537 = arith.cmpi slt, %broadcast_in_dim3A_7, %lt3A_536 : vector<16xi32>
      %add3A_538 = arith.constant 16 : i32
      %add3A_539 = vector.broadcast %add3A_538 : i32 to vector<16xi32>
      %add3A_540 = arith.addi %broadcast_in_dim3A_7, %add3A_539 : vector<16xi32>
      %select_n3A = arith.select %lt3A_537, %add3A_540, %broadcast_in_dim3A_7 : vector<16xi1>, vector<16xi32>
      %broadcast_in_dim3A_541 = vector.shape_cast %select_n3A : vector<16xi32> to vector<16x1xi32>
      %gather3A_542 = vector.shape_cast %broadcast_in_dim3A_541 : vector<16x1xi32> to vector<16xi32>
      %gather3A_543 = tpu.dynamic_gather %masked_cumsum3A[%gather3A_542] in [0] : vector<16xi32>, vector<16xi32> -> vector<16xi32>
      %lt3A_544 = arith.constant 0 : i32
      %lt3A_545 = vector.broadcast %lt3A_544 : i32 to vector<16xi32>
      %lt3A_546 = arith.cmpi slt, %broadcast_in_dim3A_7, %lt3A_545 : vector<16xi32>
      %add3A_547 = arith.constant 16 : i32
      %add3A_548 = vector.broadcast %add3A_547 : i32 to vector<16xi32>
      %add3A_549 = arith.addi %broadcast_in_dim3A_7, %add3A_548 : vector<16xi32>
      %select_n3A_550 = arith.select %lt3A_546, %add3A_549, %broadcast_in_dim3A_7 : vector<16xi1>, vector<16xi32>
      %broadcast_in_dim3A_551 = vector.shape_cast %select_n3A_550 : vector<16xi32> to vector<16x1xi32>
      %gather3A_552 = vector.shape_cast %broadcast_in_dim3A_551 : vector<16x1xi32> to vector<16xi32>
      %gather3A_553 = tpu.dynamic_gather %masked_cumsum3A_532[%gather3A_552] in [0] : vector<16xi32>, vector<16xi32> -> vector<16xi32>
      %add3A_554 = arith.addi %scan3A_472, %gather3A_543 : vector<16xi32>
      %add3A_555 = arith.addi %scan3A_473, %gather3A_553 : vector<16xi32>
      %mul3A_556 = arith.constant 16 : i32
      %mul3A_557 = arith.muli %scan3A_471, %mul3A_556 : i32
      %swap3A = arith.index_cast %mul3A_557 : i32 to index
      %swap3A_558 = tpu.vector_load %arg12[%swap3A] {strides = array<i32>} : memref<4096xi32, #tpu.memory_space<vmem>>, vector<16xi32>,
      tpu.vector_store %arg12[%swap3A], %add3A_533 {strides = array<i32>} : memref<4096xi32, #tpu.memory_space<vmem>>, vector<16xi32>,
      %add3A_559 = arith.addi %add3A_533, %get3A_479 : vector<16xi32>
      %mul3A_560 = arith.constant 16 : i32
      %mul3A_561 = arith.muli %scan3A_471, %mul3A_560 : i32
      %swap3A_562 = arith.index_cast %mul3A_561 : i32 to index
      %swap3A_563 = tpu.vector_load %arg13[%swap3A_562] {strides = array<i32>} : memref<4096xi32, #tpu.memory_space<vmem>>, vector<16xi32>,
      tpu.vector_store %arg13[%swap3A_562], %add3A_559 {strides = array<i32>} : memref<4096xi32, #tpu.memory_space<vmem>>, vector<16xi32>,
      %add3A_564 = arith.addi %add3A_559, %get3A_485 : vector<16xi32>
      %mul3A_565 = arith.constant 16 : i32
      %mul3A_566 = arith.muli %scan3A_471, %mul3A_565 : i32
      %swap3A_567 = arith.index_cast %mul3A_566 : i32 to index
      %swap3A_568 = tpu.vector_load %arg14[%swap3A_567] {strides = array<i32>} : memref<4096xi32, #tpu.memory_space<vmem>>, vector<16xi32>,
      tpu.vector_store %arg14[%swap3A_567], %add3A_564 {strides = array<i32>} : memref<4096xi32, #tpu.memory_space<vmem>>, vector<16xi32>,
      %add3A_569 = arith.addi %add3A_564, %get3A_491 : vector<16xi32>
      %mul3A_570 = arith.constant 16 : i32
      %mul3A_571 = arith.muli %scan3A_471, %mul3A_570 : i32
      %swap3A_572 = arith.index_cast %mul3A_571 : i32 to index
      %swap3A_573 = tpu.vector_load %arg15[%swap3A_572] {strides = array<i32>} : memref<4096xi32, #tpu.memory_space<vmem>>, vector<16xi32>,
      tpu.vector_store %arg15[%swap3A_572], %add3A_569 {strides = array<i32>} : memref<4096xi32, #tpu.memory_space<vmem>>, vector<16xi32>,
      %mul3A_574 = arith.constant 16 : i32
      %mul3A_575 = arith.muli %scan3A_471, %mul3A_574 : i32
      %swap3A_576 = arith.index_cast %mul3A_575 : i32 to index
      %swap3A_577 = tpu.vector_load %arg16[%swap3A_576] {strides = array<i32>} : memref<4096xi32, #tpu.memory_space<vmem>>, vector<16xi32>,
      tpu.vector_store %arg16[%swap3A_576], %add3A_535 {strides = array<i32>} : memref<4096xi32, #tpu.memory_space<vmem>>, vector<16xi32>,
      %add3A_578 = arith.addi %add3A_535, %get3A_503 : vector<16xi32>
      %mul3A_579 = arith.constant 16 : i32
      %mul3A_580 = arith.muli %scan3A_471, %mul3A_579 : i32
      %swap3A_581 = arith.index_cast %mul3A_580 : i32 to index
      %swap3A_582 = tpu.vector_load %arg17[%swap3A_581] {strides = array<i32>} : memref<4096xi32, #tpu.memory_space<vmem>>, vector<16xi32>,
      tpu.vector_store %arg17[%swap3A_581], %add3A_578 {strides = array<i32>} : memref<4096xi32, #tpu.memory_space<vmem>>, vector<16xi32>,
      %add3A_583 = arith.addi %add3A_578, %get3A_509 : vector<16xi32>
      %mul3A_584 = arith.constant 16 : i32
      %mul3A_585 = arith.muli %scan3A_471, %mul3A_584 : i32
      %swap3A_586 = arith.index_cast %mul3A_585 : i32 to index
      %swap3A_587 = tpu.vector_load %arg18[%swap3A_586] {strides = array<i32>} : memref<4096xi32, #tpu.memory_space<vmem>>, vector<16xi32>,
      tpu.vector_store %arg18[%swap3A_586], %add3A_583 {strides = array<i32>} : memref<4096xi32, #tpu.memory_space<vmem>>, vector<16xi32>,
      %add3A_588 = arith.addi %add3A_583, %get3A_515 : vector<16xi32>
      %mul3A_589 = arith.constant 16 : i32
      %mul3A_590 = arith.muli %scan3A_471, %mul3A_589 : i32
      %swap3A_591 = arith.index_cast %mul3A_590 : i32 to index
      %swap3A_592 = tpu.vector_load %arg19[%swap3A_591] {strides = array<i32>} : memref<4096xi32, #tpu.memory_space<vmem>>, vector<16xi32>,
      tpu.vector_store %arg19[%swap3A_591], %add3A_588 {strides = array<i32>} : memref<4096xi32, #tpu.memory_space<vmem>>, vector<16xi32>,
      scf.yield %add3A_554, %add3A_555 : vector<16xi32>, vector<16xi32>
    }
    %scan3A_364 = arith.constant 256 : i32
    %add3A_365 = arith.constant 0 : i32
    %add3A_366 = vector.broadcast %add3A_365 : i32 to vector<16xi32>
    %add3A_367 = arith.addi %add3A_11, %add3A_366 : vector<16xi32>
    %add3A_368 = arith.constant 128 : i32
    %add3A_369 = vector.broadcast %add3A_368 : i32 to vector<16xi32>
    %add3A_370 = arith.addi %add3A_11, %add3A_369 : vector<16xi32>
    %add3A_371 = arith.constant 256 : i32
    %add3A_372 = vector.broadcast %add3A_371 : i32 to vector<16xi32>
    %add3A_373 = arith.addi %add3A_11, %add3A_372 : vector<16xi32>
    %add3A_374 = arith.constant 384 : i32
    %add3A_375 = vector.broadcast %add3A_374 : i32 to vector<16xi32>
    %add3A_376 = arith.addi %add3A_11, %add3A_375 : vector<16xi32>
    %gather3A_377 = tpu.vector_load_idx %arg6[%add3A_367] : memref<8208xi32, #tpu.memory_space<vmem>>[vector<16xi32>], vector<16xi32>,
    %gather3A_378 = tpu.vector_load_idx %arg6[%add3A_370] : memref<8208xi32, #tpu.memory_space<vmem>>[vector<16xi32>], vector<16xi32>,
    %gather3A_379 = tpu.vector_load_idx %arg6[%add3A_373] : memref<8208xi32, #tpu.memory_space<vmem>>[vector<16xi32>], vector<16xi32>,
    %gather3A_380 = tpu.vector_load_idx %arg6[%add3A_376] : memref<8208xi32, #tpu.memory_space<vmem>>[vector<16xi32>], vector<16xi32>,
    %gather3A_381 = tpu.vector_load_idx %arg8[%add3A_367] : memref<8208xi32, #tpu.memory_space<vmem>>[vector<16xi32>], vector<16xi32>,
    %gather3A_382 = tpu.vector_load_idx %arg8[%add3A_370] : memref<8208xi32, #tpu.memory_space<vmem>>[vector<16xi32>], vector<16xi32>,
    %gather3A_383 = tpu.vector_load_idx %arg8[%add3A_373] : memref<8208xi32, #tpu.memory_space<vmem>>[vector<16xi32>], vector<16xi32>,
    %gather3A_384 = tpu.vector_load_idx %arg8[%add3A_376] : memref<8208xi32, #tpu.memory_space<vmem>>[vector<16xi32>], vector<16xi32>,
    %shift_right_logical3A_385 = arith.constant 20 : i32
    %shift_right_logical3A_386 = vector.broadcast %shift_right_logical3A_385 : i32 to vector<16xi32>
    %shift_right_logical3A_387 = arith.shrui %gather3A_377, %shift_right_logical3A_386 : vector<16xi32>
    %shift_right_logical3A_388 = arith.constant 20 : i32
    %shift_right_logical3A_389 = vector.broadcast %shift_right_logical3A_388 : i32 to vector<16xi32>
    %shift_right_logical3A_390 = arith.shrui %gather3A_378, %shift_right_logical3A_389 : vector<16xi32>
    %shift_right_logical3A_391 = arith.constant 20 : i32
    %shift_right_logical3A_392 = vector.broadcast %shift_right_logical3A_391 : i32 to vector<16xi32>
    %shift_right_logical3A_393 = arith.shrui %gather3A_379, %shift_right_logical3A_392 : vector<16xi32>
    %shift_right_logical3A_394 = arith.constant 20 : i32
    %shift_right_logical3A_395 = vector.broadcast %shift_right_logical3A_394 : i32 to vector<16xi32>
    %shift_right_logical3A_396 = arith.shrui %gather3A_380, %shift_right_logical3A_395 : vector<16xi32>
    %shift_right_logical3A_397 = arith.constant 20 : i32
    %shift_right_logical3A_398 = vector.broadcast %shift_right_logical3A_397 : i32 to vector<16xi32>
    %shift_right_logical3A_399 = arith.shrui %gather3A_381, %shift_right_logical3A_398 : vector<16xi32>
    %shift_right_logical3A_400 = arith.constant 20 : i32
    %shift_right_logical3A_401 = vector.broadcast %shift_right_logical3A_400 : i32 to vector<16xi32>
    %shift_right_logical3A_402 = arith.shrui %gather3A_382, %shift_right_logical3A_401 : vector<16xi32>
    %shift_right_logical3A_403 = arith.constant 20 : i32
    %shift_right_logical3A_404 = vector.broadcast %shift_right_logical3A_403 : i32 to vector<16xi32>
    %shift_right_logical3A_405 = arith.shrui %gather3A_383, %shift_right_logical3A_404 : vector<16xi32>
    %shift_right_logical3A_406 = arith.constant 20 : i32
    %shift_right_logical3A_407 = vector.broadcast %shift_right_logical3A_406 : i32 to vector<16xi32>
    %shift_right_logical3A_408 = arith.shrui %gather3A_384, %shift_right_logical3A_407 : vector<16xi32>
    %and3A_409 = arith.constant 4080 : i32
    %and3A_410 = vector.broadcast %and3A_409 : i32 to vector<16xi32>
    %and3A_411 = arith.andi %shift_right_logical3A_387, %and3A_410 : vector<16xi32>
    %and3A_412 = arith.constant 4080 : i32
    %and3A_413 = vector.broadcast %and3A_412 : i32 to vector<16xi32>
    %and3A_414 = arith.andi %shift_right_logical3A_390, %and3A_413 : vector<16xi32>
    %and3A_415 = arith.constant 4080 : i32
    %and3A_416 = vector.broadcast %and3A_415 : i32 to vector<16xi32>
    %and3A_417 = arith.andi %shift_right_logical3A_393, %and3A_416 : vector<16xi32>
    %and3A_418 = arith.constant 4080 : i32
    %and3A_419 = vector.broadcast %and3A_418 : i32 to vector<16xi32>
    %and3A_420 = arith.andi %shift_right_logical3A_396, %and3A_419 : vector<16xi32>
    %and3A_421 = arith.constant 4080 : i32
    %and3A_422 = vector.broadcast %and3A_421 : i32 to vector<16xi32>
    %and3A_423 = arith.andi %shift_right_logical3A_399, %and3A_422 : vector<16xi32>
    %and3A_424 = arith.constant 4080 : i32
    %and3A_425 = vector.broadcast %and3A_424 : i32 to vector<16xi32>
    %and3A_426 = arith.andi %shift_right_logical3A_402, %and3A_425 : vector<16xi32>
    %and3A_427 = arith.constant 4080 : i32
    %and3A_428 = vector.broadcast %and3A_427 : i32 to vector<16xi32>
    %and3A_429 = arith.andi %shift_right_logical3A_405, %and3A_428 : vector<16xi32>
    %and3A_430 = arith.constant 4080 : i32
    %and3A_431 = vector.broadcast %and3A_430 : i32 to vector<16xi32>
    %and3A_432 = arith.andi %shift_right_logical3A_408, %and3A_431 : vector<16xi32>
    %or3A_433 = arith.ori %and3A_411, %iota3A : vector<16xi32>
    %or3A_434 = arith.ori %and3A_414, %iota3A : vector<16xi32>
    %or3A_435 = arith.ori %and3A_417, %iota3A : vector<16xi32>
    %or3A_436 = arith.ori %and3A_420, %iota3A : vector<16xi32>
    %or3A_437 = arith.ori %and3A_423, %iota3A : vector<16xi32>
    %or3A_438 = arith.ori %and3A_426, %iota3A : vector<16xi32>
    %or3A_439 = arith.ori %and3A_429, %iota3A : vector<16xi32>
    %or3A_440 = arith.ori %and3A_432, %iota3A : vector<16xi32>
    %scan3A_441 = arith.constant 0 : i32
    %scan3A_442 = arith.constant 128 : i32
    %scan3A_443 = arith.addi %scan3A_441, %scan3A_442 : i32
    %scan3A_444 = arith.constant 1 : i32
    %scan3A_445:16 = scf.for %scan3A_471 = %scan3A_441 to %scan3A_443 step %scan3A_444 iter_args(%scan3A_472 = %gather3A_377, %scan3A_473 = %gather3A_378, %scan3A_474 = %gather3A_379, %scan3A_475 = %gather3A_380, %scan3A_476 = %gather3A_381, %scan3A_477 = %gather3A_382, %scan3A_478 = %gather3A_383, %scan3A_479 = %gather3A_384, %scan3A_480 = %or3A_433, %scan3A_481 = %or3A_434, %scan3A_482 = %or3A_435, %scan3A_483 = %or3A_436, %scan3A_484 = %or3A_437, %scan3A_485 = %or3A_438, %scan3A_486 = %or3A_439, %scan3A_487 = %or3A_440) -> (vector<16xi32>, vector<16xi32>, vector<16xi32>, vector<16xi32>, vector<16xi32>, vector<16xi32>, vector<16xi32>, vector<16xi32>, vector<16xi32>, vector<16xi32>, vector<16xi32>, vector<16xi32>, vector<16xi32>, vector<16xi32>, vector<16xi32>, vector<16xi32>)  : i32 {
      %gather3A_488 = tpu.vector_load_idx %arg12[%scan3A_480] : memref<4096xi32, #tpu.memory_space<vmem>>[vector<16xi32>], vector<16xi32>,
      %gather3A_489 = tpu.vector_load_idx %arg13[%scan3A_481] : memref<4096xi32, #tpu.memory_space<vmem>>[vector<16xi32>], vector<16xi32>,
      %gather3A_490 = tpu.vector_load_idx %arg14[%scan3A_482] : memref<4096xi32, #tpu.memory_space<vmem>>[vector<16xi32>], vector<16xi32>,
      %gather3A_491 = tpu.vector_load_idx %arg15[%scan3A_483] : memref<4096xi32, #tpu.memory_space<vmem>>[vector<16xi32>], vector<16xi32>,
      %gather3A_492 = tpu.vector_load_idx %arg16[%scan3A_484] : memref<4096xi32, #tpu.memory_space<vmem>>[vector<16xi32>], vector<16xi32>,
      %gather3A_493 = tpu.vector_load_idx %arg17[%scan3A_485] : memref<4096xi32, #tpu.memory_space<vmem>>[vector<16xi32>], vector<16xi32>,
      %gather3A_494 = tpu.vector_load_idx %arg18[%scan3A_486] : memref<4096xi32, #tpu.memory_space<vmem>>[vector<16xi32>], vector<16xi32>,
      %gather3A_495 = tpu.vector_load_idx %arg19[%scan3A_487] : memref<4096xi32, #tpu.memory_space<vmem>>[vector<16xi32>], vector<16xi32>,
      %shift_right_arithmetic3A = arith.constant 31 : i32
      %shift_right_arithmetic3A_496 = vector.broadcast %shift_right_arithmetic3A : i32 to vector<16xi32>
      %shift_right_arithmetic3A_497 = arith.shrsi %scan3A_472, %shift_right_arithmetic3A_496 : vector<16xi32>
      %shift_right_arithmetic3A_498 = arith.constant 31 : i32
      %shift_right_arithmetic3A_499 = vector.broadcast %shift_right_arithmetic3A_498 : i32 to vector<16xi32>
      %shift_right_arithmetic3A_500 = arith.shrsi %scan3A_473, %shift_right_arithmetic3A_499 : vector<16xi32>
      %shift_right_arithmetic3A_501 = arith.constant 31 : i32
      %shift_right_arithmetic3A_502 = vector.broadcast %shift_right_arithmetic3A_501 : i32 to vector<16xi32>
      %shift_right_arithmetic3A_503 = arith.shrsi %scan3A_474, %shift_right_arithmetic3A_502 : vector<16xi32>
      %shift_right_arithmetic3A_504 = arith.constant 31 : i32
      %shift_right_arithmetic3A_505 = vector.broadcast %shift_right_arithmetic3A_504 : i32 to vector<16xi32>
      %shift_right_arithmetic3A_506 = arith.shrsi %scan3A_475, %shift_right_arithmetic3A_505 : vector<16xi32>
      %shift_right_arithmetic3A_507 = arith.constant 31 : i32
      %shift_right_arithmetic3A_508 = vector.broadcast %shift_right_arithmetic3A_507 : i32 to vector<16xi32>
      %shift_right_arithmetic3A_509 = arith.shrsi %scan3A_476, %shift_right_arithmetic3A_508 : vector<16xi32>
      %shift_right_arithmetic3A_510 = arith.constant 31 : i32
      %shift_right_arithmetic3A_511 = vector.broadcast %shift_right_arithmetic3A_510 : i32 to vector<16xi32>
      %shift_right_arithmetic3A_512 = arith.shrsi %scan3A_477, %shift_right_arithmetic3A_511 : vector<16xi32>
      %shift_right_arithmetic3A_513 = arith.constant 31 : i32
      %shift_right_arithmetic3A_514 = vector.broadcast %shift_right_arithmetic3A_513 : i32 to vector<16xi32>
      %shift_right_arithmetic3A_515 = arith.shrsi %scan3A_478, %shift_right_arithmetic3A_514 : vector<16xi32>
      %shift_right_arithmetic3A_516 = arith.constant 31 : i32
      %shift_right_arithmetic3A_517 = vector.broadcast %shift_right_arithmetic3A_516 : i32 to vector<16xi32>
      %shift_right_arithmetic3A_518 = arith.shrsi %scan3A_479, %shift_right_arithmetic3A_517 : vector<16xi32>
      %not3A = arith.constant dense<-1> : vector<16xi32>
      %not3A_519 = arith.xori %shift_right_arithmetic3A_497, %not3A : vector<16xi32>
      %or3A_520 = arith.constant -2147483648 : i32
      %or3A_521 = vector.broadcast %or3A_520 : i32 to vector<16xi32>
      %or3A_522 = arith.ori %not3A_519, %or3A_521 : vector<16xi32>
      %not3A_523 = arith.constant dense<-1> : vector<16xi32>
      %not3A_524 = arith.xori %shift_right_arithmetic3A_500, %not3A_523 : vector<16xi32>
      %or3A_525 = arith.constant -2147483648 : i32
      %or3A_526 = vector.broadcast %or3A_525 : i32 to vector<16xi32>
      %or3A_527 = arith.ori %not3A_524, %or3A_526 : vector<16xi32>
      %not3A_528 = arith.constant dense<-1> : vector<16xi32>
      %not3A_529 = arith.xori %shift_right_arithmetic3A_503, %not3A_528 : vector<16xi32>
      %or3A_530 = arith.constant -2147483648 : i32
      %or3A_531 = vector.broadcast %or3A_530 : i32 to vector<16xi32>
      %or3A_532 = arith.ori %not3A_529, %or3A_531 : vector<16xi32>
      %not3A_533 = arith.constant dense<-1> : vector<16xi32>
      %not3A_534 = arith.xori %shift_right_arithmetic3A_506, %not3A_533 : vector<16xi32>
      %or3A_535 = arith.constant -2147483648 : i32
      %or3A_536 = vector.broadcast %or3A_535 : i32 to vector<16xi32>
      %or3A_537 = arith.ori %not3A_534, %or3A_536 : vector<16xi32>
      %not3A_538 = arith.constant dense<-1> : vector<16xi32>
      %not3A_539 = arith.xori %shift_right_arithmetic3A_509, %not3A_538 : vector<16xi32>
      %or3A_540 = arith.constant -2147483648 : i32
      %or3A_541 = vector.broadcast %or3A_540 : i32 to vector<16xi32>
      %or3A_542 = arith.ori %not3A_539, %or3A_541 : vector<16xi32>
      %not3A_543 = arith.constant dense<-1> : vector<16xi32>
      %not3A_544 = arith.xori %shift_right_arithmetic3A_512, %not3A_543 : vector<16xi32>
      %or3A_545 = arith.constant -2147483648 : i32
      %or3A_546 = vector.broadcast %or3A_545 : i32 to vector<16xi32>
      %or3A_547 = arith.ori %not3A_544, %or3A_546 : vector<16xi32>
      %not3A_548 = arith.constant dense<-1> : vector<16xi32>
      %not3A_549 = arith.xori %shift_right_arithmetic3A_515, %not3A_548 : vector<16xi32>
      %or3A_550 = arith.constant -2147483648 : i32
      %or3A_551 = vector.broadcast %or3A_550 : i32 to vector<16xi32>
      %or3A_552 = arith.ori %not3A_549, %or3A_551 : vector<16xi32>
      %not3A_553 = arith.constant dense<-1> : vector<16xi32>
      %not3A_554 = arith.xori %shift_right_arithmetic3A_518, %not3A_553 : vector<16xi32>
      %or3A_555 = arith.constant -2147483648 : i32
      %or3A_556 = vector.broadcast %or3A_555 : i32 to vector<16xi32>
      %or3A_557 = arith.ori %not3A_554, %or3A_556 : vector<16xi32>
      %xor3A = arith.xori %scan3A_472, %or3A_522 : vector<16xi32>
      %bitcast3A = vector.bitcast %xor3A : vector<16xi32> to vector<16xf32>
      %xor3A_558 = arith.xori %scan3A_473, %or3A_527 : vector<16xi32>
      %bitcast3A_559 = vector.bitcast %xor3A_558 : vector<16xi32> to vector<16xf32>
      %xor3A_560 = arith.xori %scan3A_474, %or3A_532 : vector<16xi32>
      %bitcast3A_561 = vector.bitcast %xor3A_560 : vector<16xi32> to vector<16xf32>
      %xor3A_562 = arith.xori %scan3A_475, %or3A_537 : vector<16xi32>
      %bitcast3A_563 = vector.bitcast %xor3A_562 : vector<16xi32> to vector<16xf32>
      %xor3A_564 = arith.xori %scan3A_476, %or3A_542 : vector<16xi32>
      %bitcast3A_565 = vector.bitcast %xor3A_564 : vector<16xi32> to vector<16xf32>
      %xor3A_566 = arith.xori %scan3A_477, %or3A_547 : vector<16xi32>
      %bitcast3A_567 = vector.bitcast %xor3A_566 : vector<16xi32> to vector<16xf32>
      %xor3A_568 = arith.xori %scan3A_478, %or3A_552 : vector<16xi32>
      %bitcast3A_569 = vector.bitcast %xor3A_568 : vector<16xi32> to vector<16xf32>
      %xor3A_570 = arith.xori %scan3A_479, %or3A_557 : vector<16xi32>
      %bitcast3A_571 = vector.bitcast %xor3A_570 : vector<16xi32> to vector<16xf32>
      tpu.vector_store_idx %arg4[%gather3A_488], %bitcast3A : memref<8192xf32, #tpu.memory_space<vmem>>[vector<16xi32>], vector<16xf32>,
      tpu.vector_store_idx %arg4[%gather3A_489], %bitcast3A_559 : memref<8192xf32, #tpu.memory_space<vmem>>[vector<16xi32>], vector<16xf32>,
      tpu.vector_store_idx %arg4[%gather3A_490], %bitcast3A_561 : memref<8192xf32, #tpu.memory_space<vmem>>[vector<16xi32>], vector<16xf32>,
      tpu.vector_store_idx %arg4[%gather3A_491], %bitcast3A_563 : memref<8192xf32, #tpu.memory_space<vmem>>[vector<16xi32>], vector<16xf32>,
      tpu.vector_store_idx %arg5[%gather3A_492], %bitcast3A_565 : memref<8192xf32, #tpu.memory_space<vmem>>[vector<16xi32>], vector<16xf32>,
      tpu.vector_store_idx %arg5[%gather3A_493], %bitcast3A_567 : memref<8192xf32, #tpu.memory_space<vmem>>[vector<16xi32>], vector<16xf32>,
      tpu.vector_store_idx %arg5[%gather3A_494], %bitcast3A_569 : memref<8192xf32, #tpu.memory_space<vmem>>[vector<16xi32>], vector<16xf32>,
      tpu.vector_store_idx %arg5[%gather3A_495], %bitcast3A_571 : memref<8192xf32, #tpu.memory_space<vmem>>[vector<16xi32>], vector<16xf32>,
      tpu.vector_store_idx %arg12[%scan3A_480], %broadcast_in_dim3A_1 {add = true} : memref<4096xi32, #tpu.memory_space<vmem>>[vector<16xi32>], vector<16xi32>,
      tpu.vector_store_idx %arg13[%scan3A_481], %broadcast_in_dim3A_1 {add = true} : memref<4096xi32, #tpu.memory_space<vmem>>[vector<16xi32>], vector<16xi32>,
      tpu.vector_store_idx %arg14[%scan3A_482], %broadcast_in_dim3A_1 {add = true} : memref<4096xi32, #tpu.memory_space<vmem>>[vector<16xi32>], vector<16xi32>,
      tpu.vector_store_idx %arg15[%scan3A_483], %broadcast_in_dim3A_1 {add = true} : memref<4096xi32, #tpu.memory_space<vmem>>[vector<16xi32>], vector<16xi32>,
      tpu.vector_store_idx %arg16[%scan3A_484], %broadcast_in_dim3A_1 {add = true} : memref<4096xi32, #tpu.memory_space<vmem>>[vector<16xi32>], vector<16xi32>,
      tpu.vector_store_idx %arg17[%scan3A_485], %broadcast_in_dim3A_1 {add = true} : memref<4096xi32, #tpu.memory_space<vmem>>[vector<16xi32>], vector<16xi32>,
      tpu.vector_store_idx %arg18[%scan3A_486], %broadcast_in_dim3A_1 {add = true} : memref<4096xi32, #tpu.memory_space<vmem>>[vector<16xi32>], vector<16xi32>,
      tpu.vector_store_idx %arg19[%scan3A_487], %broadcast_in_dim3A_1 {add = true} : memref<4096xi32, #tpu.memory_space<vmem>>[vector<16xi32>], vector<16xi32>,
      %add3A_572 = arith.constant 1 : i32
      %add3A_573 = arith.addi %scan3A_471, %add3A_572 : i32
      %add3A_574 = arith.constant 0 : i32
      %add3A_575 = arith.addi %add3A_574, %add3A_573 : i32
      %add3A_576 = vector.broadcast %add3A_575 : i32 to vector<16xi32>
      %add3A_577 = arith.addi %add3A_11, %add3A_576 : vector<16xi32>
      %add3A_578 = arith.constant 128 : i32
      %add3A_579 = arith.addi %add3A_578, %add3A_573 : i32
      %add3A_580 = vector.broadcast %add3A_579 : i32 to vector<16xi32>
      %add3A_581 = arith.addi %add3A_11, %add3A_580 : vector<16xi32>
      %add3A_582 = arith.constant 256 : i32
      %add3A_583 = arith.addi %add3A_582, %add3A_573 : i32
      %add3A_584 = vector.broadcast %add3A_583 : i32 to vector<16xi32>
      %add3A_585 = arith.addi %add3A_11, %add3A_584 : vector<16xi32>
      %add3A_586 = arith.constant 384 : i32
      %add3A_587 = arith.addi %add3A_586, %add3A_573 : i32
      %add3A_588 = vector.broadcast %add3A_587 : i32 to vector<16xi32>
      %add3A_589 = arith.addi %add3A_11, %add3A_588 : vector<16xi32>
      %gather3A_590 = tpu.vector_load_idx %arg6[%add3A_577] : memref<8208xi32, #tpu.memory_space<vmem>>[vector<16xi32>], vector<16xi32>,
      %gather3A_591 = tpu.vector_load_idx %arg6[%add3A_581] : memref<8208xi32, #tpu.memory_space<vmem>>[vector<16xi32>], vector<16xi32>,
      %gather3A_592 = tpu.vector_load_idx %arg6[%add3A_585] : memref<8208xi32, #tpu.memory_space<vmem>>[vector<16xi32>], vector<16xi32>,
      %gather3A_593 = tpu.vector_load_idx %arg6[%add3A_589] : memref<8208xi32, #tpu.memory_space<vmem>>[vector<16xi32>], vector<16xi32>,
      %gather3A_594 = tpu.vector_load_idx %arg8[%add3A_577] : memref<8208xi32, #tpu.memory_space<vmem>>[vector<16xi32>], vector<16xi32>,
      %gather3A_595 = tpu.vector_load_idx %arg8[%add3A_581] : memref<8208xi32, #tpu.memory_space<vmem>>[vector<16xi32>], vector<16xi32>,
      %gather3A_596 = tpu.vector_load_idx %arg8[%add3A_585] : memref<8208xi32, #tpu.memory_space<vmem>>[vector<16xi32>], vector<16xi32>,
      %gather3A_597 = tpu.vector_load_idx %arg8[%add3A_589] : memref<8208xi32, #tpu.memory_space<vmem>>[vector<16xi32>], vector<16xi32>,
      %shift_right_logical3A_598 = arith.constant 20 : i32
      %shift_right_logical3A_599 = vector.broadcast %shift_right_logical3A_598 : i32 to vector<16xi32>
      %shift_right_logical3A_600 = arith.shrui %gather3A_590, %shift_right_logical3A_599 : vector<16xi32>
      %shift_right_logical3A_601 = arith.constant 20 : i32
      %shift_right_logical3A_602 = vector.broadcast %shift_right_logical3A_601 : i32 to vector<16xi32>
      %shift_right_logical3A_603 = arith.shrui %gather3A_591, %shift_right_logical3A_602 : vector<16xi32>
      %shift_right_logical3A_604 = arith.constant 20 : i32
      %shift_right_logical3A_605 = vector.broadcast %shift_right_logical3A_604 : i32 to vector<16xi32>
      %shift_right_logical3A_606 = arith.shrui %gather3A_592, %shift_right_logical3A_605 : vector<16xi32>
      %shift_right_logical3A_607 = arith.constant 20 : i32
      %shift_right_logical3A_608 = vector.broadcast %shift_right_logical3A_607 : i32 to vector<16xi32>
      %shift_right_logical3A_609 = arith.shrui %gather3A_593, %shift_right_logical3A_608 : vector<16xi32>
      %shift_right_logical3A_610 = arith.constant 20 : i32
      %shift_right_logical3A_611 = vector.broadcast %shift_right_logical3A_610 : i32 to vector<16xi32>
      %shift_right_logical3A_612 = arith.shrui %gather3A_594, %shift_right_logical3A_611 : vector<16xi32>
      %shift_right_logical3A_613 = arith.constant 20 : i32
      %shift_right_logical3A_614 = vector.broadcast %shift_right_logical3A_613 : i32 to vector<16xi32>
      %shift_right_logical3A_615 = arith.shrui %gather3A_595, %shift_right_logical3A_614 : vector<16xi32>
      %shift_right_logical3A_616 = arith.constant 20 : i32
      %shift_right_logical3A_617 = vector.broadcast %shift_right_logical3A_616 : i32 to vector<16xi32>
      %shift_right_logical3A_618 = arith.shrui %gather3A_596, %shift_right_logical3A_617 : vector<16xi32>
      %shift_right_logical3A_619 = arith.constant 20 : i32
      %shift_right_logical3A_620 = vector.broadcast %shift_right_logical3A_619 : i32 to vector<16xi32>
      %shift_right_logical3A_621 = arith.shrui %gather3A_597, %shift_right_logical3A_620 : vector<16xi32>
      %and3A_622 = arith.constant 4080 : i32
      %and3A_623 = vector.broadcast %and3A_622 : i32 to vector<16xi32>
      %and3A_624 = arith.andi %shift_right_logical3A_600, %and3A_623 : vector<16xi32>
      %and3A_625 = arith.constant 4080 : i32
      %and3A_626 = vector.broadcast %and3A_625 : i32 to vector<16xi32>
      %and3A_627 = arith.andi %shift_right_logical3A_603, %and3A_626 : vector<16xi32>
      %and3A_628 = arith.constant 4080 : i32
      %and3A_629 = vector.broadcast %and3A_628 : i32 to vector<16xi32>
      %and3A_630 = arith.andi %shift_right_logical3A_606, %and3A_629 : vector<16xi32>
      %and3A_631 = arith.constant 4080 : i32
      %and3A_632 = vector.broadcast %and3A_631 : i32 to vector<16xi32>
      %and3A_633 = arith.andi %shift_right_logical3A_609, %and3A_632 : vector<16xi32>
      %and3A_634 = arith.constant 4080 : i32
      %and3A_635 = vector.broadcast %and3A_634 : i32 to vector<16xi32>
      %and3A_636 = arith.andi %shift_right_logical3A_612, %and3A_635 : vector<16xi32>
      %and3A_637 = arith.constant 4080 : i32
      %and3A_638 = vector.broadcast %and3A_637 : i32 to vector<16xi32>
      %and3A_639 = arith.andi %shift_right_logical3A_615, %and3A_638 : vector<16xi32>
      %and3A_640 = arith.constant 4080 : i32
      %and3A_641 = vector.broadcast %and3A_640 : i32 to vector<16xi32>
      %and3A_642 = arith.andi %shift_right_logical3A_618, %and3A_641 : vector<16xi32>
      %and3A_643 = arith.constant 4080 : i32
      %and3A_644 = vector.broadcast %and3A_643 : i32 to vector<16xi32>
      %and3A_645 = arith.andi %shift_right_logical3A_621, %and3A_644 : vector<16xi32>
      %or3A_646 = arith.ori %and3A_624, %iota3A : vector<16xi32>
      %or3A_647 = arith.ori %and3A_627, %iota3A : vector<16xi32>
      %or3A_648 = arith.ori %and3A_630, %iota3A : vector<16xi32>
      %or3A_649 = arith.ori %and3A_633, %iota3A : vector<16xi32>
      %or3A_650 = arith.ori %and3A_636, %iota3A : vector<16xi32>
      %or3A_651 = arith.ori %and3A_639, %iota3A : vector<16xi32>
      %or3A_652 = arith.ori %and3A_642, %iota3A : vector<16xi32>
      %or3A_653 = arith.ori %and3A_645, %iota3A : vector<16xi32>
      scf.yield %gather3A_590, %gather3A_591, %gather3A_592, %gather3A_593, %gather3A_594, %gather3A_595, %gather3A_596, %gather3A_597, %or3A_646, %or3A_647, %or3A_648, %or3A_649, %or3A_650, %or3A_651, %or3A_652, %or3A_653 : vector<16xi32>, vector<16xi32>, vector<16xi32>, vector<16xi32>, vector<16xi32>, vector<16xi32>, vector<16xi32>, vector<16xi32>, vector<16xi32>, vector<16xi32>, vector<16xi32>, vector<16xi32>, vector<16xi32>, vector<16xi32>, vector<16xi32>, vector<16xi32>
    }
    %scan3A_446 = arith.constant 128 : i32
    %dma_start3A_447 = arith.constant 0 : i32
    %dma_start3A_448 = tpu.memref_slice %arg3[%mul3A_13, %dma_start3A_447] : memref<64x8192xf32, #tpu.memory_space<hbm>> -> memref<1x8192xf32, #tpu.memory_space<hbm>>
    %dma_start3A_449 = tpu.memref_squeeze %dma_start3A_448 : memref<1x8192xf32, #tpu.memory_space<hbm>> -> memref<8192xf32, #tpu.memory_space<hbm>>
    %dma_start3A_450 = arith.constant 0 : i32
    %dma_start3A_451 = tpu.memref_slice %arg3[%mul3A_13, %dma_start3A_450] : memref<64x8192xf32, #tpu.memory_space<hbm>> -> memref<1x8192xf32, #tpu.memory_space<hbm>>
    %dma_start3A_452 = tpu.memref_squeeze %dma_start3A_451 : memref<1x8192xf32, #tpu.memory_space<hbm>> -> memref<8192xf32, #tpu.memory_space<hbm>>
    tpu.enqueue_dma source(%arg4 : memref<8192xf32, #tpu.memory_space<vmem>>) target(%dma_start3A_452 : memref<8192xf32, #tpu.memory_space<hbm>>) target_semaphore(%arg20 : memref<!tpu.dma_semaphore, #tpu.memory_space<semaphore_mem>>)
    %dma_start3A_453 = arith.constant 0 : i32
    %dma_start3A_454 = tpu.memref_slice %arg3[%add3A_17, %dma_start3A_453] : memref<64x8192xf32, #tpu.memory_space<hbm>> -> memref<1x8192xf32, #tpu.memory_space<hbm>>
    %dma_start3A_455 = tpu.memref_squeeze %dma_start3A_454 : memref<1x8192xf32, #tpu.memory_space<hbm>> -> memref<8192xf32, #tpu.memory_space<hbm>>
    %dma_start3A_456 = arith.constant 0 : i32
    %dma_start3A_457 = tpu.memref_slice %arg3[%add3A_17, %dma_start3A_456] : memref<64x8192xf32, #tpu.memory_space<hbm>> -> memref<1x8192xf32, #tpu.memory_space<hbm>>
    %dma_start3A_458 = tpu.memref_squeeze %dma_start3A_457 : memref<1x8192xf32, #tpu.memory_space<hbm>> -> memref<8192xf32, #tpu.memory_space<hbm>>
    tpu.enqueue_dma source(%arg5 : memref<8192xf32, #tpu.memory_space<vmem>>) target(%dma_start3A_458 : memref<8192xf32, #tpu.memory_space<hbm>>) target_semaphore(%arg21 : memref<!tpu.dma_semaphore, #tpu.memory_space<semaphore_mem>>)
    %dma_wait3A_459 = arith.constant 0 : i32
    %dma_wait3A_460 = tpu.memref_slice %arg3[%mul3A_13, %dma_wait3A_459] : memref<64x8192xf32, #tpu.memory_space<hbm>> -> memref<1x8192xf32, #tpu.memory_space<hbm>>
    %dma_wait3A_461 = tpu.memref_squeeze %dma_wait3A_460 : memref<1x8192xf32, #tpu.memory_space<hbm>> -> memref<8192xf32, #tpu.memory_space<hbm>>
    %dma_wait3A_462 = arith.constant 0 : i32
    %dma_wait3A_463 = tpu.memref_slice %arg3[%mul3A_13, %dma_wait3A_462] : memref<64x8192xf32, #tpu.memory_space<hbm>> -> memref<1x8192xf32, #tpu.memory_space<hbm>>
    %dma_wait3A_464 = tpu.memref_squeeze %dma_wait3A_463 : memref<1x8192xf32, #tpu.memory_space<hbm>> -> memref<8192xf32, #tpu.memory_space<hbm>>
    tpu.wait_dma2 semaphore(%arg20 : memref<!tpu.dma_semaphore, #tpu.memory_space<semaphore_mem>>) src(%arg4 : memref<8192xf32, #tpu.memory_space<vmem>>) dst(%dma_wait3A_464 : memref<8192xf32, #tpu.memory_space<hbm>>)
    %dma_wait3A_465 = arith.constant 0 : i32
    %dma_wait3A_466 = tpu.memref_slice %arg3[%add3A_17, %dma_wait3A_465] : memref<64x8192xf32, #tpu.memory_space<hbm>> -> memref<1x8192xf32, #tpu.memory_space<hbm>>
    %dma_wait3A_467 = tpu.memref_squeeze %dma_wait3A_466 : memref<1x8192xf32, #tpu.memory_space<hbm>> -> memref<8192xf32, #tpu.memory_space<hbm>>
    %dma_wait3A_468 = arith.constant 0 : i32
    %dma_wait3A_469 = tpu.memref_slice %arg3[%add3A_17, %dma_wait3A_468] : memref<64x8192xf32, #tpu.memory_space<hbm>> -> memref<1x8192xf32, #tpu.memory_space<hbm>>
    %dma_wait3A_470 = tpu.memref_squeeze %dma_wait3A_469 : memref<1x8192xf32, #tpu.memory_space<hbm>> -> memref<8192xf32, #tpu.memory_space<hbm>>
    tpu.wait_dma2 semaphore(%arg21 : memref<!tpu.dma_semaphore, #tpu.memory_space<semaphore_mem>>) src(%arg5 : memref<8192xf32, #tpu.memory_space<vmem>>) dst(%dma_wait3A_470 : memref<8192xf32, #tpu.memory_space<hbm>>)
    return
  }
}

</mosaic_0001>

<sc_bundles>
// kernel: kernel.3.cloned.1.call-start
scs
__scs_entry_jumppad:
0x0: {  	(pc) =	sbr.rel $0x88, $3  }
0x1: {  	(tag) =	ssettag $0x0;
	lr =	simm.s32 $0x1  }
0x2: {  	[smem:$0x3FA0] =	sst lr;
	_ =	strace $0xD0000000  }
0x3: {  	_ = 	snop  }
0x4: {  	_ = 	snop  }
0x5: {  	_ = 	snop  }
0x6: {  	_ = 	snop  }
0x7: {  	_ = 	snop  }
__scs_overlays_trampoline_lowered:
0x8: {  	[smem:$0x3FAF] =	sst s0  }
0x9: {  	[smem:$0x3FB0] =	sst s1  }
0xa: {  	[smem:$0x3FB1] =	sst s2  }
0xb: {  	[smem:$0x3FB2] =	sst s3  }
0xc: {  	[smem:$0x3FB3] =	sst s4  }
0xd: {  	[smem:$0x3FB4] =	sst s5  }
0xe: {  	[smem:$0x3FB5] =	sst s6  }
0xf: {  	[smem:$0x3FB6] =	sst s7  }
0x10: {  	[smem:$0x3FB7] =	sst s8  }
0x11: {  	[smem:$0x3FB8] =	sst s9;
	s0 =	simm.s32 @!p0 $0x0  }
0x12: {  	s1 =	sld [smem:$0x3F9E];
	s0 =	simm.s32 @p0 $0x1  }
0x13: {  	[smem:$0x3FB9] =	sst s0;
	s0 =	simm.s32 @!p1 $0x0  }
0x14: {  	s2 =	sld [smem:$0x3F9D];
	s0 =	simm.s32 @p1 $0x1  }
0x15: {  	[smem:$0x3FBA] =	sst s0;
	s0 =	simm.s32 @!p2 $0x0  }
0x16: {  	s3 =	sld [smem:$0x3FDB];
	s0 =	simm.s32 @p2 $0x1  }
0x17: {  	s4 =	simm.s32 $0x1BF5;
	[smem:$0x3FBC] =	sst s0  }
0x18: {  	s0 =	sld [smem:$0x3F9F];
	_ =	swait.ge [sflag:s4], $0x0  }
0x19: {  	s7 =	sld [smem:$0x3FA0]  }
0x1a: {  	s8 =	sadd.s32 $0xFFFFE003, lr  }
0x1b: {  	s9 =	sadd.s32 $0xFFFFFEF7, lr;
	s5 =	simm.s32 $0xFFFFFFFF;
	p2 =	slt.u32 s8, $0xFFFFF086  }
0x1c: {  	p1 =	slt.u32 s9, $0xF7A;
	s5 =	simm.s32 @!p2 $0x0  }
0x1d: {  	s5 =	simm.s32 @p1 $0x1;
	p0 =	seq.s32 s7, s2  }
0x1e: {  	s7 =	smul.u32 @!p0 $0xF7A, s2;
	p2 =	seq.s32 @!p0 s5, $0x0  }
0x1f: {  	s9 =	smul.u32 $0xF7A, s1;
	s8 =	simm.s32 @!p0 $0x1BF5;
	p2 =	por !p2, p0  }
0x20: {  	[sflag:s8] =	ssyncset.s32 @!p0 $0xFFFFF086;
	s6 =	sadd.s32 @!p0 s3, s7;
	s7 =	simm.s32 @!p0 $0x108  }
0x21: {  	s3 =	sadd.s32 s3, s9;
	s6 =	sadd.s32 @!p0 $0x88, s6;
	s7 =	simm.s32 @p2 $0x1082  }
0x22: {  	[simem:s7], [sflag:s8] =	dma.local @!p0 [hbm:s6], $0xF7A  }
0x23: {  	s9 =	sor.u32 $0xD0000000, s2;
	s6 =	simm.s32 $0x108;
	_ =	swait.ge @!p0 [sflag:s8], $0x0  }
0x24: {  	s3 =	sadd.s32 $0x88, s3;
	s6 =	simm.s32 @!p1 $0x1082;
	[sflag:s4] =	ssyncset.s32 $0xFFFFF086  }
0x25: {  	[simem:s6], [sflag:s4] =	dma.local [hbm:s3], $0xF7A  }
0x26: {  	[smem:$0x3FA0] =	sst s1;
	(tag) =	ssettag s2;
	_ =	strace s9  }
0x27: {  	s1 =	sld [smem:$0x3FB0]  }
0x28: {  	s2 =	sld [smem:$0x3FB1]  }
0x29: {  	s4 =	sld [smem:$0x3FB3]  }
0x2a: {  	p0 =	seq.s32 s5, $0x0;
	s5 =	sld [smem:$0x3FB4]  }
0x2b: {  	s6 =	sld [smem:$0x3FB5]  }
0x2c: {  	s7 =	sld [smem:$0x3FB6]  }
0x2d: {  	s3 =	simm.s32 $0x108;
	s8 =	sld [smem:$0x3FB7]  }
0x2e: {  	s3 =	simm.s32 @!p0 $0x1082;
	s9 =	sld [smem:$0x3FB8]  }
0x2f: {  	lr =	sadd.s32 s0, s3;
	s0 =	sld [smem:$0x3FAF]  }
0x30: {  	s3 =	sld [smem:$0x3FB2]  }
0x31: {  	[smem:$0x3FBB] =	sst s10  }
0x32: {  	s10 =	sld [smem:$0x3FB9];
	_ =	sdelay $0x3  }
0x33: {  	p0 =	seq.s32 s10, $0x1;
	s10 =	sld [smem:$0x3FBB];
	_ =	sdelay $0x3  }
0x34: {  	[smem:$0x3FBB] =	sst s10  }
0x35: {  	s10 =	sld [smem:$0x3FBA];
	_ =	sdelay $0x3  }
0x36: {  	p1 =	seq.s32 s10, $0x1;
	s10 =	sld [smem:$0x3FBB];
	_ =	sdelay $0x3  }
0x37: {  	[smem:$0x3FBB] =	sst s10  }
0x38: {  	s10 =	sld [smem:$0x3FBC]  }
0x39: {  	_ = 	snop;
	(pc) =	sbr.ind lr, $3  }
0x3a: {  	_ = 	snop  }
0x3b: {  	_ = 	snop  }
0x3c: {  	p2 =	seq.s32 s10, $0x1;
	s10 =	sld [smem:$0x3FBB]  }
0x3d: {  	_ =	shalt  }
0x3e: {  	_ =	shalt  }
0x3f: {  	_ =	shalt  }
0x40: {  	_ =	shalt  }
0x41: {  	_ =	shalt  }
0x42: {  	_ =	shalt  }
0x43: {  	_ =	shalt  }
0x44: {  	_ =	shalt  }
0x45: {  	_ =	shalt  }
0x46: {  	_ =	shalt  }
0x47: {  	_ =	shalt  }
0x48: {  	_ =	shalt  }
0x49: {  	_ =	shalt  }
0x4a: {  	_ =	shalt  }
0x4b: {  	_ =	shalt  }
0x4c: {  	_ =	shalt  }
0x4d: {  	_ =	shalt  }
0x4e: {  	_ =	shalt  }
0x4f: {  	_ =	shalt  }
0x50: {  	_ =	shalt  }
0x51: {  	_ =	shalt  }
0x52: {  	_ =	shalt  }
0x53: {  	_ =	shalt  }
0x54: {  	_ =	shalt  }
0x55: {  	_ =	shalt  }
0x56: {  	_ =	shalt  }
0x57: {  	_ =	shalt  }
0x58: {  	_ =	shalt  }
0x59: {  	_ =	shalt  }
0x5a: {  	_ =	shalt  }
0x5b: {  	_ =	shalt  }
0x5c: {  	_ =	shalt  }
0x5d: {  	_ =	shalt  }
0x5e: {  	_ =	shalt  }
0x5f: {  	_ =	shalt  }
0x60: {  	_ =	shalt  }
0x61: {  	_ =	shalt  }
0x62: {  	_ =	shalt  }
0x63: {  	_ =	shalt  }
0x64: {  	_ =	shalt  }
0x65: {  	_ =	shalt  }
0x66: {  	_ =	shalt  }
0x67: {  	_ =	shalt  }
0x68: {  	_ =	shalt  }
0x69: {  	_ =	shalt  }
0x6a: {  	_ =	shalt  }
0x6b: {  	_ =	shalt  }
0x6c: {  	_ =	shalt  }
0x6d: {  	_ =	shalt  }
0x6e: {  	_ =	shalt  }
0x6f: {  	_ =	shalt  }
0x70: {  	_ =	shalt  }
0x71: {  	_ =	shalt  }
0x72: {  	_ =	shalt  }
0x73: {  	_ =	shalt  }
0x74: {  	_ =	shalt  }
0x75: {  	_ =	shalt  }
0x76: {  	_ =	shalt  }
0x77: {  	_ =	shalt  }
0x78: {  	_ =	shalt  }
0x79: {  	_ =	shalt  }
0x7a: {  	_ =	shalt  }
0x7b: {  	_ =	shalt  }
0x7c: {  	_ =	shalt  }
0x7d: {  	_ =	shalt  }
0x7e: {  	_ =	shalt  }
0x7f: {  	_ =	shalt  }
0x80: {  	_ =	shalt  }
0x81: {  	_ =	shalt  }
0x82: {  	_ =	shalt  }
0x83: {  	_ =	shalt  }
0x84: {  	_ =	shalt  }
0x85: {  	_ =	shalt  }
0x86: {  	_ =	shalt  }
0x87: {  	_ =	shalt  }
.Lfunc_end0:
.L_simem_size_0:
called_computation_lowered:
.L_overlay_start_0:
0x88: {  	s2 =	sld [smem:$0x3FD9]  }
0x89: {  	s3 =	sld [smem:$0x3FFE];
	_ =	sdelay $0x1  }
0x8a: {  	s1 =	srdreg.scid  }
0x8b: {  	s0 =	sand.u32 $0x1, s1  }
0x8c: {  	s18 =	sshll.u32 s0, $0xA;
	s2 =	sadd.s32 s3, s2  }
0x8d: {  	s2 =	sadd.s32 s2, s18  }
0x8e: {  	[smem:$0x3FC7] =	sst s2  }
0x8f: {  	_ = 	snop  }
0x90: {  	s2 =	sld [smem:$0x3FC9]  }
0x91: {  	s19 =	sld [smem:$0x3FD0];
	(tm) =	ssettm $0x1  }
0x92: {  	s4 =	sld [smem:$0x3FFB];
	_ =	sdelay $0x3  }
0x93: {  	_ =	strace s4  }
0x94: {  	s4 =	sld [smem:$0x3FFC];
	_ =	sdelay $0x3  }
0x95: {  	_ =	strace s4  }
0x96: {  	s4 =	sld [smem:$0x3FFD];
	_ =	sdelay $0x3  }
0x97: {  	_ =	strace s4  }
0x98: {  	_ =	strace $0x8FFFFFFF  }
0x99: {  	s20 =	sld [smem:$0x3FDB];
	_ =	sdelay $0x1  }
0x9a: {  	s5 =	simm.s32 $_scs_section_size  }
0x9b: {  	s6 =	simm.s32 $_size__tile_overlayer_lowered;
	s7 =	simm.s32 $_tile_overlayer_lowered  }
0x9c: {  	s23 =	simm.s32 $0x1BFF;
	s22 =	sshll.u32 s7, $0x1;
	s4 =	sadd.s32 s5, s20  }
0x9d: {  	s8 =	simm.s32 $0x0;
	s21 =	sshll.u32 s6, $0x1;
	s6 =	sadd.s32 s22, s4  }
0x9e: {  	[timem:s8], [sflag:s23] =	dma.local [hbm:s6], s21  }
0x9f: {  	_ =	swait.ge [sflag:s23], s21  }
0xa0: {  	s5 =	ssub.s32 $0x0, s21;
	[sflag:s23] =	ssyncset.done $0x0  }
0xa1: {  	[sflag:s23] =	ssyncadd.s32 s5;
	_ =	sdelay $0x1  }
0xa2: {  	s24 =	simm.s32 $0x1B8B  }
0xa3: {  	_ =	swait.ge [sflag:s24], $0x1  }
0xa4: {  	[sflag:s24] =	ssyncset.done $0x0  }
0xa5: {  	s25 =	simm.s32 $0x1B8E;
	[sflag:s24] =	ssyncadd.s32 $0xFFFFFFFF  }
0xa6: {  	s26 =	simm.s32 $execute0_lowered;
	[smem:$0x3FD2] =	sst s25  }
0xa7: {  	s5 =	sshll.u32 s26, $0x1;
	_ =	strace $0x80000046;
	[dreg:$0x1] =	wrdreg $0xFFFFFFFF  }
0xa8: {  	s28 =	simm.s32 $_size_execute0_lowered;
	s4 =	sadd.s32 s4, s5;
	[dreg:$0x0] =	wrdreg $0x0  }
0xa9: {  	s5 =	sshll.u32 s28, $0x1;
	[dreg:$0x2] =	wrdreg s4  }
0xaa: {  	[dreg:$0x3] =	wrdreg s5  }
0xab: {  	[dreg:$0x4] =	wrdreg $0xC0  }
0xac: {  	_ =	task [dreg:s8], $0x5FFFF  }
0xad: {  	[dreg:$0x1] =	wrdreg $0xFFFFFFFF  }
0xae: {  	[dreg:$0x0] =	wrdreg $0x60  }
0xaf: {  	[dreg:$0x2] =	wrdreg s2  }
0xb0: {  	[dreg:$0x3] =	wrdreg s19  }
0xb1: {  	[dreg:$0x4] =	wrdreg $0x9  }
0xb2: {  	_ =	task.clear_ibuf [dreg:s8], $0x5FFFF;
	_ =	strace $0x90000046  }
0xb3: {  	s29 =	simm.s32 $0x9;
	_ =	strace $0x80000048  }
0xb4: {  	_ =	swait.ge [sflag:s29], $0x1  }
0xb5: {  	[sflag:s29] =	ssyncadd.s32 $0xFFFFFFFF  }
0xb6: {  	_ =	strace $0x90000048  }
0xb7: {  	_ =	sfence  }
0xb8: {  	s30 =	sld [smem:$0x0];
	_ =	sdelay $0x2  }
0xb9: {  	s31 =	sshll.u32 s1, $0xD;
	s1 =	sshrl.u32 s1, $0x2  }
0xba: {  	s3 =	sand.u32 $0x4000, s31;
	s1 =	sadd.s32 s1, s30  }
0xbb: {  	s0 =	sor.u32 s3, s0;
	s1 =	sshll.u32 s1, $0x11  }
0xbc: {  	s0 =	sor.u32 s1, s0  }
0xbd: {  	s0 =	sadd.s32 $0x8F2B, s0  }
0xbe: {  	[sflag:s0] =	ssyncadd.remote.s32 $0x1  }
0xbf: {  	_ =	sfence.sel $0xFFFF  }
0xc0: {  	[dreg:$0x0] =	wrdreg $0xFFFFFFFF;
	(pc) =	sbr.abs _section_cstart, $3  }
0xc1: {  	[dreg:$0x1] =	wrdreg $0xFFFFFFFF  }
0xc2: {  	_ =	task.clear_ibuf [dreg:s8], $0x2FFFF;
	_ =	strace $0x9FFFFFFF  }
0xc3: {  	(tm) =	ssettm $0x7FFFFFFF  }
tec
execute0_lowered:
.L_overlay_start_1:
0x0: {  	(tag) =	ssettag $0x1  }
0x1: {  	s0 =	rddreg [dreg:$0x0]  }
0x2: {  	s1 =	rddreg [dreg:$0x1];
	s2 =	simm.s32 $0x0  }
0x3: {  	s3 =	srdreg.scid;
	s6 =	stileid.u32;
	s10 =	simm.s32 $0x2000  }
0x4: {  	s12 =	simm.s32 $0xC200;
	s13 =	simm.s32 $0x10200;
	s14 =	simm.s32 $0x6080  }
0x5: {  	s15 =	simm.s32 $0xA180;
	s16 =	simm.s32 $0x14200;
	s17 =	simm.s32 $0x15200  }
0x6: {  	s18 =	simm.s32 $0x16200;
	s19 =	simm.s32 $0x17200;
	s20 =	simm.s32 $0x18200  }
0x7: {  	s21 =	simm.s32 $0x19200;
	s22 =	simm.s32 $0x1A200;
	s23 =	simm.s32 $0x1B200  }
0x8: {  	s24 =	simm.s32 $0x4000;
	s3 =	sand.u32 $0x1, s3;
	s4 =	sshll.u32 s6, $0x6  }
0x9: {  	s6 =	sshll.u32 s6, $0xC;
	s5 =	sshll.u32 s3, $0x5;
	s4 =	sand.u32 $0x40, s4  }
0xa: {  	[smem:$0x7FF] =	sst s2;
	s6 =	sand.u32 $0xE000, s6;
	s4 =	sor.u32 s5, s4  }
0xb: {  	s3 =	ssub.s32 $0x2, s3;
	_ =	strace $0x80000047;
	s4 =	sor.u32 s6, s4  }
0xc: {  	s25 =	sshrl.u32 s3, $0x1;
	s5 =	simm.s32 $0x0;
	s26 =	sadd.s32 s0, s4  }
0xd: {  	s3 =	ssub.s32 s3, s25;
	s29 =	sadd.s32 s1, s4;
	[dreg:$0x3] =	wrdreg s26  }
0xe: {  	v0 =	vlaneseq.u32;
	s28 =	sor.u32 $0x10, s4;
	s31 =	smax.u32 s3, $0x1;
	[dreg:$0x5] =	wrdreg s29  }
0xf: {  	v2 =	vimm.s32 $0x0;
	v1 =	vmul.u32 $0x201, v0;
	s25 =	simm.s32 $0x8100;
	s0 =	sadd.s32 s0, s28;
	[dreg:$0x7] =	wrdreg s31  }
0x10: {  	v3 =	vimm.s32 $0x1;
	v4 =	vimm.s32 $0xF;
	v8 =	vimm.s32 $0x80000000;
	s3 =	simm.s32 $0x400;
	s30 =	sadd.s32 s1, s28;
	[dreg:$0x4] =	wrdreg s0  }
0x11: {  	v5 =	vadd.s32 $0x80, v1;
	v6 =	vadd.s32 $0x100, v1;
	v7 =	vadd.s32 $0x180, v1;
	s4 =	simm.s32 $0x2;
	s1 =	simm.s32 $0x80;
	[dreg:$0x6] =	wrdreg s30  }
.LBB2_1:
0x12: {  	s0 =	rddreg [dreg:$0x3]  }
0x13: {  	[tilespmem:s2], [sflag:$0x1] =	stream.strided.gather [hbm4b:s0+s1], $0x2000, s3, s1, $0x38;
	[tilespmem:$0x1C200] =	vst v63  }
0x14: {  	s31 =	rddreg [dreg:$0x4]  }
0x15: {  	[tilespmem:s10], [sflag:$0x2] =	stream.strided.gather [hbm4b:s31+s1], $0x2000, s3, s1, $0x38;
	[tilespmem:$0x1C200] =	vst v63  }
0x16: {  	[dreg:$0x8] =	wrdreg s5;
	s0 =	simm.s32 $0x0;
	s1 =	simm.s32 $0x40  }
.LBB2_2:
0x17: {  	p0 =	sne.s32 s1, $0x3FC0;
	[tilespmem:s0+$0x13200] =	vst v2  }
0x18: {  	[tilespmem:s0+$0xC200] =	vst v2  }
0x19: {  	[tilespmem:s0+$0xD200] =	vst v2  }
.Ltmp0:
0x1a: {  	[tilespmem:s0+$0xE200] =	vst v2;
	(pc) =	sbr.rel @p0 .LBB2_2-.Ltmp0, $4  }
0x1b: {  	[tilespmem:s0+$0xF200] =	vst v2  }
0x1c: {  	[tilespmem:s0+$0x10200] =	vst v2  }
0x1d: {  	[tilespmem:s0+$0x11200] =	vst v2  }
0x1e: {  	[tilespmem:s0+$0x12200] =	vst v2;
	s0 =	sshra.s32 s1, $0x2;
	s1 =	sadd.s32 $0x40, s1  }
0x1f: {  	[tilespmem:s0+$0x13200] =	vst v2  }
0x20: {  	[tilespmem:s0+$0xC200] =	vst v2  }
0x21: {  	[tilespmem:s0+$0xD200] =	vst v2  }
0x22: {  	[tilespmem:s0+$0xE200] =	vst v2  }
0x23: {  	[tilespmem:s0+$0xF200] =	vst v2  }
0x24: {  	[tilespmem:s0+$0x10200] =	vst v2  }
0x25: {  	[tilespmem:s0+$0x11200] =	vst v2  }
0x26: {  	[tilespmem:s0+$0x12200] =	vst v2;
	s1 =	simm.s32 $0x1  }
0x27: {  	_ =	swait.ge [sflag:s1], $0x2000  }
0x28: {  	[sflag:s1] =	ssyncset.done $0x0  }
0x29: {  	[sflag:s1] =	ssyncadd.s32 $0xFFFFE000  }
0x2a: {  	_ =	swait.ge [sflag:s4], $0x2000  }
0x2b: {  	[sflag:s4] =	ssyncset.done $0x0  }
0x2c: {  	s26 =	simm.s32 $0x2100;
	[sflag:s4] =	ssyncadd.s32 $0xFFFFE000  }
0x2d: {  	s3 =	simm.s32 $0x2080;
	v9 =	vld [tilespmem:s26+$0x0]  }
0x2e: {  	s30 =	simm.s32 $0x80;
	v10 =	vld [tilespmem:s3+$0x0]  }
0x2f: {  	v11 =	vld [tilespmem:s30+$0x0]  }
0x30: {  	s29 =	simm.s32 $0x100  }
0x31: {  	v13 =	vld [tilespmem:s29+$0x0];
	_ =	sdelay $0x1  }
0x32: {  	v12 =	vshra.s32 v10, $0x1F;
	v14 =	vshra.s32 v9, $0x1F  }
0x33: {  	v15 =	vshra.s32 v11, $0x1F;
	v12 =	vor.u32 $0x80000000, v12;
	v14 =	vor.u32 $0x80000000, v14  }
0x34: {  	v15 =	vor.u32 $0x80000000, v15;
	v10 =	vxor.u32 v10, v12;
	v9 =	vxor.u32 v9, v14  }
0x35: {  	s0 =	simm.s32 $0x0;
	v12 =	vshra.s32 v13, $0x1F;
	v14 =	vxor.u32 v11, v15;
	v11 =	vshll.u32 v10, $0x4  }
0x36: {  	s1 =	smin.u32 s1, $0x7F;
	s4 =	simm.s32 $0x180;
	v18 =	vld [tilespmem:s0+$0x0];
	v15 =	vshll.u32 v14, $0x4;
	v17 =	vshll.u32 v9, $0x4;
	v20 =	vor.u32 $0x80000000, v12  }
0x37: {  	s5 =	simm.s32 $0x2000;
	s7 =	sshrl.u32 s1, $0x3;
	s28 =	sshll.u32 s1, $0x4;
	v16 =	vld [tilespmem:s4+$0x0];
	v11 =	vand.u32 $0xFF0, v11;
	v12 =	vand.u32 $0xFF0, v15;
	v21 =	vand.u32 $0xFF0, v17  }
0x38: {  	s31 =	simm.s32 $0x0;
	s6 =	sshll.u32 s7, $0x9;
	s8 =	sand.u32 $0x70, s28;
	v17 =	vxor.u32 v13, v20;
	v11 =	vor.u32 s0, v11;
	v19 =	vor.u32 s0, v12  }
0x39: {  	s1 =	simm.s32 $0x2180;
	s3 =	simm.s32 $0x2;
	v15 =	vld [tilespmem:s5+$0x0];
	s5 =	sor.u32 s8, s6;
	v13 =	vor.u32 s0, v21;
	v12 =	vadd.s32 $0x1000, v11;
	v20 =	vadd.s32 $0x1000, v19  }
.LBB2_4:
0x3a: {  	s8 =	sor.u32 $0x80, s5  }
0x3b: {  	v21 =	vshra.s32 v18, $0x1F;
	v20 =	vand.u32 $0x3FFFFF80, v20;
	v19 =	vand.u32 $0x7F, v19;
	s26 =	sor.u32 $0x100, s5;
	s9 =	sor.u32 $0x2180, s5;
	s6 =	smov.u32 s3  }
0x3c: {  	p0 =	sne.s32 s3, $0x80;
	s3 =	sadd.s32 $0x1, s3;
	v24 =	vshll.u32 v17, $0x4;
	v22 =	vld [tilespmem:s1+$0x0];
	v23 =	vshra.s32 v16, $0x1F;
	v21 =	vor.u32 $0x80000000, v21;
	s1 =	smov.u32 s9  }
0x3d: {  	s9 =	sadd.s32 s31, s0;
	s0 =	smov.u32 s5;
	v23 =	vor.u32 $0x80000000, v23;
	v18 =	vxor.u32 v18, v21;
	v21 =	vand.u32 $0xFF0, v24  }
0x3e: {  	s11 =	sadd.s32 s31, s30;
	s30 =	smov.u32 s8;
	v24 =	vshra.s32 v15, $0x1F;
	[tilespmem:s9+$0x6080] =	vst v18;
	v18 =	vshll.u32 v18, $0x4;
	v21 =	vor.u32 s31, v21  }
0x3f: {  	s28 =	sadd.s32 s31, s29;
	s29 =	smov.u32 s26;
	v16 =	vxor.u32 v16, v23;
	v24 =	vor.u32 $0x80000000, v24;
	[tilespmem:s11+$0x6080] =	vst v14;
	v14 =	vand.u32 $0xFF0, v18  }
0x40: {  	s4 =	sadd.s32 s31, s4;
	v18 =	vadd.s32 $0x2000, v21;
	[tilespmem:s28+$0x6080] =	vst v17;
	v17 =	vshll.u32 v16, $0x4;
	v14 =	vor.u32 s31, v14  }
0x41: {  	v15 =	vxor.u32 v15, v24;
	v23 =	vshra.s32 v22, $0x1F;
	[tilespmem:s4+$0x6080] =	vst v16;
	v16 =	vand.u32 $0x3FFFFF80, v18  }
0x42: {  	v18 =	vor.u32 v19, v20;
	v19 =	vand.u32 $0x7F, v21;
	[tilespmem:s9+$0xA180] =	vst v15;
	v15 =	vshll.u32 v15, $0x4  }
0x43: {  	v20 =	vor.u32 $0x80000000, v23;
	[tilespmem:s11+$0xA180] =	vst v10;
	v10 =	vand.u32 $0xFF0, v17;
	v15 =	vand.u32 $0xFF0, v15  }
0x44: {  	v17 =	vxor.u32 v22, v20;
	[tilespmem:s28+$0xA180] =	vst v9;
	v9 =	vor.u32 s31, v10;
	v10 =	vor.u32 s31, v15  }
0x45: {  	v16 =	vor.u32 v19, v16;
	v15 =	vshll.u32 v17, $0x4;
	[tilespmem:s4+$0xA180] =	vst v17;
	v17 =	vadd.s32 $0x3000, v9  }
0x46: {  	v15 =	vand.u32 $0xFF0, v15;
	v9 =	vand.u32 $0x7F, v9;
	[tilespmem:v14+s12+$0x0] =	vst.idx.add.s32.msk $0xffff, v3;
	v14 =	vand.u32 $0x3FFFFF80, v17  }
0x47: {  	v12 =	vand.u32 $0x3FFFFF80, v12;
	v11 =	vand.u32 $0x7F, v11;
	[tilespmem:v18+s12+$0x0] =	vst.idx.add.s32.msk $0xffff, v3;
	v9 =	vor.u32 v9, v14  }
0x48: {  	v14 =	vor.u32 s31, v15;
	v15 =	vadd.s32 $0x2000, v13;
	v13 =	vand.u32 $0x7F, v13;
	s31 =	smov.u32 s7  }
0x49: {  	v11 =	vor.u32 v11, v12;
	v12 =	vand.u32 $0x3FFFFF80, v15;
	v15 =	vadd.s32 $0x3000, v14  }
0x4a: {  	v14 =	vand.u32 $0x7F, v14;
	v12 =	vor.u32 v13, v12;
	v13 =	vand.u32 $0x3FFFFF80, v15;
	[tilespmem:v16+s12+$0x0] =	vst.idx.add.s32.msk $0xffff, v3  }
0x4b: {  	v13 =	vor.u32 v14, v13  }
0x4c: {  	[tilespmem:v9+s12+$0x0] =	vst.idx.add.s32.msk $0xffff, v3  }
0x4d: {  	[tilespmem:v10+s13+$0x0] =	vst.idx.add.s32.msk $0xffff, v3  }
0x4e: {  	[tilespmem:v11+s13+$0x0] =	vst.idx.add.s32.msk $0xffff, v3  }
0x4f: {  	s7 =	sor.u32 $0x2100, s5;
	[tilespmem:v12+s13+$0x0] =	vst.idx.add.s32.msk $0xffff, v3  }
0x50: {  	s9 =	sor.u32 $0x2000, s5;
	s11 =	sor.u32 $0x2080, s5;
	s4 =	sor.u32 $0x180, s5;
	[tilespmem:v13+s13+$0x0] =	vst.idx.add.s32.msk $0xffff, v3  }
0x51: {  	v9 =	vld [tilespmem:s7+$0x0]  }
0x52: {  	v10 =	vld [tilespmem:s11+$0x0]  }
0x53: {  	v11 =	vld [tilespmem:s8+$0x0];
	_ =	sdelay $0x1  }
0x54: {  	v13 =	vld [tilespmem:s26+$0x0];
	_ =	sdelay $0x1  }
0x55: {  	v14 =	vshra.s32 v9, $0x1F;
	v12 =	vshra.s32 v10, $0x1F  }
0x56: {  	v14 =	vor.u32 $0x80000000, v14;
	v15 =	vshra.s32 v11, $0x1F;
	v12 =	vor.u32 $0x80000000, v12  }
0x57: {  	v9 =	vxor.u32 v9, v14;
	v15 =	vor.u32 $0x80000000, v15;
	v10 =	vxor.u32 v10, v12  }
.Ltmp1:
0x58: {  	v18 =	vld [tilespmem:s5+$0x0];
	v12 =	vshra.s32 v13, $0x1F;
	v14 =	vxor.u32 v11, v15;
	v11 =	vshll.u32 v10, $0x4;
	(pc) =	sbr.rel @p0 .LBB2_4-.Ltmp1, $4  }
0x59: {  	v17 =	vshll.u32 v9, $0x4;
	s5 =	smin.u32 s6, $0x7F;
	v16 =	vld [tilespmem:s4+$0x0];
	v15 =	vshll.u32 v14, $0x4;
	v11 =	vand.u32 $0xFF0, v11  }
0x5a: {  	v20 =	vor.u32 $0x80000000, v12;
	s7 =	sshrl.u32 s5, $0x3;
	s5 =	sshll.u32 s5, $0x4;
	v12 =	vand.u32 $0xFF0, v15;
	v11 =	vor.u32 s31, v11  }
0x5b: {  	v21 =	vand.u32 $0xFF0, v17;
	s6 =	sshll.u32 s7, $0x9;
	s5 =	sand.u32 $0x70, s5;
	v15 =	vld [tilespmem:s9+$0x0];
	v19 =	vor.u32 s31, v12;
	v12 =	vadd.s32 $0x1000, v11  }
0x5c: {  	v17 =	vxor.u32 v13, v20;
	v13 =	vor.u32 s31, v21;
	s5 =	sor.u32 s5, s6;
	v20 =	vadd.s32 $0x1000, v19  }
0x5d: {  	v21 =	vshra.s32 v18, $0x1F;
	v20 =	vand.u32 $0x3FFFFF80, v20;
	v19 =	vand.u32 $0x7F, v19  }
0x5e: {  	v24 =	vshll.u32 v17, $0x4;
	v23 =	vshra.s32 v16, $0x1F;
	v21 =	vor.u32 $0x80000000, v21  }
0x5f: {  	v22 =	vld [tilespmem:s1+$0x0];
	v23 =	vor.u32 $0x80000000, v23;
	v18 =	vxor.u32 v18, v21;
	v21 =	vand.u32 $0xFF0, v24  }
0x60: {  	s0 =	sadd.s32 s31, s0;
	v61 =	vshra.s32 v15, $0x1F;
	v25 =	vshll.u32 v18, $0x4;
	v21 =	vor.u32 s31, v21  }
0x61: {  	s30 =	sadd.s32 s31, s30;
	v16 =	vxor.u32 v16, v23;
	[tilespmem:s0+$0x6080] =	vst v18;
	v24 =	vor.u32 $0x80000000, v61;
	v23 =	vand.u32 $0xFF0, v25  }
0x62: {  	v62 =	vshll.u32 v16, $0x4;
	v26 =	vadd.s32 $0x2000, v21;
	[tilespmem:s30+$0x6080] =	vst v14;
	v14 =	vor.u32 v19, v20  }
0x63: {  	v20 =	vand.u32 $0x7F, v21;
	v23 =	vor.u32 s31, v23;
	v15 =	vxor.u32 v15, v24  }
0x64: {  	s3 =	sadd.s32 s31, s29;
	v18 =	vshra.s32 v22, $0x1F;
	v63 =	vand.u32 $0x3FFFFF80, v26;
	v19 =	vshll.u32 v15, $0x4  }
0x65: {  	s4 =	sadd.s32 s31, s4;
	[tilespmem:s3+$0x6080] =	vst v17;
	v17 =	vor.u32 $0x80000000, v18;
	v18 =	vand.u32 $0xFF0, v62;
	v19 =	vand.u32 $0xFF0, v19  }
0x66: {  	[tilespmem:s4+$0x6080] =	vst v16;
	v16 =	vxor.u32 v22, v17;
	v17 =	vor.u32 s31, v18;
	v18 =	vor.u32 s31, v19  }
0x67: {  	[tilespmem:s0+$0xA180] =	vst v15;
	v15 =	vshll.u32 v16, $0x4;
	v19 =	vor.u32 v20, v63;
	v20 =	vadd.s32 $0x3000, v17  }
0x68: {  	[tilespmem:s30+$0xA180] =	vst v10;
	v17 =	vand.u32 $0x7F, v17;
	v10 =	vand.u32 $0xFF0, v15;
	v15 =	vand.u32 $0x3FFFFF80, v20  }
0x69: {  	v12 =	vand.u32 $0x3FFFFF80, v12;
	v11 =	vand.u32 $0x7F, v11;
	[tilespmem:s3+$0xA180] =	vst v9;
	v9 =	vor.u32 v17, v15  }
0x6a: {  	v11 =	vor.u32 v11, v12;
	[tilespmem:s4+$0xA180] =	vst v16;
	v10 =	vor.u32 s31, v10;
	v15 =	vadd.s32 $0x2000, v13  }
0x6b: {  	v13 =	vand.u32 $0x7F, v13;
	[tilespmem:v23+s12+$0x0] =	vst.idx.add.s32.msk $0xffff, v3;
	v12 =	vand.u32 $0x3FFFFF80, v15;
	v15 =	vadd.s32 $0x3000, v10  }
0x6c: {  	v10 =	vand.u32 $0x7F, v10;
	[tilespmem:v14+s12+$0x0] =	vst.idx.add.s32.msk $0xffff, v3;
	v12 =	vor.u32 v13, v12;
	v13 =	vand.u32 $0x3FFFFF80, v15  }
0x6d: {  	[tilespmem:v19+s12+$0x0] =	vst.idx.add.s32.msk $0xffff, v3;
	v10 =	vor.u32 v10, v13  }
0x6e: {  	[tilespmem:v9+s12+$0x0] =	vst.idx.add.s32.msk $0xffff, v3  }
0x6f: {  	[tilespmem:v18+s13+$0x0] =	vst.idx.add.s32.msk $0xffff, v3  }
0x70: {  	[tilespmem:v11+s13+$0x0] =	vst.idx.add.s32.msk $0xffff, v3  }
0x71: {  	[tilespmem:v12+s13+$0x0] =	vst.idx.add.s32.msk $0xffff, v3  }
0x72: {  	s1 =	simm.s32 $0x0;
	[tilespmem:v10+s13+$0x0] =	vst.idx.add.s32.msk $0xffff, v3  }
0x73: {  	v20 =	vld [tilespmem:s1+$0xC200]  }
0x74: {  	v18 =	vld [tilespmem:s1+$0xD200]  }
0x75: {  	v14 =	vld [tilespmem:s1+$0xE200]  }
0x76: {  	v9 =	vld [tilespmem:s1+$0xF200];
	_ =	sdelay $0x2  }
0x77: {  	v10 =	vadd.s32 v20, v18  }
0x78: {  	v10 =	vadd.s32 v14, v10  }
0x79: {  	v17 =	vld [tilespmem:s1+$0x10200];
	v9 =	vadd.s32 v9, v10  }
0x7a: {  	v15 =	vld [tilespmem:s1+$0x11200];
	(xrf0) =	vadd.scan.msk.s32 $0xffff, v9  }
0x7b: {  	v16 =	vld [tilespmem:s1+$0x12200]  }
0x7c: {  	v13 =	vld [tilespmem:s1+$0x13200]  }
0x7d: {  	[tilespmem:s1+$0xC200] =	vst v2  }
0x7e: {  	[tilespmem:s1+$0xD200] =	vst v2  }
0x7f: {  	[tilespmem:s1+$0xE200] =	vst v2;
	v19 =	vadd.s32 v17, v15  }
0x80: {  	[tilespmem:s1+$0xF200] =	vst v2;
	v19 =	vadd.s32 v16, v19;
	v21, _, _ =	vpop (xrf0)  }
0x81: {  	[tilespmem:s1+$0x10200] =	vst v2;
	v9 =	vsub.s32 v21, v9;
	v22 =	vperm.xlane v21, v4;
	v21 =	vadd.s32 v13, v19  }
0x82: {  	[tilespmem:s1+$0x11200] =	vst v2;
	(xrf0) =	vadd.scan.msk.s32 $0xffff, v21  }
0x83: {  	[tilespmem:s1+$0x12200] =	vst v2  }
0x84: {  	s0 =	simm.s32 $0x10;
	[tilespmem:s1+$0x13200] =	vst v2  }
0x85: {  	v12 =	vld [tilespmem:s0+$0xC200];
	[tilespmem:s0+$0xC200] =	vst v2;
	v10 =	vimm.s32 $0x0  }
0x86: {  	v11 =	vld [tilespmem:s0+$0xD200];
	[tilespmem:s0+$0xD200] =	vst v2;
	v19 =	vadd.s32 v10, v9  }
0x87: {  	s3 =	simm.s32 $0x80;
	s4 =	simm.s32 $0xC0;
	v13 =	vld [tilespmem:s0+$0xE200];
	[tilespmem:s0+$0xE200] =	vst v2;
	v9 =	vadd.s32 v10, v22;
	v20 =	vadd.s32 v20, v19  }
.LBB2_6:
0x88: {  	p0 =	sne.s32 s4, $0x3FC0;
	v22 =	vld [tilespmem:s0+$0xF200];
	[tilespmem:s0+$0xF200] =	vst v2;
	v23 =	vadd.s32 v18, v20;
	v18, _, _ =	vpop (xrf0)  }
0x89: {  	v24 =	vld [tilespmem:s0+$0x10200];
	[tilespmem:s0+$0x10200] =	vst v2;
	v21 =	vsub.s32 v18, v21;
	v31 =	vperm.xlane v18, v4;
	v25 =	vadd.s32 v14, v23  }
0x8a: {  	v26 =	vld [tilespmem:s0+$0x11200];
	[tilespmem:s0+$0x11200] =	vst v2;
	v27 =	vadd.s32 v10, v21;
	v28 =	vmov v12  }
0x8b: {  	v12 =	vld [tilespmem:s0+$0x12200];
	[tilespmem:s0+$0x12200] =	vst v2;
	v32 =	vadd.s32 v28, v11;
	v10 =	vadd.s32 v10, v31;
	v29 =	vadd.s32 v17, v27  }
0x8c: {  	v18 =	vmovc v11;
	v21 =	vld [tilespmem:s0+$0x13200];
	[tilespmem:s0+$0x13200] =	vst v2;
	v31 =	vadd.s32 v13, v32;
	v30 =	vadd.s32 v15, v29;
	v14 =	vmov v13  }
0x8d: {  	v11 =	vadd.s32 v22, v31;
	[tilespmem:s1+$0x17200] =	vst v25;
	v13 =	vadd.s32 v16, v30  }
0x8e: {  	(xrf0) =	vadd.scan.msk.s32 $0xffff, v11;
	[tilespmem:s1+$0x1B200] =	vst v13;
	v17 =	vmov v24  }
0x8f: {  	v13 =	vadd.s32 v17, v26;
	[tilespmem:s1+$0x16200] =	vst v23;
	v15 =	vmov v26  }
0x90: {  	v13 =	vadd.s32 v12, v13;
	[tilespmem:s1+$0x1A200] =	vst v30;
	v16 =	vmov v12  }
0x91: {  	v21 =	vadd.s32 v21, v13;
	[tilespmem:s1+$0x15200] =	vst v20  }
0x92: {  	(xrf0) =	vadd.scan.msk.s32 $0xffff, v21;
	[tilespmem:s1+$0x19200] =	vst v29  }
.Ltmp2:
0x93: {  	[tilespmem:s1+$0x14200] =	vst v19;
	(pc) =	sbr.rel @p0 .LBB2_6-.Ltmp2, $4  }
0x94: {  	v13, _, _ =	vpop (xrf0);
	[tilespmem:s1+$0x18200] =	vst v27;
	s1 =	smov.u32 s0;
	s0 =	sshra.s32 s3, $0x2;
	s3 =	smov.u32 s4  }
0x95: {  	v12 =	vld [tilespmem:s0+$0xC200];
	[tilespmem:s0+$0xC200] =	vst v2;
	v19 =	vsub.s32 v13, v11;
	v20 =	vperm.xlane v13, v4  }
0x96: {  	v11 =	vld [tilespmem:s0+$0xD200];
	[tilespmem:s0+$0xD200] =	vst v2;
	v19 =	vadd.s32 v9, v19  }
0x97: {  	s4 =	sadd.s32 $0x40, s4;
	v13 =	vld [tilespmem:s0+$0xE200];
	[tilespmem:s0+$0xE200] =	vst v2;
	v9 =	vadd.s32 v9, v20;
	v20 =	vadd.s32 v28, v19  }
0x98: {  	v22 =	vld [tilespmem:s0+$0xF200];
	[tilespmem:s0+$0xF200] =	vst v2  }
0x99: {  	v23 =	vld [tilespmem:s0+$0x10200];
	[tilespmem:s0+$0x10200] =	vst v2  }
0x9a: {  	v24 =	vld [tilespmem:s0+$0x11200];
	[tilespmem:s0+$0x11200] =	vst v2  }
0x9b: {  	v26 =	vld [tilespmem:s0+$0x12200];
	[tilespmem:s0+$0x12200] =	vst v2  }
0x9c: {  	v18 =	vadd.s32 v18, v20;
	v27 =	vld [tilespmem:s0+$0x13200];
	[tilespmem:s0+$0x13200] =	vst v2  }
0x9d: {  	[tilespmem:s1+$0x16200] =	vst v18  }
0x9e: {  	v25, _, _ =	vpop (xrf0);
	[tilespmem:s1+$0x15200] =	vst v20  }
0x9f: {  	v21 =	vsub.s32 v25, v21;
	v14 =	vadd.s32 v14, v18;
	[tilespmem:s1+$0x14200] =	vst v19  }
0xa0: {  	v21 =	vadd.s32 v10, v21;
	[tilespmem:s1+$0x17200] =	vst v14  }
0xa1: {  	v17 =	vadd.s32 v17, v21;
	[tilespmem:s1+$0x18200] =	vst v21  }
0xa2: {  	v15 =	vadd.s32 v15, v17;
	[tilespmem:s1+$0x19200] =	vst v17  }
0xa3: {  	v14 =	vadd.s32 v16, v15;
	[tilespmem:s1+$0x1A200] =	vst v15  }
0xa4: {  	s3 =	sshra.s32 s3, $0x2;
	[tilespmem:s1+$0x1B200] =	vst v14  }
0xa5: {  	v16 =	vadd.s32 v12, v11;
	v14 =	vld [tilespmem:s3+$0xC200]  }
0xa6: {  	v16 =	vadd.s32 v13, v16;
	v15 =	vld [tilespmem:s3+$0xD200]  }
0xa7: {  	v18 =	vadd.s32 v23, v24;
	v17 =	vld [tilespmem:s3+$0xE200];
	v16 =	vadd.s32 v22, v16  }
0xa8: {  	v18 =	vadd.s32 v26, v18;
	v19 =	vld [tilespmem:s3+$0xF200];
	(xrf0) =	vadd.scan.msk.s32 $0xffff, v16  }
0xa9: {  	v20 =	vld [tilespmem:s3+$0x10200];
	v18 =	vadd.s32 v27, v18;
	[tilespmem:s3+$0xC200] =	vst v2  }
0xaa: {  	v21 =	vld [tilespmem:s3+$0x11200];
	[tilespmem:s3+$0xD200] =	vst v2;
	(xrf0) =	vadd.scan.msk.s32 $0xffff, v18  }
0xab: {  	v60 =	vld [tilespmem:s3+$0x12200];
	[tilespmem:s3+$0xE200] =	vst v2  }
0xac: {  	v25 =	vperm.xlane v25, v4;
	v61 =	vld [tilespmem:s3+$0x13200];
	[tilespmem:s3+$0xF200] =	vst v2  }
0xad: {  	[tilespmem:s3+$0x10200] =	vst v2;
	v28 =	vadd.s32 v14, v15  }
0xae: {  	v10 =	vadd.s32 v10, v25;
	[tilespmem:s3+$0x11200] =	vst v2;
	v28 =	vadd.s32 v17, v28;
	v62, _, _ =	vpop (xrf0)  }
0xaf: {  	[tilespmem:s3+$0x12200] =	vst v2;
	v29 =	vadd.s32 v20, v21;
	v19 =	vadd.s32 v19, v28;
	v16 =	vsub.s32 v62, v16  }
0xb0: {  	[tilespmem:s3+$0x13200] =	vst v2;
	v29 =	vadd.s32 v60, v29;
	v63, _, _ =	vpop (xrf0);
	(xrf0) =	vadd.scan.msk.s32 $0xffff, v19;
	v16 =	vadd.s32 v9, v16  }
0xb1: {  	v27 =	vadd.s32 v61, v29;
	v18 =	vsub.s32 v63, v18;
	v12 =	vadd.s32 v12, v16;
	[tilespmem:s0+$0x14200] =	vst v16  }
0xb2: {  	(xrf0) =	vadd.scan.msk.s32 $0xffff, v27;
	v18 =	vadd.s32 v10, v18;
	[tilespmem:s0+$0x15200] =	vst v12  }
0xb3: {  	v11 =	vadd.s32 v11, v12;
	[tilespmem:s0+$0x18200] =	vst v18  }
0xb4: {  	v23 =	vadd.s32 v23, v18;
	[tilespmem:s0+$0x16200] =	vst v11  }
0xb5: {  	v25 =	vperm.xlane v62, v4;
	v13 =	vadd.s32 v13, v11;
	v24 =	vadd.s32 v24, v23;
	[tilespmem:s0+$0x19200] =	vst v23  }
0xb6: {  	[tilespmem:s0+$0x17200] =	vst v13;
	v13 =	vadd.s32 v26, v24;
	v11, _, _ =	vpop (xrf0)  }
0xb7: {  	v9 =	vadd.s32 v9, v25;
	[tilespmem:s0+$0x1B200] =	vst v13;
	v13 =	vperm.xlane v63, v4;
	v11 =	vsub.s32 v11, v19  }
0xb8: {  	[tilespmem:s0+$0x1A200] =	vst v24;
	v19, _, _ =	vpop (xrf0);
	v9 =	vadd.s32 v9, v11  }
0xb9: {  	v10 =	vadd.s32 v10, v13;
	v11 =	vsub.s32 v19, v27;
	v12 =	vadd.s32 v14, v9;
	[tilespmem:s3+$0x14200] =	vst v9  }
0xba: {  	v10 =	vadd.s32 v10, v11;
	[tilespmem:s3+$0x15200] =	vst v12  }
0xbb: {  	v11 =	vadd.s32 v15, v12;
	[tilespmem:s3+$0x18200] =	vst v10  }
0xbc: {  	v13 =	vadd.s32 v20, v10;
	[tilespmem:s3+$0x16200] =	vst v11  }
0xbd: {  	v14 =	vadd.s32 v17, v11;
	[tilespmem:s3+$0x19200] =	vst v13  }
0xbe: {  	v15 =	vadd.s32 v21, v13;
	[tilespmem:s3+$0x17200] =	vst v14  }
0xbf: {  	v14 =	vadd.s32 v60, v15;
	[tilespmem:s3+$0x1A200] =	vst v15  }
0xc0: {  	[tilespmem:s3+$0x1B200] =	vst v14  }
0xc1: {  	v9 =	vld.idx.msk [tilespmem:v1+s14+$0x0], $0xffff  }
0xc2: {  	v11 =	vld.idx.msk [tilespmem:v5+s14+$0x0], $0xffff  }
0xc3: {  	v10 =	vld.idx.msk [tilespmem:v6+s14+$0x0], $0xffff  }
0xc4: {  	v12 =	vld.idx.msk [tilespmem:v7+s14+$0x0], $0xffff  }
0xc5: {  	v14 =	vld.idx.msk [tilespmem:v1+s15+$0x0], $0xffff  }
0xc6: {  	v13 =	vld.idx.msk [tilespmem:v5+s15+$0x0], $0xffff  }
0xc7: {  	v16 =	vld.idx.msk [tilespmem:v6+s15+$0x0], $0xffff  }
0xc8: {  	s0 =	simm.s32 $0x81;
	v15 =	vld.idx.msk [tilespmem:v7+s15+$0x0], $0xffff  }
.LBB2_8:
0xc9: {  	v17 =	vshll.u32 v9, $0x4  }
0xca: {  	v18 =	vshll.u32 v11, $0x4;
	v17 =	vor.u32 v0, v17  }
0xcb: {  	v19 =	vshll.u32 v10, $0x4;
	v18 =	vor.u32 v0, v18;
	v17 =	vand.u32 $0xFFF, v17  }
0xcc: {  	v20 =	vshll.u32 v12, $0x4;
	v19 =	vor.u32 v0, v19;
	v18 =	vand.u32 $0xFFF, v18  }
0xcd: {  	v21 =	vshll.u32 v14, $0x4;
	v20 =	vor.u32 v0, v20;
	v19 =	vand.u32 $0xFFF, v19  }
0xce: {  	v22 =	vshll.u32 v13, $0x4;
	v21 =	vor.u32 v0, v21;
	v20 =	vand.u32 $0xFFF, v20  }
0xcf: {  	v23 =	vshll.u32 v16, $0x4;
	v22 =	vor.u32 v0, v22;
	v21 =	vand.u32 $0xFFF, v21  }
0xd0: {  	v24 =	vshll.u32 v15, $0x4;
	v23 =	vor.u32 v0, v23;
	v22 =	vand.u32 $0xFFF, v22;
	v25 =	vld.idx.msk [tilespmem:v17+s16+$0x0], $0xffff  }
0xd1: {  	v24 =	vor.u32 v0, v24;
	v23 =	vand.u32 $0xFFF, v23;
	v26 =	vld.idx.msk [tilespmem:v18+s17+$0x0], $0xffff  }
0xd2: {  	v24 =	vand.u32 $0xFFF, v24;
	v27 =	vld.idx.msk [tilespmem:v19+s18+$0x0], $0xffff  }
0xd3: {  	v28 =	vld.idx.msk [tilespmem:v20+s19+$0x0], $0xffff  }
0xd4: {  	v29 =	vld.idx.msk [tilespmem:v21+s20+$0x0], $0xffff  }
0xd5: {  	v30 =	vld.idx.msk [tilespmem:v22+s21+$0x0], $0xffff;
	v31 =	vshrl.u32 v25, $0x9  }
0xd6: {  	v32 =	vld.idx.msk [tilespmem:v23+s22+$0x0], $0xffff;
	v33 =	vshrl.u32 v26, $0x9;
	v34 =	vadd.s32 v25, v31  }
0xd7: {  	v35 =	vld.idx.msk [tilespmem:v24+s23+$0x0], $0xffff;
	v36 =	vshrl.u32 v27, $0x9;
	v37 =	vadd.s32 v26, v33  }
0xd8: {  	v38 =	vshrl.u32 v28, $0x9;
	v39 =	vadd.s32 v27, v36  }
0xd9: {  	v40 =	vshrl.u32 v29, $0x9;
	v41 =	vadd.s32 v28, v38  }
0xda: {  	v42 =	vshrl.u32 v30, $0x9;
	v43 =	vadd.s32 v29, v40  }
0xdb: {  	v44 =	vshrl.u32 v32, $0x9;
	v45 =	vadd.s32 v30, v42;
	[tilespmem:v34+s24+$0x0] =	vst.idx.msk $0xffff, v9  }
0xdc: {  	v62 =	vshrl.u32 v35, $0x9;
	v46 =	vadd.s32 v32, v44;
	v25 =	vshll.u32 v25, $0x5;
	[tilespmem:v37+s24+$0x0] =	vst.idx.msk $0xffff, v11  }
0xdd: {  	v63 =	vadd.s32 v35, v62;
	v26 =	vshll.u32 v26, $0x5;
	v27 =	vshll.u32 v27, $0x5;
	[tilespmem:v39+s24+$0x0] =	vst.idx.msk $0xffff, v10  }
0xde: {  	v28 =	vshll.u32 v28, $0x5;
	v29 =	vshll.u32 v29, $0x5;
	v30 =	vshll.u32 v30, $0x5;
	[tilespmem:v41+s24+$0x0] =	vst.idx.msk $0xffff, v12  }
0xdf: {  	v32 =	vshll.u32 v32, $0x5;
	v35 =	vshll.u32 v35, $0x5;
	v25 =	vand.u32 $0x3000, v25;
	[tilespmem:v43+s25+$0x0] =	vst.idx.msk $0xffff, v14  }
0xe0: {  	v26 =	vand.u32 $0x3000, v26;
	v27 =	vand.u32 $0x3000, v27;
	v28 =	vand.u32 $0x3000, v28;
	[tilespmem:v45+s25+$0x0] =	vst.idx.msk $0xffff, v13  }
0xe1: {  	v29 =	vand.u32 $0x3000, v29;
	v30 =	vand.u32 $0x3000, v30;
	v32 =	vand.u32 $0x3000, v32;
	[tilespmem:v46+s25+$0x0] =	vst.idx.msk $0xffff, v16  }
0xe2: {  	v35 =	vand.u32 $0x3000, v35;
	v9 =	vshrl.u32 v9, $0x4;
	v11 =	vshrl.u32 v11, $0x4;
	[tilespmem:v63+s25+$0x0] =	vst.idx.msk $0xffff, v15  }
0xe3: {  	v9 =	vand.u32 $0xFF0, v9;
	v10 =	vshrl.u32 v10, $0x4;
	v11 =	vand.u32 $0xFF0, v11;
	[tilespmem:v17+s16+$0x0] =	vst.idx.add.s32.msk $0xffff, v3  }
0xe4: {  	v9 =	vor.u32 v25, v9;
	v12 =	vshrl.u32 v12, $0x4;
	v10 =	vand.u32 $0xFF0, v10;
	[tilespmem:v18+s17+$0x0] =	vst.idx.add.s32.msk $0xffff, v3  }
0xe5: {  	v9 =	vor.u32 v31, v9;
	v11 =	vor.u32 v26, v11;
	v14 =	vshrl.u32 v14, $0x4;
	[tilespmem:v19+s18+$0x0] =	vst.idx.add.s32.msk $0xffff, v3  }
0xe6: {  	v12 =	vand.u32 $0xFF0, v12;
	v11 =	vor.u32 v33, v11;
	v10 =	vor.u32 v27, v10;
	[tilespmem:v20+s19+$0x0] =	vst.idx.add.s32.msk $0xffff, v3  }
0xe7: {  	v13 =	vshrl.u32 v13, $0x4;
	v14 =	vand.u32 $0xFF0, v14;
	v10 =	vor.u32 v36, v10;
	[tilespmem:v21+s20+$0x0] =	vst.idx.add.s32.msk $0xffff, v3  }
0xe8: {  	v12 =	vor.u32 v28, v12;
	v16 =	vshrl.u32 v16, $0x4;
	v13 =	vand.u32 $0xFF0, v13;
	[tilespmem:v22+s21+$0x0] =	vst.idx.add.s32.msk $0xffff, v3  }
0xe9: {  	v12 =	vor.u32 v38, v12;
	v14 =	vor.u32 v29, v14;
	v15 =	vshrl.u32 v15, $0x4;
	[tilespmem:v23+s22+$0x0] =	vst.idx.add.s32.msk $0xffff, v3  }
0xea: {  	v16 =	vand.u32 $0xFF0, v16;
	v14 =	vor.u32 v40, v14;
	v13 =	vor.u32 v30, v13;
	[tilespmem:v24+s23+$0x0] =	vst.idx.add.s32.msk $0xffff, v3  }
0xeb: {  	v15 =	vand.u32 $0xFF0, v15;
	v13 =	vor.u32 v42, v13;
	v16 =	vor.u32 v32, v16;
	[tilespmem:v9+s12+$0x0] =	vst.idx.add.s32.msk $0xffff, v3  }
0xec: {  	v15 =	vor.u32 v35, v15;
	v9 =	vor.u32 v44, v16;
	[tilespmem:v11+s12+$0x0] =	vst.idx.add.s32.msk $0xffff, v3  }
0xed: {  	s1 =	sadd.s32 $0xFFFFFF80, s0;
	v11 =	vor.u32 v62, v15;
	[tilespmem:v10+s12+$0x0] =	vst.idx.add.s32.msk $0xffff, v3  }
0xee: {  	v15 =	vadd.s32 s1, v1;
	[tilespmem:v12+s12+$0x0] =	vst.idx.add.s32.msk $0xffff, v3  }
0xef: {  	s30 =	sadd.s32 $0x80, s0;
	v16 =	vadd.s32 s0, v1;
	[tilespmem:v14+s13+$0x0] =	vst.idx.add.s32.msk $0xffff, v3  }
0xf0: {  	s31 =	sadd.s32 $0x100, s0;
	v17 =	vadd.s32 s30, v1;
	[tilespmem:v13+s13+$0x0] =	vst.idx.add.s32.msk $0xffff, v3  }
0xf1: {  	v18 =	vadd.s32 s31, v1;
	[tilespmem:v9+s13+$0x0] =	vst.idx.add.s32.msk $0xffff, v3  }
0xf2: {  	[tilespmem:v11+s13+$0x0] =	vst.idx.add.s32.msk $0xffff, v3  }
0xf3: {  	v9 =	vld.idx.msk [tilespmem:v15+s14+$0x0], $0xffff  }
0xf4: {  	v11 =	vld.idx.msk [tilespmem:v16+s14+$0x0], $0xffff  }
0xf5: {  	p0 =	sne.s32 s0, $0x100;
	v10 =	vld.idx.msk [tilespmem:v17+s14+$0x0], $0xffff  }
.Ltmp3:
0xf6: {  	v12 =	vld.idx.msk [tilespmem:v18+s14+$0x0], $0xffff;
	(pc) =	sbr.rel @p0 .LBB2_8-.Ltmp3, $4  }
0xf7: {  	v14 =	vld.idx.msk [tilespmem:v15+s15+$0x0], $0xffff  }
0xf8: {  	v13 =	vld.idx.msk [tilespmem:v16+s15+$0x0], $0xffff  }
0xf9: {  	v16 =	vld.idx.msk [tilespmem:v17+s15+$0x0], $0xffff  }
0xfa: {  	s0 =	sadd.s32 $0x1, s0;
	v15 =	vld.idx.msk [tilespmem:v18+s15+$0x0], $0xffff  }
0xfb: {  	s1 =	simm.s32 $0x0  }
0xfc: {  	v20 =	vld [tilespmem:s1+$0xC200]  }
0xfd: {  	v18 =	vld [tilespmem:s1+$0xD200]  }
0xfe: {  	v14 =	vld [tilespmem:s1+$0xE200]  }
0xff: {  	v9 =	vld [tilespmem:s1+$0xF200];
	_ =	sdelay $0x2  }
0x100: {  	v10 =	vadd.s32 v20, v18  }
0x101: {  	v10 =	vadd.s32 v14, v10  }
0x102: {  	v17 =	vld [tilespmem:s1+$0x10200];
	v9 =	vadd.s32 v9, v10  }
0x103: {  	v15 =	vld [tilespmem:s1+$0x11200];
	(xrf0) =	vadd.scan.msk.s32 $0xffff, v9  }
0x104: {  	v16 =	vld [tilespmem:s1+$0x12200]  }
0x105: {  	v13 =	vld [tilespmem:s1+$0x13200]  }
0x106: {  	[tilespmem:s1+$0xC200] =	vst v2  }
0x107: {  	[tilespmem:s1+$0xD200] =	vst v2  }
0x108: {  	[tilespmem:s1+$0xE200] =	vst v2;
	v19 =	vadd.s32 v17, v15  }
0x109: {  	[tilespmem:s1+$0xF200] =	vst v2;
	v19 =	vadd.s32 v16, v19;
	v21, _, _ =	vpop (xrf0)  }
0x10a: {  	[tilespmem:s1+$0x10200] =	vst v2;
	v9 =	vsub.s32 v21, v9;
	v22 =	vperm.xlane v21, v4;
	v21 =	vadd.s32 v13, v19  }
0x10b: {  	[tilespmem:s1+$0x11200] =	vst v2;
	(xrf0) =	vadd.scan.msk.s32 $0xffff, v21  }
0x10c: {  	[tilespmem:s1+$0x12200] =	vst v2  }
0x10d: {  	s0 =	simm.s32 $0x10;
	[tilespmem:s1+$0x13200] =	vst v2  }
0x10e: {  	v12 =	vld [tilespmem:s0+$0xC200];
	[tilespmem:s0+$0xC200] =	vst v2;
	v10 =	vimm.s32 $0x0  }
0x10f: {  	v11 =	vld [tilespmem:s0+$0xD200];
	[tilespmem:s0+$0xD200] =	vst v2;
	v19 =	vadd.s32 v10, v9  }
0x110: {  	s3 =	simm.s32 $0x80;
	s4 =	simm.s32 $0xC0;
	v13 =	vld [tilespmem:s0+$0xE200];
	[tilespmem:s0+$0xE200] =	vst v2;
	v9 =	vadd.s32 v10, v22;
	v20 =	vadd.s32 v20, v19  }
.LBB2_10:
0x111: {  	p0 =	sne.s32 s4, $0x3FC0;
	v22 =	vld [tilespmem:s0+$0xF200];
	[tilespmem:s0+$0xF200] =	vst v2;
	v23 =	vadd.s32 v18, v20;
	v18, _, _ =	vpop (xrf0)  }
0x112: {  	v24 =	vld [tilespmem:s0+$0x10200];
	[tilespmem:s0+$0x10200] =	vst v2;
	v21 =	vsub.s32 v18, v21;
	v31 =	vperm.xlane v18, v4;
	v25 =	vadd.s32 v14, v23  }
0x113: {  	v26 =	vld [tilespmem:s0+$0x11200];
	[tilespmem:s0+$0x11200] =	vst v2;
	v27 =	vadd.s32 v10, v21;
	v28 =	vmov v12  }
0x114: {  	v12 =	vld [tilespmem:s0+$0x12200];
	[tilespmem:s0+$0x12200] =	vst v2;
	v32 =	vadd.s32 v28, v11;
	v10 =	vadd.s32 v10, v31;
	v29 =	vadd.s32 v17, v27  }
0x115: {  	v18 =	vmovc v11;
	v21 =	vld [tilespmem:s0+$0x13200];
	[tilespmem:s0+$0x13200] =	vst v2;
	v31 =	vadd.s32 v13, v32;
	v30 =	vadd.s32 v15, v29;
	v14 =	vmov v13  }
0x116: {  	v11 =	vadd.s32 v22, v31;
	[tilespmem:s1+$0x17200] =	vst v25;
	v13 =	vadd.s32 v16, v30  }
0x117: {  	(xrf0) =	vadd.scan.msk.s32 $0xffff, v11;
	[tilespmem:s1+$0x1B200] =	vst v13;
	v17 =	vmov v24  }
0x118: {  	v13 =	vadd.s32 v17, v26;
	[tilespmem:s1+$0x16200] =	vst v23;
	v15 =	vmov v26  }
0x119: {  	v13 =	vadd.s32 v12, v13;
	[tilespmem:s1+$0x1A200] =	vst v30;
	v16 =	vmov v12  }
0x11a: {  	v21 =	vadd.s32 v21, v13;
	[tilespmem:s1+$0x15200] =	vst v20  }
0x11b: {  	(xrf0) =	vadd.scan.msk.s32 $0xffff, v21;
	[tilespmem:s1+$0x19200] =	vst v29  }
.Ltmp4:
0x11c: {  	[tilespmem:s1+$0x14200] =	vst v19;
	(pc) =	sbr.rel @p0 .LBB2_10-.Ltmp4, $4  }
0x11d: {  	v13, _, _ =	vpop (xrf0);
	[tilespmem:s1+$0x18200] =	vst v27;
	s1 =	smov.u32 s0;
	s0 =	sshra.s32 s3, $0x2;
	s3 =	smov.u32 s4  }
0x11e: {  	v12 =	vld [tilespmem:s0+$0xC200];
	[tilespmem:s0+$0xC200] =	vst v2;
	v19 =	vsub.s32 v13, v11;
	v20 =	vperm.xlane v13, v4  }
0x11f: {  	v11 =	vld [tilespmem:s0+$0xD200];
	[tilespmem:s0+$0xD200] =	vst v2;
	v19 =	vadd.s32 v9, v19  }
0x120: {  	s4 =	sadd.s32 $0x40, s4;
	v13 =	vld [tilespmem:s0+$0xE200];
	[tilespmem:s0+$0xE200] =	vst v2;
	v9 =	vadd.s32 v9, v20;
	v20 =	vadd.s32 v28, v19  }
0x121: {  	v22 =	vld [tilespmem:s0+$0xF200];
	[tilespmem:s0+$0xF200] =	vst v2  }
0x122: {  	v23 =	vld [tilespmem:s0+$0x10200];
	[tilespmem:s0+$0x10200] =	vst v2  }
0x123: {  	v24 =	vld [tilespmem:s0+$0x11200];
	[tilespmem:s0+$0x11200] =	vst v2  }
0x124: {  	v26 =	vld [tilespmem:s0+$0x12200];
	[tilespmem:s0+$0x12200] =	vst v2  }
0x125: {  	v18 =	vadd.s32 v18, v20;
	v27 =	vld [tilespmem:s0+$0x13200];
	[tilespmem:s0+$0x13200] =	vst v2  }
0x126: {  	[tilespmem:s1+$0x16200] =	vst v18  }
0x127: {  	v25, _, _ =	vpop (xrf0);
	[tilespmem:s1+$0x15200] =	vst v20  }
0x128: {  	v21 =	vsub.s32 v25, v21;
	v14 =	vadd.s32 v14, v18;
	[tilespmem:s1+$0x14200] =	vst v19  }
0x129: {  	v21 =	vadd.s32 v10, v21;
	[tilespmem:s1+$0x17200] =	vst v14  }
0x12a: {  	v17 =	vadd.s32 v17, v21;
	[tilespmem:s1+$0x18200] =	vst v21  }
0x12b: {  	v15 =	vadd.s32 v15, v17;
	[tilespmem:s1+$0x19200] =	vst v17  }
0x12c: {  	v14 =	vadd.s32 v16, v15;
	[tilespmem:s1+$0x1A200] =	vst v15  }
0x12d: {  	s3 =	sshra.s32 s3, $0x2;
	[tilespmem:s1+$0x1B200] =	vst v14  }
0x12e: {  	v16 =	vadd.s32 v12, v11;
	v14 =	vld [tilespmem:s3+$0xC200]  }
0x12f: {  	v16 =	vadd.s32 v13, v16;
	v15 =	vld [tilespmem:s3+$0xD200]  }
0x130: {  	v18 =	vadd.s32 v23, v24;
	v17 =	vld [tilespmem:s3+$0xE200];
	v16 =	vadd.s32 v22, v16  }
0x131: {  	v18 =	vadd.s32 v26, v18;
	v19 =	vld [tilespmem:s3+$0xF200];
	(xrf0) =	vadd.scan.msk.s32 $0xffff, v16  }
0x132: {  	v20 =	vld [tilespmem:s3+$0x10200];
	v18 =	vadd.s32 v27, v18;
	[tilespmem:s3+$0xC200] =	vst v2  }
0x133: {  	v21 =	vld [tilespmem:s3+$0x11200];
	[tilespmem:s3+$0xD200] =	vst v2;
	(xrf0) =	vadd.scan.msk.s32 $0xffff, v18  }
0x134: {  	v60 =	vld [tilespmem:s3+$0x12200];
	[tilespmem:s3+$0xE200] =	vst v2  }
0x135: {  	v25 =	vperm.xlane v25, v4;
	v61 =	vld [tilespmem:s3+$0x13200];
	[tilespmem:s3+$0xF200] =	vst v2  }
0x136: {  	[tilespmem:s3+$0x10200] =	vst v2;
	v28 =	vadd.s32 v14, v15  }
0x137: {  	v10 =	vadd.s32 v10, v25;
	[tilespmem:s3+$0x11200] =	vst v2;
	v28 =	vadd.s32 v17, v28;
	v62, _, _ =	vpop (xrf0)  }
0x138: {  	[tilespmem:s3+$0x12200] =	vst v2;
	v29 =	vadd.s32 v20, v21;
	v19 =	vadd.s32 v19, v28;
	v16 =	vsub.s32 v62, v16  }
0x139: {  	[tilespmem:s3+$0x13200] =	vst v2;
	v29 =	vadd.s32 v60, v29;
	v63, _, _ =	vpop (xrf0);
	(xrf0) =	vadd.scan.msk.s32 $0xffff, v19;
	v16 =	vadd.s32 v9, v16  }
0x13a: {  	v27 =	vadd.s32 v61, v29;
	v18 =	vsub.s32 v63, v18;
	v12 =	vadd.s32 v12, v16;
	[tilespmem:s0+$0x14200] =	vst v16  }
0x13b: {  	(xrf0) =	vadd.scan.msk.s32 $0xffff, v27;
	v18 =	vadd.s32 v10, v18;
	[tilespmem:s0+$0x15200] =	vst v12  }
0x13c: {  	v11 =	vadd.s32 v11, v12;
	[tilespmem:s0+$0x18200] =	vst v18  }
0x13d: {  	v23 =	vadd.s32 v23, v18;
	[tilespmem:s0+$0x16200] =	vst v11  }
0x13e: {  	v25 =	vperm.xlane v62, v4;
	v13 =	vadd.s32 v13, v11;
	v24 =	vadd.s32 v24, v23;
	[tilespmem:s0+$0x19200] =	vst v23  }
0x13f: {  	[tilespmem:s0+$0x17200] =	vst v13;
	v13 =	vadd.s32 v26, v24;
	v11, _, _ =	vpop (xrf0)  }
0x140: {  	v9 =	vadd.s32 v9, v25;
	[tilespmem:s0+$0x1B200] =	vst v13;
	v13 =	vperm.xlane v63, v4;
	v11 =	vsub.s32 v11, v19  }
0x141: {  	[tilespmem:s0+$0x1A200] =	vst v24;
	v19, _, _ =	vpop (xrf0);
	v9 =	vadd.s32 v9, v11  }
0x142: {  	v10 =	vadd.s32 v10, v13;
	v11 =	vsub.s32 v19, v27;
	v12 =	vadd.s32 v14, v9;
	[tilespmem:s3+$0x14200] =	vst v9  }
0x143: {  	v10 =	vadd.s32 v10, v11;
	[tilespmem:s3+$0x15200] =	vst v12  }
0x144: {  	v11 =	vadd.s32 v15, v12;
	[tilespmem:s3+$0x18200] =	vst v10  }
0x145: {  	v13 =	vadd.s32 v20, v10;
	[tilespmem:s3+$0x16200] =	vst v11  }
0x146: {  	v14 =	vadd.s32 v17, v11;
	[tilespmem:s3+$0x19200] =	vst v13  }
0x147: {  	v15 =	vadd.s32 v21, v13;
	[tilespmem:s3+$0x17200] =	vst v14  }
0x148: {  	v14 =	vadd.s32 v60, v15;
	[tilespmem:s3+$0x1A200] =	vst v15  }
0x149: {  	[tilespmem:s3+$0x1B200] =	vst v14  }
0x14a: {  	v9 =	vld.idx.msk [tilespmem:v1+s24+$0x0], $0xffff  }
0x14b: {  	v11 =	vld.idx.msk [tilespmem:v5+s24+$0x0], $0xffff  }
0x14c: {  	v10 =	vld.idx.msk [tilespmem:v6+s24+$0x0], $0xffff  }
0x14d: {  	v12 =	vld.idx.msk [tilespmem:v7+s24+$0x0], $0xffff  }
0x14e: {  	v14 =	vld.idx.msk [tilespmem:v1+s25+$0x0], $0xffff  }
0x14f: {  	v13 =	vld.idx.msk [tilespmem:v5+s25+$0x0], $0xffff  }
0x150: {  	v16 =	vld.idx.msk [tilespmem:v6+s25+$0x0], $0xffff  }
0x151: {  	s0 =	simm.s32 $0x81;
	v15 =	vld.idx.msk [tilespmem:v7+s25+$0x0], $0xffff  }
.LBB2_12:
0x152: {  	v17 =	vshrl.u32 v9, $0x4  }
0x153: {  	v18 =	vshrl.u32 v11, $0x4;
	v17 =	vand.u32 $0xFF0, v17  }
0x154: {  	v19 =	vshrl.u32 v10, $0x4;
	v18 =	vand.u32 $0xFF0, v18;
	v17 =	vor.u32 v0, v17  }
0x155: {  	v20 =	vshrl.u32 v12, $0x4;
	v19 =	vand.u32 $0xFF0, v19;
	v18 =	vor.u32 v0, v18  }
0x156: {  	v21 =	vshrl.u32 v14, $0x4;
	v20 =	vand.u32 $0xFF0, v20;
	v19 =	vor.u32 v0, v19  }
0x157: {  	v22 =	vshrl.u32 v13, $0x4;
	v21 =	vand.u32 $0xFF0, v21;
	v20 =	vor.u32 v0, v20  }
0x158: {  	v23 =	vshrl.u32 v16, $0x4;
	v22 =	vand.u32 $0xFF0, v22;
	v21 =	vor.u32 v0, v21  }
0x159: {  	v24 =	vshrl.u32 v15, $0x4;
	v23 =	vand.u32 $0xFF0, v23;
	v22 =	vor.u32 v0, v22;
	v25 =	vld.idx.msk [tilespmem:v17+s16+$0x0], $0xffff  }
0x15a: {  	v24 =	vand.u32 $0xFF0, v24;
	v23 =	vor.u32 v0, v23;
	v26 =	vld.idx.msk [tilespmem:v18+s17+$0x0], $0xffff  }
0x15b: {  	v24 =	vor.u32 v0, v24;
	v27 =	vld.idx.msk [tilespmem:v19+s18+$0x0], $0xffff  }
0x15c: {  	v28 =	vld.idx.msk [tilespmem:v20+s19+$0x0], $0xffff  }
0x15d: {  	v29 =	vld.idx.msk [tilespmem:v21+s20+$0x0], $0xffff  }
0x15e: {  	v30 =	vld.idx.msk [tilespmem:v22+s21+$0x0], $0xffff;
	v31 =	vshrl.u32 v25, $0x9  }
0x15f: {  	v32 =	vld.idx.msk [tilespmem:v23+s22+$0x0], $0xffff;
	v33 =	vshrl.u32 v26, $0x9;
	v34 =	vadd.s32 v25, v31  }
0x160: {  	v35 =	vld.idx.msk [tilespmem:v24+s23+$0x0], $0xffff;
	v36 =	vshrl.u32 v27, $0x9;
	v37 =	vadd.s32 v26, v33  }
0x161: {  	v38 =	vshrl.u32 v28, $0x9;
	v39 =	vadd.s32 v27, v36  }
0x162: {  	v40 =	vshrl.u32 v29, $0x9;
	v41 =	vadd.s32 v28, v38  }
0x163: {  	v42 =	vshrl.u32 v30, $0x9;
	v43 =	vadd.s32 v29, v40  }
0x164: {  	v44 =	vshrl.u32 v32, $0x9;
	v45 =	vadd.s32 v30, v42;
	[tilespmem:v34+s14+$0x0] =	vst.idx.msk $0xffff, v9  }
0x165: {  	v62 =	vshrl.u32 v35, $0x9;
	v46 =	vadd.s32 v32, v44;
	v25 =	vshll.u32 v25, $0x5;
	[tilespmem:v37+s14+$0x0] =	vst.idx.msk $0xffff, v11  }
0x166: {  	v63 =	vadd.s32 v35, v62;
	v26 =	vshll.u32 v26, $0x5;
	v27 =	vshll.u32 v27, $0x5;
	[tilespmem:v39+s14+$0x0] =	vst.idx.msk $0xffff, v10  }
0x167: {  	v28 =	vshll.u32 v28, $0x5;
	v29 =	vshll.u32 v29, $0x5;
	v30 =	vshll.u32 v30, $0x5;
	[tilespmem:v41+s14+$0x0] =	vst.idx.msk $0xffff, v12  }
0x168: {  	v32 =	vshll.u32 v32, $0x5;
	v35 =	vshll.u32 v35, $0x5;
	v25 =	vand.u32 $0x3000, v25;
	[tilespmem:v43+s15+$0x0] =	vst.idx.msk $0xffff, v14  }
0x169: {  	v26 =	vand.u32 $0x3000, v26;
	v27 =	vand.u32 $0x3000, v27;
	v28 =	vand.u32 $0x3000, v28;
	[tilespmem:v45+s15+$0x0] =	vst.idx.msk $0xffff, v13  }
0x16a: {  	v29 =	vand.u32 $0x3000, v29;
	v30 =	vand.u32 $0x3000, v30;
	v32 =	vand.u32 $0x3000, v32;
	[tilespmem:v46+s15+$0x0] =	vst.idx.msk $0xffff, v16  }
0x16b: {  	v35 =	vand.u32 $0x3000, v35;
	v9 =	vshrl.u32 v9, $0xC;
	v11 =	vshrl.u32 v11, $0xC;
	[tilespmem:v63+s15+$0x0] =	vst.idx.msk $0xffff, v15  }
0x16c: {  	v9 =	vand.u32 $0xFF0, v9;
	v10 =	vshrl.u32 v10, $0xC;
	v11 =	vand.u32 $0xFF0, v11;
	[tilespmem:v17+s16+$0x0] =	vst.idx.add.s32.msk $0xffff, v3  }
0x16d: {  	v9 =	vor.u32 v25, v9;
	v12 =	vshrl.u32 v12, $0xC;
	v10 =	vand.u32 $0xFF0, v10;
	[tilespmem:v18+s17+$0x0] =	vst.idx.add.s32.msk $0xffff, v3  }
0x16e: {  	v9 =	vor.u32 v31, v9;
	v11 =	vor.u32 v26, v11;
	v14 =	vshrl.u32 v14, $0xC;
	[tilespmem:v19+s18+$0x0] =	vst.idx.add.s32.msk $0xffff, v3  }
0x16f: {  	v12 =	vand.u32 $0xFF0, v12;
	v11 =	vor.u32 v33, v11;
	v10 =	vor.u32 v27, v10;
	[tilespmem:v20+s19+$0x0] =	vst.idx.add.s32.msk $0xffff, v3  }
0x170: {  	v13 =	vshrl.u32 v13, $0xC;
	v14 =	vand.u32 $0xFF0, v14;
	v10 =	vor.u32 v36, v10;
	[tilespmem:v21+s20+$0x0] =	vst.idx.add.s32.msk $0xffff, v3  }
0x171: {  	v12 =	vor.u32 v28, v12;
	v16 =	vshrl.u32 v16, $0xC;
	v13 =	vand.u32 $0xFF0, v13;
	[tilespmem:v22+s21+$0x0] =	vst.idx.add.s32.msk $0xffff, v3  }
0x172: {  	v12 =	vor.u32 v38, v12;
	v14 =	vor.u32 v29, v14;
	v15 =	vshrl.u32 v15, $0xC;
	[tilespmem:v23+s22+$0x0] =	vst.idx.add.s32.msk $0xffff, v3  }
0x173: {  	v16 =	vand.u32 $0xFF0, v16;
	v14 =	vor.u32 v40, v14;
	v13 =	vor.u32 v30, v13;
	[tilespmem:v24+s23+$0x0] =	vst.idx.add.s32.msk $0xffff, v3  }
0x174: {  	v15 =	vand.u32 $0xFF0, v15;
	v13 =	vor.u32 v42, v13;
	v16 =	vor.u32 v32, v16;
	[tilespmem:v9+s12+$0x0] =	vst.idx.add.s32.msk $0xffff, v3  }
0x175: {  	v15 =	vor.u32 v35, v15;
	v9 =	vor.u32 v44, v16;
	[tilespmem:v11+s12+$0x0] =	vst.idx.add.s32.msk $0xffff, v3  }
0x176: {  	s1 =	sadd.s32 $0xFFFFFF80, s0;
	v11 =	vor.u32 v62, v15;
	[tilespmem:v10+s12+$0x0] =	vst.idx.add.s32.msk $0xffff, v3  }
0x177: {  	v15 =	vadd.s32 s1, v1;
	[tilespmem:v12+s12+$0x0] =	vst.idx.add.s32.msk $0xffff, v3  }
0x178: {  	s30 =	sadd.s32 $0x80, s0;
	v16 =	vadd.s32 s0, v1;
	[tilespmem:v14+s13+$0x0] =	vst.idx.add.s32.msk $0xffff, v3  }
0x179: {  	s31 =	sadd.s32 $0x100, s0;
	v17 =	vadd.s32 s30, v1;
	[tilespmem:v13+s13+$0x0] =	vst.idx.add.s32.msk $0xffff, v3  }
0x17a: {  	v18 =	vadd.s32 s31, v1;
	[tilespmem:v9+s13+$0x0] =	vst.idx.add.s32.msk $0xffff, v3  }
0x17b: {  	[tilespmem:v11+s13+$0x0] =	vst.idx.add.s32.msk $0xffff, v3  }
0x17c: {  	v9 =	vld.idx.msk [tilespmem:v15+s24+$0x0], $0xffff  }
0x17d: {  	v11 =	vld.idx.msk [tilespmem:v16+s24+$0x0], $0xffff  }
0x17e: {  	p0 =	sne.s32 s0, $0x100;
	v10 =	vld.idx.msk [tilespmem:v17+s24+$0x0], $0xffff  }
.Ltmp5:
0x17f: {  	v12 =	vld.idx.msk [tilespmem:v18+s24+$0x0], $0xffff;
	(pc) =	sbr.rel @p0 .LBB2_12-.Ltmp5, $4  }
0x180: {  	v14 =	vld.idx.msk [tilespmem:v15+s25+$0x0], $0xffff  }
0x181: {  	v13 =	vld.idx.msk [tilespmem:v16+s25+$0x0], $0xffff  }
0x182: {  	v16 =	vld.idx.msk [tilespmem:v17+s25+$0x0], $0xffff  }
0x183: {  	s0 =	sadd.s32 $0x1, s0;
	v15 =	vld.idx.msk [tilespmem:v18+s25+$0x0], $0xffff  }
0x184: {  	s1 =	simm.s32 $0x0  }
0x185: {  	v20 =	vld [tilespmem:s1+$0xC200]  }
0x186: {  	v18 =	vld [tilespmem:s1+$0xD200]  }
0x187: {  	v14 =	vld [tilespmem:s1+$0xE200]  }
0x188: {  	v9 =	vld [tilespmem:s1+$0xF200];
	_ =	sdelay $0x2  }
0x189: {  	v10 =	vadd.s32 v20, v18  }
0x18a: {  	v10 =	vadd.s32 v14, v10  }
0x18b: {  	v17 =	vld [tilespmem:s1+$0x10200];
	v9 =	vadd.s32 v9, v10  }
0x18c: {  	v15 =	vld [tilespmem:s1+$0x11200];
	(xrf0) =	vadd.scan.msk.s32 $0xffff, v9  }
0x18d: {  	v16 =	vld [tilespmem:s1+$0x12200]  }
0x18e: {  	v13 =	vld [tilespmem:s1+$0x13200]  }
0x18f: {  	[tilespmem:s1+$0xC200] =	vst v2  }
0x190: {  	[tilespmem:s1+$0xD200] =	vst v2  }
0x191: {  	[tilespmem:s1+$0xE200] =	vst v2;
	v19 =	vadd.s32 v17, v15  }
0x192: {  	[tilespmem:s1+$0xF200] =	vst v2;
	v19 =	vadd.s32 v16, v19;
	v21, _, _ =	vpop (xrf0)  }
0x193: {  	[tilespmem:s1+$0x10200] =	vst v2;
	v9 =	vsub.s32 v21, v9;
	v22 =	vperm.xlane v21, v4;
	v21 =	vadd.s32 v13, v19  }
0x194: {  	[tilespmem:s1+$0x11200] =	vst v2;
	(xrf0) =	vadd.scan.msk.s32 $0xffff, v21  }
0x195: {  	[tilespmem:s1+$0x12200] =	vst v2  }
0x196: {  	s0 =	simm.s32 $0x10;
	[tilespmem:s1+$0x13200] =	vst v2  }
0x197: {  	v12 =	vld [tilespmem:s0+$0xC200];
	[tilespmem:s0+$0xC200] =	vst v2;
	v10 =	vimm.s32 $0x0  }
0x198: {  	v11 =	vld [tilespmem:s0+$0xD200];
	[tilespmem:s0+$0xD200] =	vst v2;
	v19 =	vadd.s32 v10, v9  }
0x199: {  	s3 =	simm.s32 $0x80;
	s4 =	simm.s32 $0xC0;
	v13 =	vld [tilespmem:s0+$0xE200];
	[tilespmem:s0+$0xE200] =	vst v2;
	v9 =	vadd.s32 v10, v22;
	v20 =	vadd.s32 v20, v19  }
.LBB2_14:
0x19a: {  	p0 =	sne.s32 s4, $0x3FC0;
	v22 =	vld [tilespmem:s0+$0xF200];
	[tilespmem:s0+$0xF200] =	vst v2;
	v23 =	vadd.s32 v18, v20;
	v18, _, _ =	vpop (xrf0)  }
0x19b: {  	v24 =	vld [tilespmem:s0+$0x10200];
	[tilespmem:s0+$0x10200] =	vst v2;
	v21 =	vsub.s32 v18, v21;
	v31 =	vperm.xlane v18, v4;
	v25 =	vadd.s32 v14, v23  }
0x19c: {  	v26 =	vld [tilespmem:s0+$0x11200];
	[tilespmem:s0+$0x11200] =	vst v2;
	v27 =	vadd.s32 v10, v21;
	v28 =	vmov v12  }
0x19d: {  	v12 =	vld [tilespmem:s0+$0x12200];
	[tilespmem:s0+$0x12200] =	vst v2;
	v32 =	vadd.s32 v28, v11;
	v10 =	vadd.s32 v10, v31;
	v29 =	vadd.s32 v17, v27  }
0x19e: {  	v18 =	vmovc v11;
	v21 =	vld [tilespmem:s0+$0x13200];
	[tilespmem:s0+$0x13200] =	vst v2;
	v31 =	vadd.s32 v13, v32;
	v30 =	vadd.s32 v15, v29;
	v14 =	vmov v13  }
0x19f: {  	v11 =	vadd.s32 v22, v31;
	[tilespmem:s1+$0x17200] =	vst v25;
	v13 =	vadd.s32 v16, v30  }
0x1a0: {  	(xrf0) =	vadd.scan.msk.s32 $0xffff, v11;
	[tilespmem:s1+$0x1B200] =	vst v13;
	v17 =	vmov v24  }
0x1a1: {  	v13 =	vadd.s32 v17, v26;
	[tilespmem:s1+$0x16200] =	vst v23;
	v15 =	vmov v26  }
0x1a2: {  	v13 =	vadd.s32 v12, v13;
	[tilespmem:s1+$0x1A200] =	vst v30;
	v16 =	vmov v12  }
0x1a3: {  	v21 =	vadd.s32 v21, v13;
	[tilespmem:s1+$0x15200] =	vst v20  }
0x1a4: {  	(xrf0) =	vadd.scan.msk.s32 $0xffff, v21;
	[tilespmem:s1+$0x19200] =	vst v29  }
.Ltmp6:
0x1a5: {  	[tilespmem:s1+$0x14200] =	vst v19;
	(pc) =	sbr.rel @p0 .LBB2_14-.Ltmp6, $4  }
0x1a6: {  	v13, _, _ =	vpop (xrf0);
	[tilespmem:s1+$0x18200] =	vst v27;
	s1 =	smov.u32 s0;
	s0 =	sshra.s32 s3, $0x2;
	s3 =	smov.u32 s4  }
0x1a7: {  	v12 =	vld [tilespmem:s0+$0xC200];
	[tilespmem:s0+$0xC200] =	vst v2;
	v19 =	vsub.s32 v13, v11;
	v20 =	vperm.xlane v13, v4  }
0x1a8: {  	v11 =	vld [tilespmem:s0+$0xD200];
	[tilespmem:s0+$0xD200] =	vst v2;
	v19 =	vadd.s32 v9, v19  }
0x1a9: {  	s4 =	sadd.s32 $0x40, s4;
	v13 =	vld [tilespmem:s0+$0xE200];
	[tilespmem:s0+$0xE200] =	vst v2;
	v9 =	vadd.s32 v9, v20;
	v20 =	vadd.s32 v28, v19  }
0x1aa: {  	v22 =	vld [tilespmem:s0+$0xF200];
	[tilespmem:s0+$0xF200] =	vst v2  }
0x1ab: {  	v23 =	vld [tilespmem:s0+$0x10200];
	[tilespmem:s0+$0x10200] =	vst v2  }
0x1ac: {  	v24 =	vld [tilespmem:s0+$0x11200];
	[tilespmem:s0+$0x11200] =	vst v2  }
0x1ad: {  	v26 =	vld [tilespmem:s0+$0x12200];
	[tilespmem:s0+$0x12200] =	vst v2  }
0x1ae: {  	v18 =	vadd.s32 v18, v20;
	v27 =	vld [tilespmem:s0+$0x13200];
	[tilespmem:s0+$0x13200] =	vst v2  }
0x1af: {  	[tilespmem:s1+$0x16200] =	vst v18  }
0x1b0: {  	v25, _, _ =	vpop (xrf0);
	[tilespmem:s1+$0x15200] =	vst v20  }
0x1b1: {  	v21 =	vsub.s32 v25, v21;
	v14 =	vadd.s32 v14, v18;
	[tilespmem:s1+$0x14200] =	vst v19  }
0x1b2: {  	v21 =	vadd.s32 v10, v21;
	[tilespmem:s1+$0x17200] =	vst v14  }
0x1b3: {  	v17 =	vadd.s32 v17, v21;
	[tilespmem:s1+$0x18200] =	vst v21  }
0x1b4: {  	v15 =	vadd.s32 v15, v17;
	[tilespmem:s1+$0x19200] =	vst v17  }
0x1b5: {  	v14 =	vadd.s32 v16, v15;
	[tilespmem:s1+$0x1A200] =	vst v15  }
0x1b6: {  	s3 =	sshra.s32 s3, $0x2;
	[tilespmem:s1+$0x1B200] =	vst v14  }
0x1b7: {  	v16 =	vadd.s32 v12, v11;
	v14 =	vld [tilespmem:s3+$0xC200]  }
0x1b8: {  	v16 =	vadd.s32 v13, v16;
	v15 =	vld [tilespmem:s3+$0xD200]  }
0x1b9: {  	v18 =	vadd.s32 v23, v24;
	v17 =	vld [tilespmem:s3+$0xE200];
	v16 =	vadd.s32 v22, v16  }
0x1ba: {  	v18 =	vadd.s32 v26, v18;
	v19 =	vld [tilespmem:s3+$0xF200];
	(xrf0) =	vadd.scan.msk.s32 $0xffff, v16  }
0x1bb: {  	v20 =	vld [tilespmem:s3+$0x10200];
	v18 =	vadd.s32 v27, v18;
	[tilespmem:s3+$0xC200] =	vst v2  }
0x1bc: {  	v21 =	vld [tilespmem:s3+$0x11200];
	[tilespmem:s3+$0xD200] =	vst v2;
	(xrf0) =	vadd.scan.msk.s32 $0xffff, v18  }
0x1bd: {  	v60 =	vld [tilespmem:s3+$0x12200];
	[tilespmem:s3+$0xE200] =	vst v2  }
0x1be: {  	v25 =	vperm.xlane v25, v4;
	v61 =	vld [tilespmem:s3+$0x13200];
	[tilespmem:s3+$0xF200] =	vst v2  }
0x1bf: {  	[tilespmem:s3+$0x10200] =	vst v2;
	v28 =	vadd.s32 v14, v15  }
0x1c0: {  	v10 =	vadd.s32 v10, v25;
	[tilespmem:s3+$0x11200] =	vst v2;
	v28 =	vadd.s32 v17, v28;
	v62, _, _ =	vpop (xrf0)  }
0x1c1: {  	[tilespmem:s3+$0x12200] =	vst v2;
	v29 =	vadd.s32 v20, v21;
	v19 =	vadd.s32 v19, v28;
	v16 =	vsub.s32 v62, v16  }
0x1c2: {  	[tilespmem:s3+$0x13200] =	vst v2;
	v29 =	vadd.s32 v60, v29;
	v63, _, _ =	vpop (xrf0);
	(xrf0) =	vadd.scan.msk.s32 $0xffff, v19;
	v16 =	vadd.s32 v9, v16  }
0x1c3: {  	v27 =	vadd.s32 v61, v29;
	v18 =	vsub.s32 v63, v18;
	v12 =	vadd.s32 v12, v16;
	[tilespmem:s0+$0x14200] =	vst v16  }
0x1c4: {  	(xrf0) =	vadd.scan.msk.s32 $0xffff, v27;
	v18 =	vadd.s32 v10, v18;
	[tilespmem:s0+$0x15200] =	vst v12  }
0x1c5: {  	v11 =	vadd.s32 v11, v12;
	[tilespmem:s0+$0x18200] =	vst v18  }
0x1c6: {  	v23 =	vadd.s32 v23, v18;
	[tilespmem:s0+$0x16200] =	vst v11  }
0x1c7: {  	v25 =	vperm.xlane v62, v4;
	v13 =	vadd.s32 v13, v11;
	v24 =	vadd.s32 v24, v23;
	[tilespmem:s0+$0x19200] =	vst v23  }
0x1c8: {  	[tilespmem:s0+$0x17200] =	vst v13;
	v13 =	vadd.s32 v26, v24;
	v11, _, _ =	vpop (xrf0)  }
0x1c9: {  	v9 =	vadd.s32 v9, v25;
	[tilespmem:s0+$0x1B200] =	vst v13;
	v13 =	vperm.xlane v63, v4;
	v11 =	vsub.s32 v11, v19  }
0x1ca: {  	[tilespmem:s0+$0x1A200] =	vst v24;
	v19, _, _ =	vpop (xrf0);
	v9 =	vadd.s32 v9, v11  }
0x1cb: {  	v10 =	vadd.s32 v10, v13;
	v11 =	vsub.s32 v19, v27;
	v12 =	vadd.s32 v14, v9;
	[tilespmem:s3+$0x14200] =	vst v9  }
0x1cc: {  	v10 =	vadd.s32 v10, v11;
	[tilespmem:s3+$0x15200] =	vst v12  }
0x1cd: {  	v11 =	vadd.s32 v15, v12;
	[tilespmem:s3+$0x18200] =	vst v10  }
0x1ce: {  	v13 =	vadd.s32 v20, v10;
	[tilespmem:s3+$0x16200] =	vst v11  }
0x1cf: {  	v14 =	vadd.s32 v17, v11;
	[tilespmem:s3+$0x19200] =	vst v13  }
0x1d0: {  	v15 =	vadd.s32 v21, v13;
	[tilespmem:s3+$0x17200] =	vst v14  }
0x1d1: {  	v14 =	vadd.s32 v60, v15;
	[tilespmem:s3+$0x1A200] =	vst v15  }
0x1d2: {  	[tilespmem:s3+$0x1B200] =	vst v14  }
0x1d3: {  	v9 =	vld.idx.msk [tilespmem:v1+s14+$0x0], $0xffff  }
0x1d4: {  	v11 =	vld.idx.msk [tilespmem:v5+s14+$0x0], $0xffff  }
0x1d5: {  	v10 =	vld.idx.msk [tilespmem:v6+s14+$0x0], $0xffff  }
0x1d6: {  	v12 =	vld.idx.msk [tilespmem:v7+s14+$0x0], $0xffff  }
0x1d7: {  	v14 =	vld.idx.msk [tilespmem:v1+s15+$0x0], $0xffff  }
0x1d8: {  	v13 =	vld.idx.msk [tilespmem:v5+s15+$0x0], $0xffff  }
0x1d9: {  	v16 =	vld.idx.msk [tilespmem:v6+s15+$0x0], $0xffff  }
0x1da: {  	s0 =	simm.s32 $0x81;
	v15 =	vld.idx.msk [tilespmem:v7+s15+$0x0], $0xffff  }
.LBB2_16:
0x1db: {  	v17 =	vshrl.u32 v9, $0xC  }
0x1dc: {  	v18 =	vshrl.u32 v11, $0xC;
	v17 =	vand.u32 $0xFF0, v17  }
0x1dd: {  	v19 =	vshrl.u32 v10, $0xC;
	v18 =	vand.u32 $0xFF0, v18;
	v17 =	vor.u32 v0, v17  }
0x1de: {  	v20 =	vshrl.u32 v12, $0xC;
	v19 =	vand.u32 $0xFF0, v19;
	v18 =	vor.u32 v0, v18  }
0x1df: {  	v21 =	vshrl.u32 v14, $0xC;
	v20 =	vand.u32 $0xFF0, v20;
	v19 =	vor.u32 v0, v19  }
0x1e0: {  	v22 =	vshrl.u32 v13, $0xC;
	v21 =	vand.u32 $0xFF0, v21;
	v20 =	vor.u32 v0, v20  }
0x1e1: {  	v23 =	vshrl.u32 v16, $0xC;
	v22 =	vand.u32 $0xFF0, v22;
	v21 =	vor.u32 v0, v21  }
0x1e2: {  	v24 =	vshrl.u32 v15, $0xC;
	v23 =	vand.u32 $0xFF0, v23;
	v22 =	vor.u32 v0, v22;
	v25 =	vld.idx.msk [tilespmem:v17+s16+$0x0], $0xffff  }
0x1e3: {  	v24 =	vand.u32 $0xFF0, v24;
	v23 =	vor.u32 v0, v23;
	v26 =	vld.idx.msk [tilespmem:v18+s17+$0x0], $0xffff  }
0x1e4: {  	v24 =	vor.u32 v0, v24;
	v27 =	vld.idx.msk [tilespmem:v19+s18+$0x0], $0xffff  }
0x1e5: {  	v28 =	vld.idx.msk [tilespmem:v20+s19+$0x0], $0xffff  }
0x1e6: {  	v29 =	vld.idx.msk [tilespmem:v21+s20+$0x0], $0xffff  }
0x1e7: {  	v30 =	vld.idx.msk [tilespmem:v22+s21+$0x0], $0xffff;
	v31 =	vshrl.u32 v25, $0x9  }
0x1e8: {  	v32 =	vld.idx.msk [tilespmem:v23+s22+$0x0], $0xffff;
	v33 =	vshrl.u32 v26, $0x9;
	v34 =	vadd.s32 v25, v31  }
0x1e9: {  	v35 =	vld.idx.msk [tilespmem:v24+s23+$0x0], $0xffff;
	v36 =	vshrl.u32 v27, $0x9;
	v37 =	vadd.s32 v26, v33  }
0x1ea: {  	v38 =	vshrl.u32 v28, $0x9;
	v39 =	vadd.s32 v27, v36  }
0x1eb: {  	v40 =	vshrl.u32 v29, $0x9;
	v41 =	vadd.s32 v28, v38  }
0x1ec: {  	v42 =	vshrl.u32 v30, $0x9;
	v43 =	vadd.s32 v29, v40  }
0x1ed: {  	v44 =	vshrl.u32 v32, $0x9;
	v45 =	vadd.s32 v30, v42;
	[tilespmem:v34+s24+$0x0] =	vst.idx.msk $0xffff, v9  }
0x1ee: {  	v62 =	vshrl.u32 v35, $0x9;
	v46 =	vadd.s32 v32, v44;
	v25 =	vshll.u32 v25, $0x5;
	[tilespmem:v37+s24+$0x0] =	vst.idx.msk $0xffff, v11  }
0x1ef: {  	v63 =	vadd.s32 v35, v62;
	v26 =	vshll.u32 v26, $0x5;
	v27 =	vshll.u32 v27, $0x5;
	[tilespmem:v39+s24+$0x0] =	vst.idx.msk $0xffff, v10  }
0x1f0: {  	v28 =	vshll.u32 v28, $0x5;
	v29 =	vshll.u32 v29, $0x5;
	v30 =	vshll.u32 v30, $0x5;
	[tilespmem:v41+s24+$0x0] =	vst.idx.msk $0xffff, v12  }
0x1f1: {  	v32 =	vshll.u32 v32, $0x5;
	v35 =	vshll.u32 v35, $0x5;
	v25 =	vand.u32 $0x3000, v25;
	[tilespmem:v43+s25+$0x0] =	vst.idx.msk $0xffff, v14  }
0x1f2: {  	v26 =	vand.u32 $0x3000, v26;
	v27 =	vand.u32 $0x3000, v27;
	v28 =	vand.u32 $0x3000, v28;
	[tilespmem:v45+s25+$0x0] =	vst.idx.msk $0xffff, v13  }
0x1f3: {  	v29 =	vand.u32 $0x3000, v29;
	v30 =	vand.u32 $0x3000, v30;
	v32 =	vand.u32 $0x3000, v32;
	[tilespmem:v46+s25+$0x0] =	vst.idx.msk $0xffff, v16  }
0x1f4: {  	v35 =	vand.u32 $0x3000, v35;
	v9 =	vshrl.u32 v9, $0x14;
	v11 =	vshrl.u32 v11, $0x14;
	[tilespmem:v63+s25+$0x0] =	vst.idx.msk $0xffff, v15  }
0x1f5: {  	v9 =	vand.u32 $0xFF0, v9;
	v10 =	vshrl.u32 v10, $0x14;
	v11 =	vand.u32 $0xFF0, v11;
	[tilespmem:v17+s16+$0x0] =	vst.idx.add.s32.msk $0xffff, v3  }
0x1f6: {  	v9 =	vor.u32 v25, v9;
	v12 =	vshrl.u32 v12, $0x14;
	v10 =	vand.u32 $0xFF0, v10;
	[tilespmem:v18+s17+$0x0] =	vst.idx.add.s32.msk $0xffff, v3  }
0x1f7: {  	v9 =	vor.u32 v31, v9;
	v11 =	vor.u32 v26, v11;
	v14 =	vshrl.u32 v14, $0x14;
	[tilespmem:v19+s18+$0x0] =	vst.idx.add.s32.msk $0xffff, v3  }
0x1f8: {  	v12 =	vand.u32 $0xFF0, v12;
	v11 =	vor.u32 v33, v11;
	v10 =	vor.u32 v27, v10;
	[tilespmem:v20+s19+$0x0] =	vst.idx.add.s32.msk $0xffff, v3  }
0x1f9: {  	v13 =	vshrl.u32 v13, $0x14;
	v14 =	vand.u32 $0xFF0, v14;
	v10 =	vor.u32 v36, v10;
	[tilespmem:v21+s20+$0x0] =	vst.idx.add.s32.msk $0xffff, v3  }
0x1fa: {  	v12 =	vor.u32 v28, v12;
	v16 =	vshrl.u32 v16, $0x14;
	v13 =	vand.u32 $0xFF0, v13;
	[tilespmem:v22+s21+$0x0] =	vst.idx.add.s32.msk $0xffff, v3  }
0x1fb: {  	v12 =	vor.u32 v38, v12;
	v14 =	vor.u32 v29, v14;
	v15 =	vshrl.u32 v15, $0x14;
	[tilespmem:v23+s22+$0x0] =	vst.idx.add.s32.msk $0xffff, v3  }
0x1fc: {  	v16 =	vand.u32 $0xFF0, v16;
	v14 =	vor.u32 v40, v14;
	v13 =	vor.u32 v30, v13;
	[tilespmem:v24+s23+$0x0] =	vst.idx.add.s32.msk $0xffff, v3  }
0x1fd: {  	v15 =	vand.u32 $0xFF0, v15;
	v13 =	vor.u32 v42, v13;
	v16 =	vor.u32 v32, v16;
	[tilespmem:v9+s12+$0x0] =	vst.idx.add.s32.msk $0xffff, v3  }
0x1fe: {  	v15 =	vor.u32 v35, v15;
	v9 =	vor.u32 v44, v16;
	[tilespmem:v11+s12+$0x0] =	vst.idx.add.s32.msk $0xffff, v3  }
0x1ff: {  	s1 =	sadd.s32 $0xFFFFFF80, s0;
	v11 =	vor.u32 v62, v15;
	[tilespmem:v10+s12+$0x0] =	vst.idx.add.s32.msk $0xffff, v3  }
0x200: {  	v15 =	vadd.s32 s1, v1;
	[tilespmem:v12+s12+$0x0] =	vst.idx.add.s32.msk $0xffff, v3  }
0x201: {  	s30 =	sadd.s32 $0x80, s0;
	v16 =	vadd.s32 s0, v1;
	[tilespmem:v14+s13+$0x0] =	vst.idx.add.s32.msk $0xffff, v3  }
0x202: {  	s31 =	sadd.s32 $0x100, s0;
	v17 =	vadd.s32 s30, v1;
	[tilespmem:v13+s13+$0x0] =	vst.idx.add.s32.msk $0xffff, v3  }
0x203: {  	v18 =	vadd.s32 s31, v1;
	[tilespmem:v9+s13+$0x0] =	vst.idx.add.s32.msk $0xffff, v3  }
0x204: {  	[tilespmem:v11+s13+$0x0] =	vst.idx.add.s32.msk $0xffff, v3  }
0x205: {  	v9 =	vld.idx.msk [tilespmem:v15+s14+$0x0], $0xffff  }
0x206: {  	v11 =	vld.idx.msk [tilespmem:v16+s14+$0x0], $0xffff  }
0x207: {  	p0 =	sne.s32 s0, $0x100;
	v10 =	vld.idx.msk [tilespmem:v17+s14+$0x0], $0xffff  }
.Ltmp7:
0x208: {  	v12 =	vld.idx.msk [tilespmem:v18+s14+$0x0], $0xffff;
	(pc) =	sbr.rel @p0 .LBB2_16-.Ltmp7, $4  }
0x209: {  	v14 =	vld.idx.msk [tilespmem:v15+s15+$0x0], $0xffff  }
0x20a: {  	v13 =	vld.idx.msk [tilespmem:v16+s15+$0x0], $0xffff  }
0x20b: {  	v16 =	vld.idx.msk [tilespmem:v17+s15+$0x0], $0xffff  }
0x20c: {  	s0 =	sadd.s32 $0x1, s0;
	v15 =	vld.idx.msk [tilespmem:v18+s15+$0x0], $0xffff  }
0x20d: {  	s1 =	simm.s32 $0x0  }
0x20e: {  	v23 =	vld [tilespmem:s1+$0x10200]  }
0x20f: {  	v18 =	vld [tilespmem:s1+$0x11200]  }
0x210: {  	v19 =	vld [tilespmem:s1+$0x12200]  }
0x211: {  	v9 =	vld [tilespmem:s1+$0x13200];
	_ =	sdelay $0x1  }
0x212: {  	v14 =	vld [tilespmem:s1+$0xC200]  }
0x213: {  	v12 =	vld [tilespmem:s1+$0xD200];
	v10 =	vadd.s32 v23, v18  }
0x214: {  	v13 =	vld [tilespmem:s1+$0xE200];
	v10 =	vadd.s32 v19, v10  }
0x215: {  	s0 =	simm.s32 $0x10;
	v11 =	vld [tilespmem:s1+$0xF200];
	v17 =	vadd.s32 v9, v10  }
0x216: {  	v20 =	vld [tilespmem:s0+$0x10200];
	(xrf0) =	vadd.scan.msk.s32 $0xffff, v17  }
0x217: {  	v10 =	vld [tilespmem:s0+$0x11200]  }
0x218: {  	v21 =	vld [tilespmem:s0+$0x12200];
	v15 =	vadd.s32 v14, v12  }
0x219: {  	v22 =	vld [tilespmem:s0+$0x13200];
	v25 =	vadd.s32 v13, v15  }
0x21a: {  	v16 =	vld [tilespmem:s0+$0xC200];
	v25 =	vadd.s32 v11, v25  }
0x21b: {  	v15 =	vld [tilespmem:s0+$0xD200];
	(xrf0) =	vadd.scan.msk.s32 $0xffff, v25  }
0x21c: {  	v26 =	vadd.s32 v20, v10;
	v24, _, _ =	vpop (xrf0)  }
0x21d: {  	v9 =	vimm.s32 $0x0;
	v11 =	vld [tilespmem:s0+$0xE200];
	v27 =	vadd.s32 v21, v26;
	v17 =	vsub.s32 v24, v17  }
0x21e: {  	s3 =	simm.s32 $0x20;
	v26 =	vld [tilespmem:s0+$0xF200];
	v22 =	vadd.s32 v22, v27;
	v27 =	vadd.s32 v9, v17  }
0x21f: {  	s4 =	simm.s32 $0xC0;
	(xrf0) =	vadd.scan.msk.s32 $0xffff, v22;
	v17 =	vld [tilespmem:s3+$0x10200];
	v28 =	vadd.s32 v23, v27;
	v23 =	vimm.s32 $0x0  }
.LBB2_18:
0x220: {  	v29 =	vadd.s32 v16, v15;
	[tilespmem:s1+$0x19200] =	vst v28;
	v28 =	vadd.s32 v18, v28  }
0x221: {  	p0 =	sne.s32 s4, $0x3FC0;
	v30, _, _ =	vpop (xrf0);
	v18 =	vmov v10;
	v10 =	vld [tilespmem:s3+$0x11200];
	v31 =	vmov v15;
	v32 =	vmov v20;
	s5 =	smov.u32 s3  }
0x222: {  	v33 =	vld [tilespmem:s5+$0x12200];
	v15 =	vadd.s32 v11, v29;
	v35 =	vperm.xlane v30, v4;
	[tilespmem:s1+$0x1A200] =	vst v28;
	v34 =	vadd.s32 v19, v28  }
0x223: {  	v29 =	vsub.s32 v30, v25;
	v19 =	vmovc v21;
	v30 =	vmov v11;
	v28 =	vld [tilespmem:s5+$0x13200];
	v25 =	vadd.s32 v26, v15;
	[tilespmem:s1+$0x1B200] =	vst v34  }
0x224: {  	v11 =	vadd.s32 v9, v29;
	v34 =	vld [tilespmem:s5+$0xC200];
	(xrf0) =	vadd.scan.msk.s32 $0xffff, v25;
	v9 =	vadd.s32 v9, v35;
	[tilespmem:s1+$0x18200] =	vst v27  }
.Ltmp8:
0x225: {  	v29 =	vperm.xlane v24, v4;
	v26 =	vadd.s32 v14, v11;
	v14 =	vmovc v16;
	v15 =	vld [tilespmem:s5+$0xD200];
	[tilespmem:s1+$0x14200] =	vst v11;
	v20 =	vmov v17;
	(pc) =	sbr.rel @p0 .LBB2_18-.Ltmp8, $4  }
0x226: {  	v17 =	vadd.s32 v12, v26;
	v12 =	vmov v31;
	v11 =	vld [tilespmem:s5+$0xE200];
	v16 =	vadd.s32 v20, v10;
	v24, _, _ =	vpop (xrf0);
	[tilespmem:s1+$0x15200] =	vst v26  }
0x227: {  	v23 =	vadd.s32 v23, v29;
	v26 =	vld [tilespmem:s5+$0xF200];
	v31 =	vadd.s32 v33, v16;
	v27 =	vsub.s32 v24, v22;
	[tilespmem:s1+$0x16200] =	vst v17  }
0x228: {  	s3 =	sshra.s32 s4, $0x2;
	v29 =	vadd.s32 v13, v17;
	v21 =	vmovc v33;
	v22 =	vadd.s32 v28, v31;
	v27 =	vadd.s32 v23, v27  }
0x229: {  	s4 =	sadd.s32 $0x40, s4;
	v13 =	vmovc v30;
	v17 =	vld [tilespmem:s3+$0x10200];
	(xrf0) =	vadd.scan.msk.s32 $0xffff, v22;
	v28 =	vadd.s32 v32, v27;
	[tilespmem:s1+$0x17200] =	vst v29;
	v16 =	vmov v34;
	s1 =	smov.u32 s0;
	s0 =	smov.u32 s5  }
0x22a: {  	v29 =	vld [tilespmem:s3+$0x11200];
	[tilespmem:s1+$0x19200] =	vst v28;
	v18 =	vadd.s32 v18, v28  }
0x22b: {  	v58 =	vld [tilespmem:s3+$0x12200];
	[tilespmem:s1+$0x1A200] =	vst v18;
	v18 =	vadd.s32 v19, v18;
	_ =	sdelay $0x2  }
0x22c: {  	v31 =	vadd.s32 v16, v15;
	v24 =	vperm.xlane v24, v4;
	v19 =	vld [tilespmem:s3+$0x13200];
	[tilespmem:s1+$0x1B200] =	vst v18;
	v18, _, _ =	vpop (xrf0)  }
0x22d: {  	v59 =	vadd.s32 v11, v31;
	v25 =	vsub.s32 v18, v25  }
0x22e: {  	v26 =	vadd.s32 v26, v59;
	v23 =	vadd.s32 v23, v24;
	v30 =	vld [tilespmem:s3+$0xC200];
	[tilespmem:s1+$0x18200] =	vst v27;
	v25 =	vadd.s32 v9, v25  }
0x22f: {  	v60 =	vld [tilespmem:s3+$0xD200];
	(xrf0) =	vadd.scan.msk.s32 $0xffff, v26;
	v62 =	vadd.s32 v17, v29;
	v32, _, _ =	vpop (xrf0);
	[tilespmem:s1+$0x14200] =	vst v25;
	v14 =	vadd.s32 v14, v25  }
0x230: {  	v22 =	vsub.s32 v32, v22;
	v61 =	vld [tilespmem:s3+$0xE200];
	[tilespmem:s1+$0x15200] =	vst v14;
	v12 =	vadd.s32 v12, v14;
	v14 =	vadd.s32 v58, v62  }
0x231: {  	v63 =	vld [tilespmem:s3+$0xF200];
	v14 =	vadd.s32 v19, v14;
	v19 =	vadd.s32 v23, v22  }
0x232: {  	[tilespmem:s1+$0x16200] =	vst v12;
	v12 =	vadd.s32 v13, v12;
	(xrf0) =	vadd.scan.msk.s32 $0xffff, v14;
	v13 =	vadd.s32 v20, v19  }
0x233: {  	[tilespmem:s1+$0x17200] =	vst v12  }
0x234: {  	v12 =	vperm.xlane v18, v4;
	v18 =	vadd.s32 v30, v60;
	[tilespmem:s0+$0x19200] =	vst v13;
	v10 =	vadd.s32 v10, v13  }
0x235: {  	[tilespmem:s0+$0x1A200] =	vst v10;
	v10 =	vadd.s32 v21, v10;
	v13, _, _ =	vpop (xrf0);
	v18 =	vadd.s32 v61, v18  }
0x236: {  	[tilespmem:s0+$0x18200] =	vst v19;
	v9 =	vadd.s32 v9, v12;
	v12 =	vadd.s32 v63, v18;
	v18 =	vsub.s32 v13, v26  }
0x237: {  	[tilespmem:s0+$0x1B200] =	vst v10;
	(xrf0) =	vadd.scan.msk.s32 $0xffff, v12;
	v10 =	vadd.s32 v9, v18;
	v18 =	vperm.xlane v32, v4  }
0x238: {  	[tilespmem:s0+$0x14200] =	vst v10;
	v10 =	vadd.s32 v16, v10;
	v16, _, _ =	vpop (xrf0)  }
0x239: {  	[tilespmem:s0+$0x15200] =	vst v10;
	v10 =	vadd.s32 v15, v10;
	v14 =	vsub.s32 v16, v14;
	v15 =	vadd.s32 v23, v18  }
0x23a: {  	[tilespmem:s0+$0x16200] =	vst v10;
	v14 =	vadd.s32 v15, v14;
	v10 =	vadd.s32 v11, v10  }
0x23b: {  	v11 =	vadd.s32 v17, v14;
	[tilespmem:s0+$0x17200] =	vst v10  }
0x23c: {  	v10 =	vperm.xlane v13, v4;
	[tilespmem:s3+$0x19200] =	vst v11  }
0x23d: {  	v11 =	vadd.s32 v29, v11;
	[tilespmem:s3+$0x18200] =	vst v14;
	v13, _, _ =	vpop (xrf0)  }
0x23e: {  	[tilespmem:s3+$0x1A200] =	vst v11;
	v11 =	vadd.s32 v58, v11;
	v9 =	vadd.s32 v9, v10;
	v10 =	vsub.s32 v13, v12  }
0x23f: {  	[tilespmem:s3+$0x1B200] =	vst v11;
	v9 =	vadd.s32 v9, v10  }
0x240: {  	[tilespmem:s3+$0x14200] =	vst v9;
	v9 =	vadd.s32 v30, v9  }
0x241: {  	[tilespmem:s3+$0x15200] =	vst v9;
	v9 =	vadd.s32 v60, v9  }
0x242: {  	[tilespmem:s3+$0x16200] =	vst v9;
	v9 =	vadd.s32 v61, v9  }
0x243: {  	[tilespmem:s3+$0x17200] =	vst v9  }
0x244: {  	v16 =	vld.idx.msk [tilespmem:v1+s24+$0x0], $0xffff  }
0x245: {  	v15 =	vld.idx.msk [tilespmem:v5+s24+$0x0], $0xffff  }
0x246: {  	v14 =	vld.idx.msk [tilespmem:v6+s24+$0x0], $0xffff  }
0x247: {  	v13 =	vld.idx.msk [tilespmem:v7+s24+$0x0], $0xffff  }
0x248: {  	v12 =	vld.idx.msk [tilespmem:v1+s25+$0x0], $0xffff  }
0x249: {  	v11 =	vld.idx.msk [tilespmem:v5+s25+$0x0], $0xffff  }
0x24a: {  	v9 =	vld.idx.msk [tilespmem:v6+s25+$0x0], $0xffff  }
0x24b: {  	s0 =	simm.s32 $0x81;
	v10 =	vld.idx.msk [tilespmem:v7+s25+$0x0], $0xffff  }
.LBB2_20:
0x24c: {  	v17 =	vshrl.u32 v16, $0x14  }
0x24d: {  	v18 =	vshrl.u32 v15, $0x14;
	v17 =	vand.u32 $0xFF0, v17  }
0x24e: {  	v19 =	vshrl.u32 v14, $0x14;
	v18 =	vand.u32 $0xFF0, v18;
	v17 =	vor.u32 v0, v17  }
0x24f: {  	v20 =	vshrl.u32 v13, $0x14;
	v19 =	vand.u32 $0xFF0, v19;
	v18 =	vor.u32 v0, v18  }
0x250: {  	v21 =	vshrl.u32 v12, $0x14;
	v20 =	vand.u32 $0xFF0, v20;
	v19 =	vor.u32 v0, v19  }
0x251: {  	v22 =	vshrl.u32 v11, $0x14;
	v21 =	vand.u32 $0xFF0, v21;
	v20 =	vor.u32 v0, v20  }
0x252: {  	v23 =	vshrl.u32 v9, $0x14;
	v22 =	vand.u32 $0xFF0, v22;
	v21 =	vor.u32 v0, v21  }
0x253: {  	v24 =	vshrl.u32 v10, $0x14;
	v23 =	vand.u32 $0xFF0, v23;
	v22 =	vor.u32 v0, v22;
	v25 =	vld.idx.msk [tilespmem:v17+s16+$0x0], $0xffff  }
0x254: {  	v24 =	vand.u32 $0xFF0, v24;
	v23 =	vor.u32 v0, v23;
	v26 =	vld.idx.msk [tilespmem:v18+s17+$0x0], $0xffff  }
0x255: {  	v24 =	vor.u32 v0, v24;
	v27 =	vld.idx.msk [tilespmem:v19+s18+$0x0], $0xffff  }
0x256: {  	v28 =	vld.idx.msk [tilespmem:v20+s19+$0x0], $0xffff  }
0x257: {  	v29 =	vld.idx.msk [tilespmem:v21+s20+$0x0], $0xffff  }
0x258: {  	vm0 =	vgt.s32 v16, $0xFFFFFFFF;
	v30 =	vld.idx.msk [tilespmem:v22+s21+$0x0], $0xffff  }
0x259: {  	vm9 =	vgt.s32 v15, $0xFFFFFFFF;
	v32 =	vsel vm0, $0xFFFFFFFF, v8;
	v31 =	vld.idx.msk [tilespmem:v23+s22+$0x0], $0xffff  }
0x25a: {  	vm10 =	vgt.s32 v14, $0xFFFFFFFF;
	v34 =	vsel vm9, $0xFFFFFFFF, v8;
	v16 =	vxor.u32 v16, v32;
	v33 =	vld.idx.msk [tilespmem:v24+s23+$0x0], $0xffff  }
0x25b: {  	vm11 =	vgt.s32 v13, $0xFFFFFFFF;
	v63 =	vsel vm10, $0xFFFFFFFF, v8;
	v15 =	vxor.u32 v15, v34;
	[tilespmem:v25+s2+$0x0] =	vst.idx.msk $0xffff, v16  }
0x25c: {  	vm12 =	vgt.s32 v12, $0xFFFFFFFF;
	v14 =	vxor.u32 v14, v63;
	v16 =	vsel vm11, $0xFFFFFFFF, v8;
	[tilespmem:v26+s2+$0x0] =	vst.idx.msk $0xffff, v15  }
0x25d: {  	vm13 =	vgt.s32 v11, $0xFFFFFFFF;
	v15 =	vsel vm12, $0xFFFFFFFF, v8;
	v13 =	vxor.u32 v13, v16;
	[tilespmem:v27+s2+$0x0] =	vst.idx.msk $0xffff, v14  }
0x25e: {  	vm14 =	vgt.s32 v9, $0xFFFFFFFF;
	v14 =	vsel vm13, $0xFFFFFFFF, v8;
	v12 =	vxor.u32 v12, v15;
	[tilespmem:v28+s2+$0x0] =	vst.idx.msk $0xffff, v13  }
0x25f: {  	vm15 =	vgt.s32 v10, $0xFFFFFFFF;
	v13 =	vsel vm14, $0xFFFFFFFF, v8;
	v11 =	vxor.u32 v11, v14;
	[tilespmem:v29+s10+$0x0] =	vst.idx.msk $0xffff, v12  }
0x260: {  	v12 =	vsel vm15, $0xFFFFFFFF, v8;
	v9 =	vxor.u32 v9, v13;
	[tilespmem:v30+s10+$0x0] =	vst.idx.msk $0xffff, v11  }
0x261: {  	v10 =	vxor.u32 v10, v12;
	[tilespmem:v31+s10+$0x0] =	vst.idx.msk $0xffff, v9  }
0x262: {  	[tilespmem:v33+s10+$0x0] =	vst.idx.msk $0xffff, v10  }
0x263: {  	[tilespmem:v17+s16+$0x0] =	vst.idx.add.s32.msk $0xffff, v3  }
0x264: {  	[tilespmem:v18+s17+$0x0] =	vst.idx.add.s32.msk $0xffff, v3  }
0x265: {  	s1 =	sadd.s32 $0xFFFFFF80, s0;
	[tilespmem:v19+s18+$0x0] =	vst.idx.add.s32.msk $0xffff, v3  }
0x266: {  	v9 =	vadd.s32 s1, v1;
	[tilespmem:v20+s19+$0x0] =	vst.idx.add.s32.msk $0xffff, v3  }
0x267: {  	s30 =	sadd.s32 $0x80, s0;
	v10 =	vadd.s32 s0, v1;
	[tilespmem:v21+s20+$0x0] =	vst.idx.add.s32.msk $0xffff, v3  }
0x268: {  	s31 =	sadd.s32 $0x100, s0;
	v17 =	vadd.s32 s30, v1;
	[tilespmem:v22+s21+$0x0] =	vst.idx.add.s32.msk $0xffff, v3  }
0x269: {  	v18 =	vadd.s32 s31, v1;
	[tilespmem:v23+s22+$0x0] =	vst.idx.add.s32.msk $0xffff, v3  }
0x26a: {  	[tilespmem:v24+s23+$0x0] =	vst.idx.add.s32.msk $0xffff, v3  }
0x26b: {  	v16 =	vld.idx.msk [tilespmem:v9+s24+$0x0], $0xffff  }
0x26c: {  	v15 =	vld.idx.msk [tilespmem:v10+s24+$0x0], $0xffff  }
0x26d: {  	p0 =	sne.s32 s0, $0x100;
	v14 =	vld.idx.msk [tilespmem:v17+s24+$0x0], $0xffff  }
.Ltmp9:
0x26e: {  	v13 =	vld.idx.msk [tilespmem:v18+s24+$0x0], $0xffff;
	(pc) =	sbr.rel @p0 .LBB2_20-.Ltmp9, $4  }
0x26f: {  	v12 =	vld.idx.msk [tilespmem:v9+s25+$0x0], $0xffff  }
0x270: {  	v11 =	vld.idx.msk [tilespmem:v10+s25+$0x0], $0xffff  }
0x271: {  	v9 =	vld.idx.msk [tilespmem:v17+s25+$0x0], $0xffff  }
0x272: {  	s0 =	sadd.s32 $0x1, s0;
	v10 =	vld.idx.msk [tilespmem:v18+s25+$0x0], $0xffff  }
0x273: {  	s0 =	rddreg [dreg:$0x5];
	s1 =	simm.s32 $0x80;
	s3 =	simm.s32 $0x400  }
0x274: {  	[hbm4b:s0+s1] =	stream.strided.scatter [tilespmem:s2], [sflag:$0x1], $0x2000, s3, s1, $0x38;
	[tilespmem:$0x1C200] =	vst v63  }
0x275: {  	s29 =	rddreg [dreg:$0x6];
	s30 =	simm.s32 $0x1  }
0x276: {  	[hbm4b:s29+s1] =	stream.strided.scatter [tilespmem:s10], [sflag:$0x2], $0x2000, s3, s1, $0x38;
	[tilespmem:$0x1C200] =	vst v63  }
0x277: {  	_ =	swait.ge [sflag:s30], $0x2000  }
0x278: {  	[sflag:s30] =	ssyncset.done $0x0  }
0x279: {  	s4 =	simm.s32 $0x2;
	[sflag:s30] =	ssyncadd.s32 $0xFFFFE000  }
0x27a: {  	_ =	swait.ge [sflag:s4], $0x2000  }
0x27b: {  	s5 =	rddreg [dreg:$0x8]  }
0x27c: {  	s31 =	rddreg [dreg:$0x7];
	s5 =	sadd.s32 $0x1, s5  }
0x27d: {  	p0 =	sne.s32 s5, s31  }
.Ltmp10:
0x27e: {  	_ = 	snop;
	(pc) =	sbr.rel @p0 .LBB2_1-.Ltmp10, $3  }
0x27f: {  	_ =	sdelay $0x1  }
0x280: {  	[sflag:s4] =	ssyncset.done $0x0  }
0x281: {  	[sflag:s4] =	ssyncadd.s32 $0xFFFFE000  }
0x282: {  	_ =	sfence.sel $0x180000  }
0x283: {  	[bflag:$0x0] =	sbarrier.arrive $0xFFFF  }
0x284: {  	_ =	strace $0x90000047  }
0x285: {  	s0 =	stileid.u32;
	[bflag:$0x2] =	sbarrier.arrive $0xFFFF  }
0x286: {  	p0 =	sne.s32 s0, $0x0;
	s0 =	rddreg [dreg:$0x2]  }
0x287: {  	s0 =	sadd.s32 @!p0 $0x100000, s0  }
0x288: {  	[sflag:s0] =	ssyncadd.tile.s32 @!p0 $0x1;
	_ =	shalt  }
.Lfunc_end2:
_tile_overlayer_lowered:
.L_overlay_start_2:
0x289: {  	(tag) =	ssettag $0x2  }
0x28a: {  	s0 =	rddreg [dreg:$0x0];
	s2 =	stileid.u32  }
0x28b: {  	s1 =	rddreg [dreg:$0x1];
	p0 =	sne.s32 s2, $0x0  }
0x28c: {  	s3 =	rddreg [dreg:$0x2];
	[bflag:$0x3] =	sbarrier.arrive $0xFFFF;
	s2 =	simm.s32 @!p0 $0x1C03  }
0x28d: {  	[timem:s3], [sflag:s2] =	dma.local @!p0 [hbm:s0], s1  }
0x28e: {  	s0 =	simm.s32 @!p0 $0x3  }
0x28f: {  	_ =	swait.ge @!p0 [sflag:s0], s1  }
0x290: {  	s1 =	ssub.s32 @!p0 $0x0, s1;
	[sflag:s0] =	ssyncset.done @!p0 $0x0  }
0x291: {  	[sflag:s0] =	ssyncadd.s32 @!p0 s1  }
0x292: {  	[bflag:$0x3] =	sbarrier.arrive $0xFFFF  }
0x293: {  	_ =	shalt  }

</sc_bundles>
